<compile_context>
chip_gen: v7x
topology: tpu7x:2x2x1
jax: 0.10.2.dev20260603
libtpu: 0.0.44.dev20260713+nightly
codegen_flags: <defaults>
</compile_context>

<pallas_src>
import functools

import jax
import jax.numpy as jnp
from jax import lax
from jax.experimental import pallas as pl
from jax.experimental.pallas import tpu as pltpu
from jax.experimental.pallas import tpu_sc as plsc

_NC = 2
_NS = 16
_CH = 128
_NB = 3
_SNB = 2


def _pack_bf16_pair(m, DP):
    u = jax.lax.bitcast_convert_type(m, jnp.uint32)
    rnd = (u + ((u >> 16) & jnp.uint32(1)) + jnp.uint32(0x7FFF)) \
        & jnp.uint32(0xFFFF0000)
    packed = rnd[:, :DP] | (rnd[:, DP:] >> 16)
    return jax.lax.bitcast_convert_type(packed, jnp.int32)


def _unpack_bf16_pair(p):
    u = jax.lax.bitcast_convert_type(p, jnp.uint32)
    a = jax.lax.bitcast_convert_type(u & jnp.uint32(0xFFFF0000), jnp.float32)
    b = jax.lax.bitcast_convert_type(u << 16, jnp.float32)
    return a, b


def _proj_body(x_ref, wd_ref, ws_ref, pd_ref, ps_ref):
    xb = x_ref[...]
    dp = pd_ref.shape[-1]
    pd_ref[...] = _pack_bf16_pair(
        jnp.dot(xb, wd_ref[...], preferred_element_type=jnp.float32), dp)
    ps_ref[...] = _pack_bf16_pair(
        jnp.dot(xb, ws_ref[...], preferred_element_type=jnp.float32), dp)


def _proj(N, D, BN):
    return pl.pallas_call(
        _proj_body,
        grid=(N // BN,),
        in_specs=[
            pl.BlockSpec((BN, D), lambda i: (i, 0)),
            pl.BlockSpec((D, D), lambda i: (0, 0)),
            pl.BlockSpec((D, D), lambda i: (0, 0)),
        ],
        out_specs=[
            pl.BlockSpec((BN, D // 2), lambda i: (i, 0)),
            pl.BlockSpec((BN, D // 2), lambda i: (i, 0)),
        ],
        out_shape=[
            jax.ShapeDtypeStruct((N, D // 2), jnp.int32),
            jax.ShapeDtypeStruct((N, D // 2), jnp.int32),
        ],
    )


def _sc_gather(N, D, ES, ebase):
    DP = D // 2
    nw = _NC * _NS
    ew = ES // nw
    assert ES % nw == 0 and ew % 8 == 0 and ebase % 8 == 0 and ew >= _CH
    nch = -(-ew // _CH)

    mesh = plsc.VectorSubcoreMesh(core_axis_name="c", subcore_axis_name="s")

    @functools.partial(
        pl.kernel,
        mesh=mesh,
        compiler_params=pltpu.CompilerParams(use_tc_tiling_on_sc=False),
        out_type=[
            jax.ShapeDtypeStruct((ES, DP), jnp.int32),
            jax.ShapeDtypeStruct((ES, DP), jnp.int32),
        ],
        scratch_types=(
            [pltpu.VMEM((_CH,), jnp.int32) for _ in range(2 * _NB)]
            + [pltpu.VMEM((_CH, DP), jnp.int32) for _ in range(2 * _NB)]
            + [pltpu.SemaphoreType.DMA for _ in range(2 * _NB)]
        ),
    )
    def gather_k(pd_hbm, ps_hbm, dst_hbm, src_hbm, gd_hbm, gs_hbm, *scr):
        c = lax.axis_index("c")
        s = lax.axis_index("s")
        wid = s * _NC + c
        base_w = wid * ew
        idxs = scr[:2 * _NB]
        rows = scr[2 * _NB:4 * _NB]
        sems = scr[4 * _NB:]
        bufs = tuple(
            (idxs[2 * b], idxs[2 * b + 1], rows[2 * b], rows[2 * b + 1],
             sems[2 * b], sems[2 * b + 1])
            for b in range(_NB))
        la = _NB - 1

        def off(ch):
            return base_w + jnp.minimum(ch * _CH, ew - _CH)

        def fire(ch, b):
            dstv, srcv, rdv, rsv, gsem, _ = bufs[b]
            o = off(ch)
            pltpu.sync_copy(dst_hbm.at[pl.ds(ebase + o, _CH)], dstv)
            pltpu.sync_copy(src_hbm.at[pl.ds(ebase + o, _CH)], srcv)
            pltpu.async_copy(pd_hbm.at[dstv], rdv, gsem)
            pltpu.async_copy(ps_hbm.at[srcv], rsv, gsem)

        def drain_and_write(ch, b):
            dstv, srcv, rdv, rsv, gsem, wsem = bufs[b]
            o = off(ch)
            pltpu.make_async_copy(pd_hbm.at[dstv], rdv, gsem).wait()
            pltpu.make_async_copy(ps_hbm.at[srcv], rsv, gsem).wait()
            pltpu.async_copy(rdv, gd_hbm.at[pl.ds(o, _CH)], wsem)
            pltpu.async_copy(rsv, gs_hbm.at[pl.ds(o, _CH)], wsem)

        def wait_writes(ch, b):
            _, _, rdv, rsv, _, wsem = bufs[b]
            o = off(ch)
            pltpu.make_async_copy(rdv, gd_hbm.at[pl.ds(o, _CH)], wsem).wait()
            pltpu.make_async_copy(rsv, gs_hbm.at[pl.ds(o, _CH)], wsem).wait()

        for p in range(min(la, nch)):
            fire(p, p)

        @pl.loop(0, _NB * (-(-nch // _NB)), step=_NB)
        def _blk(i):
            for b in range(_NB):
                ch = i + b
                nxt = ch + la
                fb = (b + la) % _NB

                @pl.when(nxt < nch)
                def _():
                    @pl.when(nxt >= _NB)
                    def _():
                        wait_writes(nxt - _NB, fb)
                    fire(nxt, fb)

                @pl.when(ch < nch)
                def _():
                    drain_and_write(ch, b)

        for q in range(max(0, nch - _NB), nch):
            wait_writes(q, q % _NB)

    return gather_k


def _edge_body(gd_ref, gs_ref, ap_ref,
               w1a_ref, w1b_ref, b1a_ref, b1b_ref,
               w2ae_ref, w2be_ref, w2ao_ref, w2bo_ref, w2Ae_ref, w2Ao_ref,
               b2_ref, mev_ref, mod_ref):
    ad, bd = _unpack_bf16_pair(gd_ref[...])
    asrc, bsrc = _unpack_bf16_pair(gs_ref[...])
    ap = ap_ref[...]

    def mm(x, w_ref):
        return jnp.dot(x, w_ref[...], preferred_element_type=jnp.float32)

    ha = jax.nn.silu(ad + asrc + mm(ap, w1a_ref) + b1a_ref[...])
    hb = jax.nn.silu(bd + bsrc + mm(ap, w1b_ref) + b1b_ref[...])
    mev_ref[...] = jax.nn.silu(
        mm(ha, w2ae_ref) + mm(hb, w2be_ref) + mm(ap, w2Ae_ref)
        + b2_ref[...])
    mod_ref[...] = jax.nn.silu(
        mm(ha, w2ao_ref) + mm(hb, w2bo_ref) + mm(ap, w2Ao_ref)
        + b2_ref[...])


def _edge_mlp(ES, D, DA, BE):
    BE2 = BE // 2
    hoff = (ES // 2) // BE2
    full = lambda shape: pl.BlockSpec(shape, lambda i: (0, 0))
    return pl.pallas_call(
        _edge_body,
        grid=(ES // BE,),
        in_specs=[
            pl.BlockSpec((BE2, D), lambda i: (i, 0)),
            pl.BlockSpec((BE2, D), lambda i: (i, 0)),
            pl.BlockSpec((BE2, 4 * DA), lambda i: (i, 0)),
            full((4 * DA, D)), full((4 * DA, D)),
            full((1, D)), full((1, D)),
            full((D, D)), full((D, D)),
            full((D, D)), full((D, D)),
            full((4 * DA, D)), full((4 * DA, D)),
            full((1, D)),
        ],
        out_specs=[
            pl.BlockSpec((BE2, D), lambda i: (i, 0)),
            pl.BlockSpec((BE2, D), lambda i: (i, 0)),
        ],
        out_shape=[
            jax.ShapeDtypeStruct((ES // 2, D), jnp.float32),
            jax.ShapeDtypeStruct((ES // 2, D), jnp.float32),
        ],
    )


def _sc_scatter(N, E, D, K):
    nw = _NC * _NS
    ES = E // K
    ews = ES // nw
    ch_s = 120
    assert E % K == 0 and ES % nw == 0 and ews % 8 == 0 and ch_s % 8 == 0
    nfull = ews // ch_s
    tail = ews - nfull * ch_s
    assert tail % 8 == 0
    npad = -(-N // (8 * _NS)) * (8 * _NS)
    rps = npad // _NS

    mesh = plsc.VectorSubcoreMesh(core_axis_name="c", subcore_axis_name="s")

    scratch = (
        [pltpu.VMEM((ch_s,), jnp.int32) for _ in range(_SNB)]
        + [pltpu.VMEM((ch_s, D), jnp.float32) for _ in range(_SNB)]
        + [pltpu.SemaphoreType.DMA for _ in range(2 * _SNB)]
        + [pltpu.VMEM_SHARED((npad, D), jnp.float32)]
    )
    if tail:
        scratch += [
            pltpu.VMEM((tail,), jnp.int32),
            pltpu.VMEM((tail, D), jnp.float32),
        ]

    @functools.partial(
        pl.kernel,
        mesh=mesh,
        out_type=jax.ShapeDtypeStruct((_NC * npad, D), jnp.float32),
        scratch_types=scratch,
    )
    def scatter_k(*args):
        ms = args[:K]
        dst_hbm, zeros_hbm, out_hbm = args[K:K + 3]
        scr = args[K + 3:]
        c = lax.axis_index("c")
        s = lax.axis_index("s")
        wid = s * _NC + c
        base_w = wid * ews
        idxs = scr[:_SNB]
        mrows = scr[_SNB:2 * _SNB]
        sems = scr[2 * _SNB:4 * _SNB]
        acc = scr[4 * _SNB]
        tl = scr[4 * _SNB + 1:]
        bufs = tuple((idxs[b], mrows[b], sems[2 * b], sems[2 * b + 1])
                     for b in range(_SNB))
        la = _SNB - 1

        pltpu.sync_copy(zeros_hbm.at[pl.ds(s * rps, rps)],
                        acc.at[pl.ds(s * rps, rps)])
        plsc.subcore_barrier()

        def fire_loads(m_hbm, sbase, ch, b):
            dstv, mv, lsem, _ = bufs[b]
            o = base_w + ch * ch_s
            pltpu.async_copy(dst_hbm.at[pl.ds(sbase + o, ch_s)], dstv, lsem)
            pltpu.async_copy(m_hbm.at[pl.ds(o, ch_s)], mv, lsem)

        def fire_scatter(m_hbm, sbase, ch, b):
            dstv, mv, lsem, ssem = bufs[b]
            o = base_w + ch * ch_s
            pltpu.make_async_copy(
                dst_hbm.at[pl.ds(sbase + o, ch_s)], dstv, lsem).wait()
            pltpu.make_async_copy(m_hbm.at[pl.ds(o, ch_s)], mv, lsem).wait()
            pltpu.async_copy(mv, acc.at[dstv], ssem, add=True)

        def wait_scatter(b):
            dstv, mv, _, ssem = bufs[b]
            pltpu.make_async_copy(mv, acc.at[dstv], ssem).wait()

        for k in range(K):
            m_hbm = ms[k]
            sbase = k * ES
            for p in range(min(la, nfull)):
                fire_loads(m_hbm, sbase, p, p)

            @pl.loop(0, _SNB * (-(-nfull // _SNB)), step=_SNB)
            def _blk(i):
                for b in range(_SNB):
                    ch = i + b
                    nxt = ch + la
                    fb = (b + la) % _SNB

                    @pl.when(nxt < nfull)
                    def _():
                        @pl.when(nxt >= _SNB)
                        def _():
                            wait_scatter(fb)
                        fire_loads(m_hbm, sbase, nxt, fb)

                    @pl.when(ch < nfull)
                    def _():
                        fire_scatter(m_hbm, sbase, ch, b)

            for q in range(max(0, nfull - _SNB), nfull):
                wait_scatter(q % _SNB)

            if tail:
                dstv_t, mv_t = tl
                o = base_w + nfull * ch_s
                pltpu.sync_copy(dst_hbm.at[pl.ds(sbase + o, tail)], dstv_t)
                pltpu.sync_copy(m_hbm.at[pl.ds(o, tail)], mv_t)
                pltpu.sync_copy(mv_t, acc.at[dstv_t], add=True)

        plsc.subcore_barrier()
        pltpu.sync_copy(acc.at[pl.ds(s * rps, rps)],
                        out_hbm.at[pl.ds(c * npad + s * rps, rps)])

    return scatter_k


def _update_body(x_ref, p_ref, anf_ref, na_ref, wu1_ref, bu1_ref,
                 wu2_ref, bu2_ref, o_ref):
    na = na_ref[...]
    agg = p_ref[0] + p_ref[1]
    u_in = jnp.concatenate([x_ref[...], agg, anf_ref[...], na], axis=-1)
    u = jax.nn.silu(jnp.dot(u_in, wu1_ref[...],
                            preferred_element_type=jnp.float32) + bu1_ref[...])
    o_ref[...] = jnp.dot(jnp.concatenate([u, na], axis=-1), wu2_ref[...],
                         preferred_element_type=jnp.float32) + bu2_ref[...]


def _update(N, D, DA, BN):
    return pl.pallas_call(
        _update_body,
        grid=(N // BN,),
        in_specs=[
            pl.BlockSpec((BN, D), lambda i: (i, 0)),
            pl.BlockSpec((_NC, BN, D), lambda i: (0, i, 0)),
            pl.BlockSpec((BN, DA), lambda i: (i, 0)),
            pl.BlockSpec((BN, DA), lambda i: (i, 0)),
            pl.BlockSpec((2 * D + 2 * DA, D), lambda i: (0, 0)),
            pl.BlockSpec((1, D), lambda i: (0, 0)),
            pl.BlockSpec((D + DA, D), lambda i: (0, 0)),
            pl.BlockSpec((1, D), lambda i: (0, 0)),
        ],
        out_specs=pl.BlockSpec((BN, D), lambda i: (i, 0)),
        out_shape=jax.ShapeDtypeStruct((N, D), jnp.float32),
    )


def kernel(x, edge_index, edge_attr, node_attr, batch,
           additional_message_features, additional_node_features,
           W_m1, b_m1, W_m2, b_m2, W_u1, b_u1, W_u2, b_u2):
    del batch
    N, D = x.shape
    E, DA = edge_attr.shape
    DH = D // 2
    src = edge_index[0]
    dst = edge_index[1]

    pd, ps = _proj(N, D, 2000)(x, W_m1[:D], W_m1[D:2 * D])
    gd, gs = _sc_gather(N, D, E, 0)(pd, ps, dst, src)
    gd = gd.reshape(E // 2, D)
    gs = gs.reshape(E // 2, D)

    ap = jnp.concatenate([additional_message_features, edge_attr],
                         axis=-1).reshape(E // 2, 4 * DA)
    w1t = W_m1[2 * D:]
    z = jnp.zeros((2 * DA, DH), jnp.float32)
    w1a = jnp.block([[w1t[:, :DH], z], [z, w1t[:, :DH]]])
    w1b = jnp.block([[w1t[:, DH:], z], [z, w1t[:, DH:]]])
    b1a = jnp.tile(b_m1[:DH], 2).reshape(1, D)
    b1b = jnp.tile(b_m1[DH:], 2).reshape(1, D)
    w2h = W_m2[:D]
    w2ea = W_m2[D:]
    zh = jnp.zeros((DH, D), jnp.float32)
    w2ae = jnp.concatenate([w2h[:DH], zh])
    w2be = jnp.concatenate([w2h[DH:], zh])
    w2ao = jnp.concatenate([zh, w2h[:DH]])
    w2bo = jnp.concatenate([zh, w2h[DH:]])
    za = jnp.zeros((DA, D), jnp.float32)
    w2Ae = jnp.concatenate([za, w2ea, za, za])
    w2Ao = jnp.concatenate([za, za, za, w2ea])
    b2 = b_m2.reshape(1, D)

    m_ev, m_od = _edge_mlp(E, D, DA, 2000)(
        gd, gs, ap, w1a, w1b, b1a, b1b,
        w2ae, w2be, w2ao, w2bo, w2Ae, w2Ao, b2)

    dst_perm = jnp.concatenate([dst[0::2], dst[1::2]])
    npad = -(-N // (8 * _NS)) * (8 * _NS)
    parts = _sc_scatter(N, E, D, 2)(
        m_ev, m_od, dst_perm, jnp.zeros((npad, D), jnp.float32))
    p = parts.reshape(_NC, npad, D)
    out = _update(N, D, DA, 2000)(
        x, p, additional_node_features, node_attr,
        W_u1, b_u1.reshape(1, D), W_u2, b_u2.reshape(1, D))
    return out

# --- scband reference (transcript-rebuilt; emitter-appended) ---
"""Pipeline reference for scband-hsegnnflex-layer-81844896793191 (READ-ONLY COPY).

The authoritative reference and input builder live on the scoring server;
editing this copy changes nothing except your own understanding.
"""

import jax, jax.numpy as jnp
import numpy as np

N = 10000
E = 320000
D = 128   # input/hidden feature dim (128x0e)
DA = 16   # edge_attr / node_attr / additional feature dims (16x0e)


def _init_linear(key, fan_in, fan_out):
    kw, kb = jax.random.split(key)
    W = jax.random.normal(kw, (fan_in, fan_out), jnp.float32) * (1.0 / np.sqrt(fan_in))
    b = jnp.zeros((fan_out,), jnp.float32)
    return W, b


def setup_inputs(seed: int = 0) -> dict:
    key = jax.random.key(seed)
    ks = jax.random.split(key, 12)
    x = jax.random.normal(ks[0], (N, D), jnp.float32)
    edge_index = jax.random.randint(ks[1], (2, E), 0, N)
    edge_attr = jax.random.normal(ks[2], (E, DA), jnp.float32)
    node_attr = jax.random.normal(ks[3], (N, DA), jnp.float32)
    batch = jnp.zeros((N,), jnp.int32)
    additional_message_features = jax.random.normal(ks[4], (E, DA), jnp.float32)
    additional_node_features = jax.random.normal(ks[5], (N, DA), jnp.float32)
    # message_layer_1: input = cat(x_i, x_j, add_msg) (2*D+DA) conditioned on edge_attr (DA)
    W_m1, b_m1 = _init_linear(ks[6], 2 * D + DA + DA, D)
    # message_layer_2: hidden (D) conditioned on edge_attr (DA)
    W_m2, b_m2 = _init_linear(ks[7], D + DA, D)
    # update_layer_1: input = cat(x, message, add_node) (D+D+DA) conditioned on node_attr (DA)
    W_u1, b_u1 = _init_linear(ks[8], 2 * D + DA + DA, D)
    # update_layer_2: hidden (D) conditioned on node_attr (DA), no gate
    W_u2, b_u2 = _init_linear(ks[9], D + DA, D)
    return {
        "x": x, "edge_index": edge_index, "edge_attr": edge_attr,
        "node_attr": node_attr, "batch": batch,
        "additional_message_features": additional_message_features,
        "additional_node_features": additional_node_features,
        "W_m1": W_m1, "b_m1": b_m1, "W_m2": W_m2, "b_m2": b_m2,
        "W_u1": W_u1, "b_u1": b_u1, "W_u2": W_u2, "b_u2": b_u2,
    }


def reference(x, edge_index, edge_attr, node_attr, batch,
              additional_message_features, additional_node_features,
              W_m1, b_m1, W_m2, b_m2, W_u1, b_u1, W_u2, b_u2):
    src = edge_index[0]
    dst = edge_index[1]
    x_i = jnp.take(x, dst, axis=0)   # destination node features
    x_j = jnp.take(x, src, axis=0)   # source node features
    # message: O3TensorProductSwishGate(cat(x_i, x_j, amf) | edge_attr) -> swish-gated linear
    m_in = jnp.concatenate([x_i, x_j, additional_message_features, edge_attr], axis=-1)
    m = jax.nn.silu(m_in @ W_m1 + b_m1)
    m = jax.nn.silu(jnp.concatenate([m, edge_attr], axis=-1) @ W_m2 + b_m2)
    # aggregate (add) over destination nodes
    agg = jax.ops.segment_sum(m, dst, num_segments=x.shape[0])
    # update: O3TensorProductSwishGate(cat(x, msg, anf) | node_attr) then O3TensorProduct
    u_in = jnp.concatenate([x, agg, additional_node_features, node_attr], axis=-1)
    u = jax.nn.silu(u_in @ W_u1 + b_u1)
    out = jnp.concatenate([u, node_attr], axis=-1) @ W_u2 + b_u2
    return out

if __name__ == "__main__":
    import jax
    _d = setup_inputs()
    print(jax.jit(kernel)(*tuple(_d.values())))

</pallas_src>

<mosaic_0001>
#map = affine_map<(d0, d1) -> (0, 0)>
#map1 = affine_map<(d0, d1) -> (0)>
module attributes {stable_mosaic.version = 14 : i64} {
  func.func @gather_k(%arg0: i32, %arg1: i32, %arg2: memref<10000x64xi32, #tpu.memory_space<hbm>>, %arg3: memref<10000x64xi32, #tpu.memory_space<hbm>>, %arg4: memref<320000xi32, #tpu.memory_space<hbm>>, %arg5: memref<320000xi32, #tpu.memory_space<hbm>>, %arg6: memref<320000x64xi32, #tpu.memory_space<hbm>>, %arg7: memref<320000x64xi32, #tpu.memory_space<hbm>>, %arg8: memref<128xi32, #tpu.memory_space<vmem>>, %arg9: memref<128xi32, #tpu.memory_space<vmem>>, %arg10: memref<128xi32, #tpu.memory_space<vmem>>, %arg11: memref<128xi32, #tpu.memory_space<vmem>>, %arg12: memref<128xi32, #tpu.memory_space<vmem>>, %arg13: memref<128xi32, #tpu.memory_space<vmem>>, %arg14: memref<128x64xi32, #tpu.memory_space<vmem>>, %arg15: memref<128x64xi32, #tpu.memory_space<vmem>>, %arg16: memref<128x64xi32, #tpu.memory_space<vmem>>, %arg17: memref<128x64xi32, #tpu.memory_space<vmem>>, %arg18: memref<128x64xi32, #tpu.memory_space<vmem>>, %arg19: memref<128x64xi32, #tpu.memory_space<vmem>>, %arg20: memref<!tpu.dma_semaphore, #tpu.memory_space<semaphore_mem>>, %arg21: memref<!tpu.dma_semaphore, #tpu.memory_space<semaphore_mem>>, %arg22: memref<!tpu.dma_semaphore, #tpu.memory_space<semaphore_mem>>, %arg23: memref<!tpu.dma_semaphore, #tpu.memory_space<semaphore_mem>>, %arg24: memref<!tpu.dma_semaphore, #tpu.memory_space<semaphore_mem>>, %arg25: memref<!tpu.dma_semaphore, #tpu.memory_space<semaphore_mem>>) attributes {dimension_semantics = [#tpu.dimension_semantics<core_parallel>, #tpu.dimension_semantics<subcore_parallel>], iteration_bounds = array<i64: 2, 16>, scalar_prefetch = 0 : i64, scratch_operands = 18 : i64, tpu.core_type = #tpu.core_type<sc_vector_subcore>, window_params = [{transform_indices = #map}, {transform_indices = #map}, {transform_indices = #map1}, {transform_indices = #map1}, {transform_indices = #map}, {transform_indices = #map}]} {
    %mul3A = arith.constant 2 : i32
    %mul3A_0 = arith.muli %arg1, %mul3A : i32
    %add3A = arith.addi %mul3A_0, %arg0 : i32
    %mul3A_1 = arith.constant 10000 : i32
    %mul3A_2 = arith.muli %add3A, %mul3A_1 : i32
    %min3A = arith.constant 0 : i32
    %min3A_3 = arith.constant 9872 : i32
    %min3A_4 = arith.minsi %min3A, %min3A_3 : i32
    %add3A_5 = arith.addi %mul3A_2, %min3A_4 : i32
    %add3A_6 = arith.constant 0 : i32
    %add3A_7 = arith.addi %add3A_6, %add3A_5 : i32
    "tpu.region"() ({
      %run_scoped3A = tpu.sem_alloc : memref<!tpu.dma_semaphore, #tpu.memory_space<semaphore_mem>>
      %dma_start3A_68 = tpu.memref_slice %arg4[%add3A_7] : memref<320000xi32, #tpu.memory_space<hbm>> -> memref<128xi32, #tpu.memory_space<hbm>>
      %dma_start3A_69 = tpu.memref_slice %arg4[%add3A_7] : memref<320000xi32, #tpu.memory_space<hbm>> -> memref<128xi32, #tpu.memory_space<hbm>>
      tpu.enqueue_dma source(%dma_start3A_69 : memref<128xi32, #tpu.memory_space<hbm>>) target(%arg8 : memref<128xi32, #tpu.memory_space<vmem>>) target_semaphore(%run_scoped3A : memref<!tpu.dma_semaphore, #tpu.memory_space<semaphore_mem>>)
      %dma_wait3A_70 = tpu.memref_slice %arg4[%add3A_7] : memref<320000xi32, #tpu.memory_space<hbm>> -> memref<128xi32, #tpu.memory_space<hbm>>
      %dma_wait3A_71 = tpu.memref_slice %arg4[%add3A_7] : memref<320000xi32, #tpu.memory_space<hbm>> -> memref<128xi32, #tpu.memory_space<hbm>>
      tpu.wait_dma2 semaphore(%run_scoped3A : memref<!tpu.dma_semaphore, #tpu.memory_space<semaphore_mem>>) src(%dma_wait3A_71 : memref<128xi32, #tpu.memory_space<hbm>>) dst(%arg8 : memref<128xi32, #tpu.memory_space<vmem>>)
      tpu.yield
    }) : () -> ()
    %add3A_8 = arith.constant 0 : i32
    %add3A_9 = arith.addi %add3A_8, %add3A_5 : i32
    "tpu.region"() ({
      %run_scoped3A = tpu.sem_alloc : memref<!tpu.dma_semaphore, #tpu.memory_space<semaphore_mem>>
      %dma_start3A_68 = tpu.memref_slice %arg5[%add3A_9] : memref<320000xi32, #tpu.memory_space<hbm>> -> memref<128xi32, #tpu.memory_space<hbm>>
      %dma_start3A_69 = tpu.memref_slice %arg5[%add3A_9] : memref<320000xi32, #tpu.memory_space<hbm>> -> memref<128xi32, #tpu.memory_space<hbm>>
      tpu.enqueue_dma source(%dma_start3A_69 : memref<128xi32, #tpu.memory_space<hbm>>) target(%arg9 : memref<128xi32, #tpu.memory_space<vmem>>) target_semaphore(%run_scoped3A : memref<!tpu.dma_semaphore, #tpu.memory_space<semaphore_mem>>)
      %dma_wait3A_70 = tpu.memref_slice %arg5[%add3A_9] : memref<320000xi32, #tpu.memory_space<hbm>> -> memref<128xi32, #tpu.memory_space<hbm>>
      %dma_wait3A_71 = tpu.memref_slice %arg5[%add3A_9] : memref<320000xi32, #tpu.memory_space<hbm>> -> memref<128xi32, #tpu.memory_space<hbm>>
      tpu.wait_dma2 semaphore(%run_scoped3A : memref<!tpu.dma_semaphore, #tpu.memory_space<semaphore_mem>>) src(%dma_wait3A_71 : memref<128xi32, #tpu.memory_space<hbm>>) dst(%arg9 : memref<128xi32, #tpu.memory_space<vmem>>)
      tpu.yield
    }) : () -> ()
    %dma_start3A = arith.constant 0 : i32
    %dma_start3A_10 = arith.constant 0 : i32
    %dma_start3A_11 = tpu.memref_slice %arg2[%dma_start3A, %dma_start3A_10] : memref<10000x64xi32, #tpu.memory_space<hbm>> -> memref<10000x64xi32, #tpu.memory_space<hbm>>
    tpu.enqueue_indirect_dma source(%dma_start3A_11 : memref<10000x64xi32, #tpu.memory_space<hbm>>) target(%arg14 : memref<128x64xi32, #tpu.memory_space<vmem>>) offsets(%arg8 : memref<128xi32, #tpu.memory_space<vmem>>) semaphore(%arg20 : memref<!tpu.dma_semaphore, #tpu.memory_space<semaphore_mem>>)
    %dma_start3A_12 = arith.constant 0 : i32
    %dma_start3A_13 = arith.constant 0 : i32
    %dma_start3A_14 = tpu.memref_slice %arg3[%dma_start3A_12, %dma_start3A_13] : memref<10000x64xi32, #tpu.memory_space<hbm>> -> memref<10000x64xi32, #tpu.memory_space<hbm>>
    tpu.enqueue_indirect_dma source(%dma_start3A_14 : memref<10000x64xi32, #tpu.memory_space<hbm>>) target(%arg15 : memref<128x64xi32, #tpu.memory_space<vmem>>) offsets(%arg9 : memref<128xi32, #tpu.memory_space<vmem>>) semaphore(%arg20 : memref<!tpu.dma_semaphore, #tpu.memory_space<semaphore_mem>>)
    %min3A_15 = arith.constant 128 : i32
    %min3A_16 = arith.constant 9872 : i32
    %min3A_17 = arith.minsi %min3A_15, %min3A_16 : i32
    %add3A_18 = arith.addi %mul3A_2, %min3A_17 : i32
    %add3A_19 = arith.constant 0 : i32
    %add3A_20 = arith.addi %add3A_19, %add3A_18 : i32
    "tpu.region"() ({
      %run_scoped3A = tpu.sem_alloc : memref<!tpu.dma_semaphore, #tpu.memory_space<semaphore_mem>>
      %dma_start3A_68 = tpu.memref_slice %arg4[%add3A_20] : memref<320000xi32, #tpu.memory_space<hbm>> -> memref<128xi32, #tpu.memory_space<hbm>>
      %dma_start3A_69 = tpu.memref_slice %arg4[%add3A_20] : memref<320000xi32, #tpu.memory_space<hbm>> -> memref<128xi32, #tpu.memory_space<hbm>>
      tpu.enqueue_dma source(%dma_start3A_69 : memref<128xi32, #tpu.memory_space<hbm>>) target(%arg10 : memref<128xi32, #tpu.memory_space<vmem>>) target_semaphore(%run_scoped3A : memref<!tpu.dma_semaphore, #tpu.memory_space<semaphore_mem>>)
      %dma_wait3A_70 = tpu.memref_slice %arg4[%add3A_20] : memref<320000xi32, #tpu.memory_space<hbm>> -> memref<128xi32, #tpu.memory_space<hbm>>
      %dma_wait3A_71 = tpu.memref_slice %arg4[%add3A_20] : memref<320000xi32, #tpu.memory_space<hbm>> -> memref<128xi32, #tpu.memory_space<hbm>>
      tpu.wait_dma2 semaphore(%run_scoped3A : memref<!tpu.dma_semaphore, #tpu.memory_space<semaphore_mem>>) src(%dma_wait3A_71 : memref<128xi32, #tpu.memory_space<hbm>>) dst(%arg10 : memref<128xi32, #tpu.memory_space<vmem>>)
      tpu.yield
    }) : () -> ()
    %add3A_21 = arith.constant 0 : i32
    %add3A_22 = arith.addi %add3A_21, %add3A_18 : i32
    "tpu.region"() ({
      %run_scoped3A = tpu.sem_alloc : memref<!tpu.dma_semaphore, #tpu.memory_space<semaphore_mem>>
      %dma_start3A_68 = tpu.memref_slice %arg5[%add3A_22] : memref<320000xi32, #tpu.memory_space<hbm>> -> memref<128xi32, #tpu.memory_space<hbm>>
      %dma_start3A_69 = tpu.memref_slice %arg5[%add3A_22] : memref<320000xi32, #tpu.memory_space<hbm>> -> memref<128xi32, #tpu.memory_space<hbm>>
      tpu.enqueue_dma source(%dma_start3A_69 : memref<128xi32, #tpu.memory_space<hbm>>) target(%arg11 : memref<128xi32, #tpu.memory_space<vmem>>) target_semaphore(%run_scoped3A : memref<!tpu.dma_semaphore, #tpu.memory_space<semaphore_mem>>)
      %dma_wait3A_70 = tpu.memref_slice %arg5[%add3A_22] : memref<320000xi32, #tpu.memory_space<hbm>> -> memref<128xi32, #tpu.memory_space<hbm>>
      %dma_wait3A_71 = tpu.memref_slice %arg5[%add3A_22] : memref<320000xi32, #tpu.memory_space<hbm>> -> memref<128xi32, #tpu.memory_space<hbm>>
      tpu.wait_dma2 semaphore(%run_scoped3A : memref<!tpu.dma_semaphore, #tpu.memory_space<semaphore_mem>>) src(%dma_wait3A_71 : memref<128xi32, #tpu.memory_space<hbm>>) dst(%arg11 : memref<128xi32, #tpu.memory_space<vmem>>)
      tpu.yield
    }) : () -> ()
    %dma_start3A_23 = arith.constant 0 : i32
    %dma_start3A_24 = arith.constant 0 : i32
    %dma_start3A_25 = tpu.memref_slice %arg2[%dma_start3A_23, %dma_start3A_24] : memref<10000x64xi32, #tpu.memory_space<hbm>> -> memref<10000x64xi32, #tpu.memory_space<hbm>>
    tpu.enqueue_indirect_dma source(%dma_start3A_25 : memref<10000x64xi32, #tpu.memory_space<hbm>>) target(%arg16 : memref<128x64xi32, #tpu.memory_space<vmem>>) offsets(%arg10 : memref<128xi32, #tpu.memory_space<vmem>>) semaphore(%arg22 : memref<!tpu.dma_semaphore, #tpu.memory_space<semaphore_mem>>)
    %dma_start3A_26 = arith.constant 0 : i32
    %dma_start3A_27 = arith.constant 0 : i32
    %dma_start3A_28 = tpu.memref_slice %arg3[%dma_start3A_26, %dma_start3A_27] : memref<10000x64xi32, #tpu.memory_space<hbm>> -> memref<10000x64xi32, #tpu.memory_space<hbm>>
    tpu.enqueue_indirect_dma source(%dma_start3A_28 : memref<10000x64xi32, #tpu.memory_space<hbm>>) target(%arg17 : memref<128x64xi32, #tpu.memory_space<vmem>>) offsets(%arg11 : memref<128xi32, #tpu.memory_space<vmem>>) semaphore(%arg22 : memref<!tpu.dma_semaphore, #tpu.memory_space<semaphore_mem>>)
    %scan3A = arith.constant 0 : i32
    %scan3A_29 = arith.constant 27 : i32
    %scan3A_30 = arith.addi %scan3A, %scan3A_29 : i32
    %scan3A_31 = arith.constant 1 : i32
    scf.for %scan3A_68 = %scan3A to %scan3A_30 step %scan3A_31  : i32 {
      %mul3A_69 = arith.constant 3 : i32
      %mul3A_70 = arith.muli %scan3A_68, %mul3A_69 : i32
      %add3A_71 = arith.constant 0 : i32
      %add3A_72 = arith.addi %add3A_71, %mul3A_70 : i32
      %add3A_73 = arith.constant 0 : i32
      %add3A_74 = arith.addi %add3A_72, %add3A_73 : i32
      %add3A_75 = arith.constant 2 : i32
      %add3A_76 = arith.addi %add3A_74, %add3A_75 : i32
      %lt3A = arith.constant 79 : i32
      %lt3A_77 = arith.cmpi slt, %add3A_76, %lt3A : i32
      %convert_element_type3A = arith.extui %lt3A_77 : i1 to i32
      %cond3A = arith.constant 0 : i32
      %cond3A_78 = arith.cmpi ne, %convert_element_type3A, %cond3A : i32
      scf.if %cond3A_78 {
        %ge3A = arith.constant 3 : i32
        %ge3A_112 = arith.cmpi sge, %add3A_76, %ge3A : i32
        %convert_element_type3A_113 = arith.extui %ge3A_112 : i1 to i32
        %cond3A_114 = arith.constant 0 : i32
        %cond3A_115 = arith.cmpi ne, %convert_element_type3A_113, %cond3A_114 : i32
        scf.if %cond3A_115 {
          %sub3A = arith.constant 3 : i32
          %sub3A_131 = arith.subi %add3A_76, %sub3A : i32
          %mul3A_132 = arith.constant 128 : i32
          %mul3A_133 = arith.muli %sub3A_131, %mul3A_132 : i32
          %min3A_134 = arith.constant 9872 : i32
          %min3A_135 = arith.minsi %mul3A_133, %min3A_134 : i32
          %add3A_136 = arith.addi %mul3A_2, %min3A_135 : i32
          %dma_wait3A_137 = arith.constant 0 : i32
          %dma_wait3A_138 = tpu.memref_slice %arg6[%add3A_136, %dma_wait3A_137] : memref<320000x64xi32, #tpu.memory_space<hbm>> -> memref<128x64xi32, #tpu.memory_space<hbm>>
          %dma_wait3A_139 = arith.constant 0 : i32
          %dma_wait3A_140 = tpu.memref_slice %arg6[%add3A_136, %dma_wait3A_139] : memref<320000x64xi32, #tpu.memory_space<hbm>> -> memref<128x64xi32, #tpu.memory_space<hbm>>
          tpu.wait_dma2 semaphore(%arg25 : memref<!tpu.dma_semaphore, #tpu.memory_space<semaphore_mem>>) src(%arg18 : memref<128x64xi32, #tpu.memory_space<vmem>>) dst(%dma_wait3A_140 : memref<128x64xi32, #tpu.memory_space<hbm>>)
          %dma_wait3A_141 = arith.constant 0 : i32
          %dma_wait3A_142 = tpu.memref_slice %arg7[%add3A_136, %dma_wait3A_141] : memref<320000x64xi32, #tpu.memory_space<hbm>> -> memref<128x64xi32, #tpu.memory_space<hbm>>
          %dma_wait3A_143 = arith.constant 0 : i32
          %dma_wait3A_144 = tpu.memref_slice %arg7[%add3A_136, %dma_wait3A_143] : memref<320000x64xi32, #tpu.memory_space<hbm>> -> memref<128x64xi32, #tpu.memory_space<hbm>>
          tpu.wait_dma2 semaphore(%arg25 : memref<!tpu.dma_semaphore, #tpu.memory_space<semaphore_mem>>) src(%arg19 : memref<128x64xi32, #tpu.memory_space<vmem>>) dst(%dma_wait3A_144 : memref<128x64xi32, #tpu.memory_space<hbm>>)
        } else {
        }
        %mul3A_116 = arith.constant 128 : i32
        %mul3A_117 = arith.muli %add3A_76, %mul3A_116 : i32
        %min3A_118 = arith.constant 9872 : i32
        %min3A_119 = arith.minsi %mul3A_117, %min3A_118 : i32
        %add3A_120 = arith.addi %mul3A_2, %min3A_119 : i32
        %add3A_121 = arith.constant 0 : i32
        %add3A_122 = arith.addi %add3A_121, %add3A_120 : i32
        "tpu.region"() ({
          %run_scoped3A = tpu.sem_alloc : memref<!tpu.dma_semaphore, #tpu.memory_space<semaphore_mem>>
          %dma_start3A_131 = tpu.memref_slice %arg4[%add3A_122] : memref<320000xi32, #tpu.memory_space<hbm>> -> memref<128xi32, #tpu.memory_space<hbm>>
          %dma_start3A_132 = tpu.memref_slice %arg4[%add3A_122] : memref<320000xi32, #tpu.memory_space<hbm>> -> memref<128xi32, #tpu.memory_space<hbm>>
          tpu.enqueue_dma source(%dma_start3A_132 : memref<128xi32, #tpu.memory_space<hbm>>) target(%arg12 : memref<128xi32, #tpu.memory_space<vmem>>) target_semaphore(%run_scoped3A : memref<!tpu.dma_semaphore, #tpu.memory_space<semaphore_mem>>)
          %dma_wait3A_133 = tpu.memref_slice %arg4[%add3A_122] : memref<320000xi32, #tpu.memory_space<hbm>> -> memref<128xi32, #tpu.memory_space<hbm>>
          %dma_wait3A_134 = tpu.memref_slice %arg4[%add3A_122] : memref<320000xi32, #tpu.memory_space<hbm>> -> memref<128xi32, #tpu.memory_space<hbm>>
          tpu.wait_dma2 semaphore(%run_scoped3A : memref<!tpu.dma_semaphore, #tpu.memory_space<semaphore_mem>>) src(%dma_wait3A_134 : memref<128xi32, #tpu.memory_space<hbm>>) dst(%arg12 : memref<128xi32, #tpu.memory_space<vmem>>)
          tpu.yield
        }) : () -> ()
        %add3A_123 = arith.constant 0 : i32
        %add3A_124 = arith.addi %add3A_123, %add3A_120 : i32
        "tpu.region"() ({
          %run_scoped3A = tpu.sem_alloc : memref<!tpu.dma_semaphore, #tpu.memory_space<semaphore_mem>>
          %dma_start3A_131 = tpu.memref_slice %arg5[%add3A_124] : memref<320000xi32, #tpu.memory_space<hbm>> -> memref<128xi32, #tpu.memory_space<hbm>>
          %dma_start3A_132 = tpu.memref_slice %arg5[%add3A_124] : memref<320000xi32, #tpu.memory_space<hbm>> -> memref<128xi32, #tpu.memory_space<hbm>>
          tpu.enqueue_dma source(%dma_start3A_132 : memref<128xi32, #tpu.memory_space<hbm>>) target(%arg13 : memref<128xi32, #tpu.memory_space<vmem>>) target_semaphore(%run_scoped3A : memref<!tpu.dma_semaphore, #tpu.memory_space<semaphore_mem>>)
          %dma_wait3A_133 = tpu.memref_slice %arg5[%add3A_124] : memref<320000xi32, #tpu.memory_space<hbm>> -> memref<128xi32, #tpu.memory_space<hbm>>
          %dma_wait3A_134 = tpu.memref_slice %arg5[%add3A_124] : memref<320000xi32, #tpu.memory_space<hbm>> -> memref<128xi32, #tpu.memory_space<hbm>>
          tpu.wait_dma2 semaphore(%run_scoped3A : memref<!tpu.dma_semaphore, #tpu.memory_space<semaphore_mem>>) src(%dma_wait3A_134 : memref<128xi32, #tpu.memory_space<hbm>>) dst(%arg13 : memref<128xi32, #tpu.memory_space<vmem>>)
          tpu.yield
        }) : () -> ()
        %dma_start3A_125 = arith.constant 0 : i32
        %dma_start3A_126 = arith.constant 0 : i32
        %dma_start3A_127 = tpu.memref_slice %arg2[%dma_start3A_125, %dma_start3A_126] : memref<10000x64xi32, #tpu.memory_space<hbm>> -> memref<10000x64xi32, #tpu.memory_space<hbm>>
        tpu.enqueue_indirect_dma source(%dma_start3A_127 : memref<10000x64xi32, #tpu.memory_space<hbm>>) target(%arg18 : memref<128x64xi32, #tpu.memory_space<vmem>>) offsets(%arg12 : memref<128xi32, #tpu.memory_space<vmem>>) semaphore(%arg24 : memref<!tpu.dma_semaphore, #tpu.memory_space<semaphore_mem>>)
        %dma_start3A_128 = arith.constant 0 : i32
        %dma_start3A_129 = arith.constant 0 : i32
        %dma_start3A_130 = tpu.memref_slice %arg3[%dma_start3A_128, %dma_start3A_129] : memref<10000x64xi32, #tpu.memory_space<hbm>> -> memref<10000x64xi32, #tpu.memory_space<hbm>>
        tpu.enqueue_indirect_dma source(%dma_start3A_130 : memref<10000x64xi32, #tpu.memory_space<hbm>>) target(%arg19 : memref<128x64xi32, #tpu.memory_space<vmem>>) offsets(%arg13 : memref<128xi32, #tpu.memory_space<vmem>>) semaphore(%arg24 : memref<!tpu.dma_semaphore, #tpu.memory_space<semaphore_mem>>)
      } else {
      }
      %lt3A_79 = arith.constant 79 : i32
      %lt3A_80 = arith.cmpi slt, %add3A_74, %lt3A_79 : i32
      %convert_element_type3A_81 = arith.extui %lt3A_80 : i1 to i32
      %cond3A_82 = arith.constant 0 : i32
      %cond3A_83 = arith.cmpi ne, %convert_element_type3A_81, %cond3A_82 : i32
      scf.if %cond3A_83 {
        %mul3A_112 = arith.constant 128 : i32
        %mul3A_113 = arith.muli %add3A_74, %mul3A_112 : i32
        %min3A_114 = arith.constant 9872 : i32
        %min3A_115 = arith.minsi %mul3A_113, %min3A_114 : i32
        %add3A_116 = arith.addi %mul3A_2, %min3A_115 : i32
        %dma_wait3A_117 = arith.constant 0 : i32
        %dma_wait3A_118 = arith.constant 0 : i32
        %dma_wait3A_119 = tpu.memref_slice %arg2[%dma_wait3A_117, %dma_wait3A_118] : memref<10000x64xi32, #tpu.memory_space<hbm>> -> memref<10000x64xi32, #tpu.memory_space<hbm>>
        tpu.wait_indirect_dma semaphore(%arg20 : memref<!tpu.dma_semaphore, #tpu.memory_space<semaphore_mem>>) src(%dma_wait3A_119 : memref<10000x64xi32, #tpu.memory_space<hbm>>) dst(%arg14 : memref<128x64xi32, #tpu.memory_space<vmem>>)
        %dma_wait3A_120 = arith.constant 0 : i32
        %dma_wait3A_121 = arith.constant 0 : i32
        %dma_wait3A_122 = tpu.memref_slice %arg3[%dma_wait3A_120, %dma_wait3A_121] : memref<10000x64xi32, #tpu.memory_space<hbm>> -> memref<10000x64xi32, #tpu.memory_space<hbm>>
        tpu.wait_indirect_dma semaphore(%arg20 : memref<!tpu.dma_semaphore, #tpu.memory_space<semaphore_mem>>) src(%dma_wait3A_122 : memref<10000x64xi32, #tpu.memory_space<hbm>>) dst(%arg15 : memref<128x64xi32, #tpu.memory_space<vmem>>)
        %dma_start3A_123 = arith.constant 0 : i32
        %dma_start3A_124 = tpu.memref_slice %arg6[%add3A_116, %dma_start3A_123] : memref<320000x64xi32, #tpu.memory_space<hbm>> -> memref<128x64xi32, #tpu.memory_space<hbm>>
        %dma_start3A_125 = arith.constant 0 : i32
        %dma_start3A_126 = tpu.memref_slice %arg6[%add3A_116, %dma_start3A_125] : memref<320000x64xi32, #tpu.memory_space<hbm>> -> memref<128x64xi32, #tpu.memory_space<hbm>>
        tpu.enqueue_dma source(%arg14 : memref<128x64xi32, #tpu.memory_space<vmem>>) target(%dma_start3A_126 : memref<128x64xi32, #tpu.memory_space<hbm>>) target_semaphore(%arg21 : memref<!tpu.dma_semaphore, #tpu.memory_space<semaphore_mem>>)
        %dma_start3A_127 = arith.constant 0 : i32
        %dma_start3A_128 = tpu.memref_slice %arg7[%add3A_116, %dma_start3A_127] : memref<320000x64xi32, #tpu.memory_space<hbm>> -> memref<128x64xi32, #tpu.memory_space<hbm>>
        %dma_start3A_129 = arith.constant 0 : i32
        %dma_start3A_130 = tpu.memref_slice %arg7[%add3A_116, %dma_start3A_129] : memref<320000x64xi32, #tpu.memory_space<hbm>> -> memref<128x64xi32, #tpu.memory_space<hbm>>
        tpu.enqueue_dma source(%arg15 : memref<128x64xi32, #tpu.memory_space<vmem>>) target(%dma_start3A_130 : memref<128x64xi32, #tpu.memory_space<hbm>>) target_semaphore(%arg21 : memref<!tpu.dma_semaphore, #tpu.memory_space<semaphore_mem>>)
      } else {
      }
      %add3A_84 = arith.constant 1 : i32
      %add3A_85 = arith.addi %add3A_72, %add3A_84 : i32
      %add3A_86 = arith.constant 2 : i32
      %add3A_87 = arith.addi %add3A_85, %add3A_86 : i32
      %lt3A_88 = arith.constant 79 : i32
      %lt3A_89 = arith.cmpi slt, %add3A_87, %lt3A_88 : i32
      %convert_element_type3A_90 = arith.extui %lt3A_89 : i1 to i32
      %cond3A_91 = arith.constant 0 : i32
      %cond3A_92 = arith.cmpi ne, %convert_element_type3A_90, %cond3A_91 : i32
      scf.if %cond3A_92 {
        %ge3A = arith.constant 3 : i32
        %ge3A_112 = arith.cmpi sge, %add3A_87, %ge3A : i32
        %convert_element_type3A_113 = arith.extui %ge3A_112 : i1 to i32
        %cond3A_114 = arith.constant 0 : i32
        %cond3A_115 = arith.cmpi ne, %convert_element_type3A_113, %cond3A_114 : i32
        scf.if %cond3A_115 {
          %sub3A = arith.constant 3 : i32
          %sub3A_131 = arith.subi %add3A_87, %sub3A : i32
          %mul3A_132 = arith.constant 128 : i32
          %mul3A_133 = arith.muli %sub3A_131, %mul3A_132 : i32
          %min3A_134 = arith.constant 9872 : i32
          %min3A_135 = arith.minsi %mul3A_133, %min3A_134 : i32
          %add3A_136 = arith.addi %mul3A_2, %min3A_135 : i32
          %dma_wait3A_137 = arith.constant 0 : i32
          %dma_wait3A_138 = tpu.memref_slice %arg6[%add3A_136, %dma_wait3A_137] : memref<320000x64xi32, #tpu.memory_space<hbm>> -> memref<128x64xi32, #tpu.memory_space<hbm>>
          %dma_wait3A_139 = arith.constant 0 : i32
          %dma_wait3A_140 = tpu.memref_slice %arg6[%add3A_136, %dma_wait3A_139] : memref<320000x64xi32, #tpu.memory_space<hbm>> -> memref<128x64xi32, #tpu.memory_space<hbm>>
          tpu.wait_dma2 semaphore(%arg21 : memref<!tpu.dma_semaphore, #tpu.memory_space<semaphore_mem>>) src(%arg14 : memref<128x64xi32, #tpu.memory_space<vmem>>) dst(%dma_wait3A_140 : memref<128x64xi32, #tpu.memory_space<hbm>>)
          %dma_wait3A_141 = arith.constant 0 : i32
          %dma_wait3A_142 = tpu.memref_slice %arg7[%add3A_136, %dma_wait3A_141] : memref<320000x64xi32, #tpu.memory_space<hbm>> -> memref<128x64xi32, #tpu.memory_space<hbm>>
          %dma_wait3A_143 = arith.constant 0 : i32
          %dma_wait3A_144 = tpu.memref_slice %arg7[%add3A_136, %dma_wait3A_143] : memref<320000x64xi32, #tpu.memory_space<hbm>> -> memref<128x64xi32, #tpu.memory_space<hbm>>
          tpu.wait_dma2 semaphore(%arg21 : memref<!tpu.dma_semaphore, #tpu.memory_space<semaphore_mem>>) src(%arg15 : memref<128x64xi32, #tpu.memory_space<vmem>>) dst(%dma_wait3A_144 : memref<128x64xi32, #tpu.memory_space<hbm>>)
        } else {
        }
        %mul3A_116 = arith.constant 128 : i32
        %mul3A_117 = arith.muli %add3A_87, %mul3A_116 : i32
        %min3A_118 = arith.constant 9872 : i32
        %min3A_119 = arith.minsi %mul3A_117, %min3A_118 : i32
        %add3A_120 = arith.addi %mul3A_2, %min3A_119 : i32
        %add3A_121 = arith.constant 0 : i32
        %add3A_122 = arith.addi %add3A_121, %add3A_120 : i32
        "tpu.region"() ({
          %run_scoped3A = tpu.sem_alloc : memref<!tpu.dma_semaphore, #tpu.memory_space<semaphore_mem>>
          %dma_start3A_131 = tpu.memref_slice %arg4[%add3A_122] : memref<320000xi32, #tpu.memory_space<hbm>> -> memref<128xi32, #tpu.memory_space<hbm>>
          %dma_start3A_132 = tpu.memref_slice %arg4[%add3A_122] : memref<320000xi32, #tpu.memory_space<hbm>> -> memref<128xi32, #tpu.memory_space<hbm>>
          tpu.enqueue_dma source(%dma_start3A_132 : memref<128xi32, #tpu.memory_space<hbm>>) target(%arg8 : memref<128xi32, #tpu.memory_space<vmem>>) target_semaphore(%run_scoped3A : memref<!tpu.dma_semaphore, #tpu.memory_space<semaphore_mem>>)
          %dma_wait3A_133 = tpu.memref_slice %arg4[%add3A_122] : memref<320000xi32, #tpu.memory_space<hbm>> -> memref<128xi32, #tpu.memory_space<hbm>>
          %dma_wait3A_134 = tpu.memref_slice %arg4[%add3A_122] : memref<320000xi32, #tpu.memory_space<hbm>> -> memref<128xi32, #tpu.memory_space<hbm>>
          tpu.wait_dma2 semaphore(%run_scoped3A : memref<!tpu.dma_semaphore, #tpu.memory_space<semaphore_mem>>) src(%dma_wait3A_134 : memref<128xi32, #tpu.memory_space<hbm>>) dst(%arg8 : memref<128xi32, #tpu.memory_space<vmem>>)
          tpu.yield
        }) : () -> ()
        %add3A_123 = arith.constant 0 : i32
        %add3A_124 = arith.addi %add3A_123, %add3A_120 : i32
        "tpu.region"() ({
          %run_scoped3A = tpu.sem_alloc : memref<!tpu.dma_semaphore, #tpu.memory_space<semaphore_mem>>
          %dma_start3A_131 = tpu.memref_slice %arg5[%add3A_124] : memref<320000xi32, #tpu.memory_space<hbm>> -> memref<128xi32, #tpu.memory_space<hbm>>
          %dma_start3A_132 = tpu.memref_slice %arg5[%add3A_124] : memref<320000xi32, #tpu.memory_space<hbm>> -> memref<128xi32, #tpu.memory_space<hbm>>
          tpu.enqueue_dma source(%dma_start3A_132 : memref<128xi32, #tpu.memory_space<hbm>>) target(%arg9 : memref<128xi32, #tpu.memory_space<vmem>>) target_semaphore(%run_scoped3A : memref<!tpu.dma_semaphore, #tpu.memory_space<semaphore_mem>>)
          %dma_wait3A_133 = tpu.memref_slice %arg5[%add3A_124] : memref<320000xi32, #tpu.memory_space<hbm>> -> memref<128xi32, #tpu.memory_space<hbm>>
          %dma_wait3A_134 = tpu.memref_slice %arg5[%add3A_124] : memref<320000xi32, #tpu.memory_space<hbm>> -> memref<128xi32, #tpu.memory_space<hbm>>
          tpu.wait_dma2 semaphore(%run_scoped3A : memref<!tpu.dma_semaphore, #tpu.memory_space<semaphore_mem>>) src(%dma_wait3A_134 : memref<128xi32, #tpu.memory_space<hbm>>) dst(%arg9 : memref<128xi32, #tpu.memory_space<vmem>>)
          tpu.yield
        }) : () -> ()
        %dma_start3A_125 = arith.constant 0 : i32
        %dma_start3A_126 = arith.constant 0 : i32
        %dma_start3A_127 = tpu.memref_slice %arg2[%dma_start3A_125, %dma_start3A_126] : memref<10000x64xi32, #tpu.memory_space<hbm>> -> memref<10000x64xi32, #tpu.memory_space<hbm>>
        tpu.enqueue_indirect_dma source(%dma_start3A_127 : memref<10000x64xi32, #tpu.memory_space<hbm>>) target(%arg14 : memref<128x64xi32, #tpu.memory_space<vmem>>) offsets(%arg8 : memref<128xi32, #tpu.memory_space<vmem>>) semaphore(%arg20 : memref<!tpu.dma_semaphore, #tpu.memory_space<semaphore_mem>>)
        %dma_start3A_128 = arith.constant 0 : i32
        %dma_start3A_129 = arith.constant 0 : i32
        %dma_start3A_130 = tpu.memref_slice %arg3[%dma_start3A_128, %dma_start3A_129] : memref<10000x64xi32, #tpu.memory_space<hbm>> -> memref<10000x64xi32, #tpu.memory_space<hbm>>
        tpu.enqueue_indirect_dma source(%dma_start3A_130 : memref<10000x64xi32, #tpu.memory_space<hbm>>) target(%arg15 : memref<128x64xi32, #tpu.memory_space<vmem>>) offsets(%arg9 : memref<128xi32, #tpu.memory_space<vmem>>) semaphore(%arg20 : memref<!tpu.dma_semaphore, #tpu.memory_space<semaphore_mem>>)
      } else {
      }
      %lt3A_93 = arith.constant 79 : i32
      %lt3A_94 = arith.cmpi slt, %add3A_85, %lt3A_93 : i32
      %convert_element_type3A_95 = arith.extui %lt3A_94 : i1 to i32
      %cond3A_96 = arith.constant 0 : i32
      %cond3A_97 = arith.cmpi ne, %convert_element_type3A_95, %cond3A_96 : i32
      scf.if %cond3A_97 {
        %mul3A_112 = arith.constant 128 : i32
        %mul3A_113 = arith.muli %add3A_85, %mul3A_112 : i32
        %min3A_114 = arith.constant 9872 : i32
        %min3A_115 = arith.minsi %mul3A_113, %min3A_114 : i32
        %add3A_116 = arith.addi %mul3A_2, %min3A_115 : i32
        %dma_wait3A_117 = arith.constant 0 : i32
        %dma_wait3A_118 = arith.constant 0 : i32
        %dma_wait3A_119 = tpu.memref_slice %arg2[%dma_wait3A_117, %dma_wait3A_118] : memref<10000x64xi32, #tpu.memory_space<hbm>> -> memref<10000x64xi32, #tpu.memory_space<hbm>>
        tpu.wait_indirect_dma semaphore(%arg22 : memref<!tpu.dma_semaphore, #tpu.memory_space<semaphore_mem>>) src(%dma_wait3A_119 : memref<10000x64xi32, #tpu.memory_space<hbm>>) dst(%arg16 : memref<128x64xi32, #tpu.memory_space<vmem>>)
        %dma_wait3A_120 = arith.constant 0 : i32
        %dma_wait3A_121 = arith.constant 0 : i32
        %dma_wait3A_122 = tpu.memref_slice %arg3[%dma_wait3A_120, %dma_wait3A_121] : memref<10000x64xi32, #tpu.memory_space<hbm>> -> memref<10000x64xi32, #tpu.memory_space<hbm>>
        tpu.wait_indirect_dma semaphore(%arg22 : memref<!tpu.dma_semaphore, #tpu.memory_space<semaphore_mem>>) src(%dma_wait3A_122 : memref<10000x64xi32, #tpu.memory_space<hbm>>) dst(%arg17 : memref<128x64xi32, #tpu.memory_space<vmem>>)
        %dma_start3A_123 = arith.constant 0 : i32
        %dma_start3A_124 = tpu.memref_slice %arg6[%add3A_116, %dma_start3A_123] : memref<320000x64xi32, #tpu.memory_space<hbm>> -> memref<128x64xi32, #tpu.memory_space<hbm>>
        %dma_start3A_125 = arith.constant 0 : i32
        %dma_start3A_126 = tpu.memref_slice %arg6[%add3A_116, %dma_start3A_125] : memref<320000x64xi32, #tpu.memory_space<hbm>> -> memref<128x64xi32, #tpu.memory_space<hbm>>
        tpu.enqueue_dma source(%arg16 : memref<128x64xi32, #tpu.memory_space<vmem>>) target(%dma_start3A_126 : memref<128x64xi32, #tpu.memory_space<hbm>>) target_semaphore(%arg23 : memref<!tpu.dma_semaphore, #tpu.memory_space<semaphore_mem>>)
        %dma_start3A_127 = arith.constant 0 : i32
        %dma_start3A_128 = tpu.memref_slice %arg7[%add3A_116, %dma_start3A_127] : memref<320000x64xi32, #tpu.memory_space<hbm>> -> memref<128x64xi32, #tpu.memory_space<hbm>>
        %dma_start3A_129 = arith.constant 0 : i32
        %dma_start3A_130 = tpu.memref_slice %arg7[%add3A_116, %dma_start3A_129] : memref<320000x64xi32, #tpu.memory_space<hbm>> -> memref<128x64xi32, #tpu.memory_space<hbm>>
        tpu.enqueue_dma source(%arg17 : memref<128x64xi32, #tpu.memory_space<vmem>>) target(%dma_start3A_130 : memref<128x64xi32, #tpu.memory_space<hbm>>) target_semaphore(%arg23 : memref<!tpu.dma_semaphore, #tpu.memory_space<semaphore_mem>>)
      } else {
      }
      %add3A_98 = arith.constant 2 : i32
      %add3A_99 = arith.addi %add3A_72, %add3A_98 : i32
      %add3A_100 = arith.constant 2 : i32
      %add3A_101 = arith.addi %add3A_99, %add3A_100 : i32
      %lt3A_102 = arith.constant 79 : i32
      %lt3A_103 = arith.cmpi slt, %add3A_101, %lt3A_102 : i32
      %convert_element_type3A_104 = arith.extui %lt3A_103 : i1 to i32
      %cond3A_105 = arith.constant 0 : i32
      %cond3A_106 = arith.cmpi ne, %convert_element_type3A_104, %cond3A_105 : i32
      scf.if %cond3A_106 {
        %ge3A = arith.constant 3 : i32
        %ge3A_112 = arith.cmpi sge, %add3A_101, %ge3A : i32
        %convert_element_type3A_113 = arith.extui %ge3A_112 : i1 to i32
        %cond3A_114 = arith.constant 0 : i32
        %cond3A_115 = arith.cmpi ne, %convert_element_type3A_113, %cond3A_114 : i32
        scf.if %cond3A_115 {
          %sub3A = arith.constant 3 : i32
          %sub3A_131 = arith.subi %add3A_101, %sub3A : i32
          %mul3A_132 = arith.constant 128 : i32
          %mul3A_133 = arith.muli %sub3A_131, %mul3A_132 : i32
          %min3A_134 = arith.constant 9872 : i32
          %min3A_135 = arith.minsi %mul3A_133, %min3A_134 : i32
          %add3A_136 = arith.addi %mul3A_2, %min3A_135 : i32
          %dma_wait3A_137 = arith.constant 0 : i32
          %dma_wait3A_138 = tpu.memref_slice %arg6[%add3A_136, %dma_wait3A_137] : memref<320000x64xi32, #tpu.memory_space<hbm>> -> memref<128x64xi32, #tpu.memory_space<hbm>>
          %dma_wait3A_139 = arith.constant 0 : i32
          %dma_wait3A_140 = tpu.memref_slice %arg6[%add3A_136, %dma_wait3A_139] : memref<320000x64xi32, #tpu.memory_space<hbm>> -> memref<128x64xi32, #tpu.memory_space<hbm>>
          tpu.wait_dma2 semaphore(%arg23 : memref<!tpu.dma_semaphore, #tpu.memory_space<semaphore_mem>>) src(%arg16 : memref<128x64xi32, #tpu.memory_space<vmem>>) dst(%dma_wait3A_140 : memref<128x64xi32, #tpu.memory_space<hbm>>)
          %dma_wait3A_141 = arith.constant 0 : i32
          %dma_wait3A_142 = tpu.memref_slice %arg7[%add3A_136, %dma_wait3A_141] : memref<320000x64xi32, #tpu.memory_space<hbm>> -> memref<128x64xi32, #tpu.memory_space<hbm>>
          %dma_wait3A_143 = arith.constant 0 : i32
          %dma_wait3A_144 = tpu.memref_slice %arg7[%add3A_136, %dma_wait3A_143] : memref<320000x64xi32, #tpu.memory_space<hbm>> -> memref<128x64xi32, #tpu.memory_space<hbm>>
          tpu.wait_dma2 semaphore(%arg23 : memref<!tpu.dma_semaphore, #tpu.memory_space<semaphore_mem>>) src(%arg17 : memref<128x64xi32, #tpu.memory_space<vmem>>) dst(%dma_wait3A_144 : memref<128x64xi32, #tpu.memory_space<hbm>>)
        } else {
        }
        %mul3A_116 = arith.constant 128 : i32
        %mul3A_117 = arith.muli %add3A_101, %mul3A_116 : i32
        %min3A_118 = arith.constant 9872 : i32
        %min3A_119 = arith.minsi %mul3A_117, %min3A_118 : i32
        %add3A_120 = arith.addi %mul3A_2, %min3A_119 : i32
        %add3A_121 = arith.constant 0 : i32
        %add3A_122 = arith.addi %add3A_121, %add3A_120 : i32
        "tpu.region"() ({
          %run_scoped3A = tpu.sem_alloc : memref<!tpu.dma_semaphore, #tpu.memory_space<semaphore_mem>>
          %dma_start3A_131 = tpu.memref_slice %arg4[%add3A_122] : memref<320000xi32, #tpu.memory_space<hbm>> -> memref<128xi32, #tpu.memory_space<hbm>>
          %dma_start3A_132 = tpu.memref_slice %arg4[%add3A_122] : memref<320000xi32, #tpu.memory_space<hbm>> -> memref<128xi32, #tpu.memory_space<hbm>>
          tpu.enqueue_dma source(%dma_start3A_132 : memref<128xi32, #tpu.memory_space<hbm>>) target(%arg10 : memref<128xi32, #tpu.memory_space<vmem>>) target_semaphore(%run_scoped3A : memref<!tpu.dma_semaphore, #tpu.memory_space<semaphore_mem>>)
          %dma_wait3A_133 = tpu.memref_slice %arg4[%add3A_122] : memref<320000xi32, #tpu.memory_space<hbm>> -> memref<128xi32, #tpu.memory_space<hbm>>
          %dma_wait3A_134 = tpu.memref_slice %arg4[%add3A_122] : memref<320000xi32, #tpu.memory_space<hbm>> -> memref<128xi32, #tpu.memory_space<hbm>>
          tpu.wait_dma2 semaphore(%run_scoped3A : memref<!tpu.dma_semaphore, #tpu.memory_space<semaphore_mem>>) src(%dma_wait3A_134 : memref<128xi32, #tpu.memory_space<hbm>>) dst(%arg10 : memref<128xi32, #tpu.memory_space<vmem>>)
          tpu.yield
        }) : () -> ()
        %add3A_123 = arith.constant 0 : i32
        %add3A_124 = arith.addi %add3A_123, %add3A_120 : i32
        "tpu.region"() ({
          %run_scoped3A = tpu.sem_alloc : memref<!tpu.dma_semaphore, #tpu.memory_space<semaphore_mem>>
          %dma_start3A_131 = tpu.memref_slice %arg5[%add3A_124] : memref<320000xi32, #tpu.memory_space<hbm>> -> memref<128xi32, #tpu.memory_space<hbm>>
          %dma_start3A_132 = tpu.memref_slice %arg5[%add3A_124] : memref<320000xi32, #tpu.memory_space<hbm>> -> memref<128xi32, #tpu.memory_space<hbm>>
          tpu.enqueue_dma source(%dma_start3A_132 : memref<128xi32, #tpu.memory_space<hbm>>) target(%arg11 : memref<128xi32, #tpu.memory_space<vmem>>) target_semaphore(%run_scoped3A : memref<!tpu.dma_semaphore, #tpu.memory_space<semaphore_mem>>)
          %dma_wait3A_133 = tpu.memref_slice %arg5[%add3A_124] : memref<320000xi32, #tpu.memory_space<hbm>> -> memref<128xi32, #tpu.memory_space<hbm>>
          %dma_wait3A_134 = tpu.memref_slice %arg5[%add3A_124] : memref<320000xi32, #tpu.memory_space<hbm>> -> memref<128xi32, #tpu.memory_space<hbm>>
          tpu.wait_dma2 semaphore(%run_scoped3A : memref<!tpu.dma_semaphore, #tpu.memory_space<semaphore_mem>>) src(%dma_wait3A_134 : memref<128xi32, #tpu.memory_space<hbm>>) dst(%arg11 : memref<128xi32, #tpu.memory_space<vmem>>)
          tpu.yield
        }) : () -> ()
        %dma_start3A_125 = arith.constant 0 : i32
        %dma_start3A_126 = arith.constant 0 : i32
        %dma_start3A_127 = tpu.memref_slice %arg2[%dma_start3A_125, %dma_start3A_126] : memref<10000x64xi32, #tpu.memory_space<hbm>> -> memref<10000x64xi32, #tpu.memory_space<hbm>>
        tpu.enqueue_indirect_dma source(%dma_start3A_127 : memref<10000x64xi32, #tpu.memory_space<hbm>>) target(%arg16 : memref<128x64xi32, #tpu.memory_space<vmem>>) offsets(%arg10 : memref<128xi32, #tpu.memory_space<vmem>>) semaphore(%arg22 : memref<!tpu.dma_semaphore, #tpu.memory_space<semaphore_mem>>)
        %dma_start3A_128 = arith.constant 0 : i32
        %dma_start3A_129 = arith.constant 0 : i32
        %dma_start3A_130 = tpu.memref_slice %arg3[%dma_start3A_128, %dma_start3A_129] : memref<10000x64xi32, #tpu.memory_space<hbm>> -> memref<10000x64xi32, #tpu.memory_space<hbm>>
        tpu.enqueue_indirect_dma source(%dma_start3A_130 : memref<10000x64xi32, #tpu.memory_space<hbm>>) target(%arg17 : memref<128x64xi32, #tpu.memory_space<vmem>>) offsets(%arg11 : memref<128xi32, #tpu.memory_space<vmem>>) semaphore(%arg22 : memref<!tpu.dma_semaphore, #tpu.memory_space<semaphore_mem>>)
      } else {
      }
      %lt3A_107 = arith.constant 79 : i32
      %lt3A_108 = arith.cmpi slt, %add3A_99, %lt3A_107 : i32
      %convert_element_type3A_109 = arith.extui %lt3A_108 : i1 to i32
      %cond3A_110 = arith.constant 0 : i32
      %cond3A_111 = arith.cmpi ne, %convert_element_type3A_109, %cond3A_110 : i32
      scf.if %cond3A_111 {
        %mul3A_112 = arith.constant 128 : i32
        %mul3A_113 = arith.muli %add3A_99, %mul3A_112 : i32
        %min3A_114 = arith.constant 9872 : i32
        %min3A_115 = arith.minsi %mul3A_113, %min3A_114 : i32
        %add3A_116 = arith.addi %mul3A_2, %min3A_115 : i32
        %dma_wait3A_117 = arith.constant 0 : i32
        %dma_wait3A_118 = arith.constant 0 : i32
        %dma_wait3A_119 = tpu.memref_slice %arg2[%dma_wait3A_117, %dma_wait3A_118] : memref<10000x64xi32, #tpu.memory_space<hbm>> -> memref<10000x64xi32, #tpu.memory_space<hbm>>
        tpu.wait_indirect_dma semaphore(%arg24 : memref<!tpu.dma_semaphore, #tpu.memory_space<semaphore_mem>>) src(%dma_wait3A_119 : memref<10000x64xi32, #tpu.memory_space<hbm>>) dst(%arg18 : memref<128x64xi32, #tpu.memory_space<vmem>>)
        %dma_wait3A_120 = arith.constant 0 : i32
        %dma_wait3A_121 = arith.constant 0 : i32
        %dma_wait3A_122 = tpu.memref_slice %arg3[%dma_wait3A_120, %dma_wait3A_121] : memref<10000x64xi32, #tpu.memory_space<hbm>> -> memref<10000x64xi32, #tpu.memory_space<hbm>>
        tpu.wait_indirect_dma semaphore(%arg24 : memref<!tpu.dma_semaphore, #tpu.memory_space<semaphore_mem>>) src(%dma_wait3A_122 : memref<10000x64xi32, #tpu.memory_space<hbm>>) dst(%arg19 : memref<128x64xi32, #tpu.memory_space<vmem>>)
        %dma_start3A_123 = arith.constant 0 : i32
        %dma_start3A_124 = tpu.memref_slice %arg6[%add3A_116, %dma_start3A_123] : memref<320000x64xi32, #tpu.memory_space<hbm>> -> memref<128x64xi32, #tpu.memory_space<hbm>>
        %dma_start3A_125 = arith.constant 0 : i32
        %dma_start3A_126 = tpu.memref_slice %arg6[%add3A_116, %dma_start3A_125] : memref<320000x64xi32, #tpu.memory_space<hbm>> -> memref<128x64xi32, #tpu.memory_space<hbm>>
        tpu.enqueue_dma source(%arg18 : memref<128x64xi32, #tpu.memory_space<vmem>>) target(%dma_start3A_126 : memref<128x64xi32, #tpu.memory_space<hbm>>) target_semaphore(%arg25 : memref<!tpu.dma_semaphore, #tpu.memory_space<semaphore_mem>>)
        %dma_start3A_127 = arith.constant 0 : i32
        %dma_start3A_128 = tpu.memref_slice %arg7[%add3A_116, %dma_start3A_127] : memref<320000x64xi32, #tpu.memory_space<hbm>> -> memref<128x64xi32, #tpu.memory_space<hbm>>
        %dma_start3A_129 = arith.constant 0 : i32
        %dma_start3A_130 = tpu.memref_slice %arg7[%add3A_116, %dma_start3A_129] : memref<320000x64xi32, #tpu.memory_space<hbm>> -> memref<128x64xi32, #tpu.memory_space<hbm>>
        tpu.enqueue_dma source(%arg19 : memref<128x64xi32, #tpu.memory_space<vmem>>) target(%dma_start3A_130 : memref<128x64xi32, #tpu.memory_space<hbm>>) target_semaphore(%arg25 : memref<!tpu.dma_semaphore, #tpu.memory_space<semaphore_mem>>)
      } else {
      }
    }
    %scan3A_32 = arith.constant 27 : i32
    %min3A_33 = arith.constant 9728 : i32
    %min3A_34 = arith.constant 9872 : i32
    %min3A_35 = arith.minsi %min3A_33, %min3A_34 : i32
    %add3A_36 = arith.addi %mul3A_2, %min3A_35 : i32
    %dma_wait3A = arith.constant 0 : i32
    %dma_wait3A_37 = tpu.memref_slice %arg6[%add3A_36, %dma_wait3A] : memref<320000x64xi32, #tpu.memory_space<hbm>> -> memref<128x64xi32, #tpu.memory_space<hbm>>
    %dma_wait3A_38 = arith.constant 0 : i32
    %dma_wait3A_39 = tpu.memref_slice %arg6[%add3A_36, %dma_wait3A_38] : memref<320000x64xi32, #tpu.memory_space<hbm>> -> memref<128x64xi32, #tpu.memory_space<hbm>>
    tpu.wait_dma2 semaphore(%arg23 : memref<!tpu.dma_semaphore, #tpu.memory_space<semaphore_mem>>) src(%arg16 : memref<128x64xi32, #tpu.memory_space<vmem>>) dst(%dma_wait3A_39 : memref<128x64xi32, #tpu.memory_space<hbm>>)
    %dma_wait3A_40 = arith.constant 0 : i32
    %dma_wait3A_41 = tpu.memref_slice %arg7[%add3A_36, %dma_wait3A_40] : memref<320000x64xi32, #tpu.memory_space<hbm>> -> memref<128x64xi32, #tpu.memory_space<hbm>>
    %dma_wait3A_42 = arith.constant 0 : i32
    %dma_wait3A_43 = tpu.memref_slice %arg7[%add3A_36, %dma_wait3A_42] : memref<320000x64xi32, #tpu.memory_space<hbm>> -> memref<128x64xi32, #tpu.memory_space<hbm>>
    tpu.wait_dma2 semaphore(%arg23 : memref<!tpu.dma_semaphore, #tpu.memory_space<semaphore_mem>>) src(%arg17 : memref<128x64xi32, #tpu.memory_space<vmem>>) dst(%dma_wait3A_43 : memref<128x64xi32, #tpu.memory_space<hbm>>)
    %min3A_44 = arith.constant 9856 : i32
    %min3A_45 = arith.constant 9872 : i32
    %min3A_46 = arith.minsi %min3A_44, %min3A_45 : i32
    %add3A_47 = arith.addi %mul3A_2, %min3A_46 : i32
    %dma_wait3A_48 = arith.constant 0 : i32
    %dma_wait3A_49 = tpu.memref_slice %arg6[%add3A_47, %dma_wait3A_48] : memref<320000x64xi32, #tpu.memory_space<hbm>> -> memref<128x64xi32, #tpu.memory_space<hbm>>
    %dma_wait3A_50 = arith.constant 0 : i32
    %dma_wait3A_51 = tpu.memref_slice %arg6[%add3A_47, %dma_wait3A_50] : memref<320000x64xi32, #tpu.memory_space<hbm>> -> memref<128x64xi32, #tpu.memory_space<hbm>>
    tpu.wait_dma2 semaphore(%arg25 : memref<!tpu.dma_semaphore, #tpu.memory_space<semaphore_mem>>) src(%arg18 : memref<128x64xi32, #tpu.memory_space<vmem>>) dst(%dma_wait3A_51 : memref<128x64xi32, #tpu.memory_space<hbm>>)
    %dma_wait3A_52 = arith.constant 0 : i32
    %dma_wait3A_53 = tpu.memref_slice %arg7[%add3A_47, %dma_wait3A_52] : memref<320000x64xi32, #tpu.memory_space<hbm>> -> memref<128x64xi32, #tpu.memory_space<hbm>>
    %dma_wait3A_54 = arith.constant 0 : i32
    %dma_wait3A_55 = tpu.memref_slice %arg7[%add3A_47, %dma_wait3A_54] : memref<320000x64xi32, #tpu.memory_space<hbm>> -> memref<128x64xi32, #tpu.memory_space<hbm>>
    tpu.wait_dma2 semaphore(%arg25 : memref<!tpu.dma_semaphore, #tpu.memory_space<semaphore_mem>>) src(%arg19 : memref<128x64xi32, #tpu.memory_space<vmem>>) dst(%dma_wait3A_55 : memref<128x64xi32, #tpu.memory_space<hbm>>)
    %min3A_56 = arith.constant 9984 : i32
    %min3A_57 = arith.constant 9872 : i32
    %min3A_58 = arith.minsi %min3A_56, %min3A_57 : i32
    %add3A_59 = arith.addi %mul3A_2, %min3A_58 : i32
    %dma_wait3A_60 = arith.constant 0 : i32
    %dma_wait3A_61 = tpu.memref_slice %arg6[%add3A_59, %dma_wait3A_60] : memref<320000x64xi32, #tpu.memory_space<hbm>> -> memref<128x64xi32, #tpu.memory_space<hbm>>
    %dma_wait3A_62 = arith.constant 0 : i32
    %dma_wait3A_63 = tpu.memref_slice %arg6[%add3A_59, %dma_wait3A_62] : memref<320000x64xi32, #tpu.memory_space<hbm>> -> memref<128x64xi32, #tpu.memory_space<hbm>>
    tpu.wait_dma2 semaphore(%arg21 : memref<!tpu.dma_semaphore, #tpu.memory_space<semaphore_mem>>) src(%arg14 : memref<128x64xi32, #tpu.memory_space<vmem>>) dst(%dma_wait3A_63 : memref<128x64xi32, #tpu.memory_space<hbm>>)
    %dma_wait3A_64 = arith.constant 0 : i32
    %dma_wait3A_65 = tpu.memref_slice %arg7[%add3A_59, %dma_wait3A_64] : memref<320000x64xi32, #tpu.memory_space<hbm>> -> memref<128x64xi32, #tpu.memory_space<hbm>>
    %dma_wait3A_66 = arith.constant 0 : i32
    %dma_wait3A_67 = tpu.memref_slice %arg7[%add3A_59, %dma_wait3A_66] : memref<320000x64xi32, #tpu.memory_space<hbm>> -> memref<128x64xi32, #tpu.memory_space<hbm>>
    tpu.wait_dma2 semaphore(%arg21 : memref<!tpu.dma_semaphore, #tpu.memory_space<semaphore_mem>>) src(%arg15 : memref<128x64xi32, #tpu.memory_space<vmem>>) dst(%dma_wait3A_67 : memref<128x64xi32, #tpu.memory_space<hbm>>)
    return
  }
}

#map = affine_map<(d0, d1) -> (0, 0)>
#map1 = affine_map<(d0, d1) -> (0)>
module attributes {stable_mosaic.version = 14 : i64} {
  func.func @scatter_k(%arg0: i32, %arg1: i32, %arg2: memref<160000x128xf32, #tpu.memory_space<hbm>>, %arg3: memref<160000x128xf32, #tpu.memory_space<hbm>>, %arg4: memref<320000xi32, #tpu.memory_space<hbm>>, %arg5: memref<10112x128xf32, #tpu.memory_space<hbm>>, %arg6: memref<20224x128xf32, #tpu.memory_space<hbm>>, %arg7: memref<120xi32, #tpu.memory_space<vmem>>, %arg8: memref<120xi32, #tpu.memory_space<vmem>>, %arg9: memref<120x128xf32, #tpu.memory_space<vmem>>, %arg10: memref<120x128xf32, #tpu.memory_space<vmem>>, %arg11: memref<!tpu.dma_semaphore, #tpu.memory_space<semaphore_mem>>, %arg12: memref<!tpu.dma_semaphore, #tpu.memory_space<semaphore_mem>>, %arg13: memref<!tpu.dma_semaphore, #tpu.memory_space<semaphore_mem>>, %arg14: memref<!tpu.dma_semaphore, #tpu.memory_space<semaphore_mem>>, %arg15: memref<10112x128xf32, #tpu.memory_space<vmem_shared>>, %arg16: memref<80xi32, #tpu.memory_space<vmem>>, %arg17: memref<80x128xf32, #tpu.memory_space<vmem>>) attributes {dimension_semantics = [#tpu.dimension_semantics<core_parallel>, #tpu.dimension_semantics<subcore_parallel>], iteration_bounds = array<i64: 2, 16>, scalar_prefetch = 0 : i64, scratch_operands = 11 : i64, tpu.core_type = #tpu.core_type<sc_vector_subcore>, window_params = [{transform_indices = #map}, {transform_indices = #map}, {transform_indices = #map1}, {transform_indices = #map}, {transform_indices = #map}]} {
    %mul3A = arith.constant 2 : i32
    %mul3A_0 = arith.muli %arg1, %mul3A : i32
    %add3A = arith.addi %mul3A_0, %arg0 : i32
    %mul3A_1 = arith.constant 5000 : i32
    %mul3A_2 = arith.muli %add3A, %mul3A_1 : i32
    %mul3A_3 = arith.constant 632 : i32
    %mul3A_4 = arith.muli %arg1, %mul3A_3 : i32
    %mul3A_5 = arith.constant 632 : i32
    %mul3A_6 = arith.muli %arg1, %mul3A_5 : i32
    "tpu.region"() ({
      %run_scoped3A = tpu.sem_alloc : memref<!tpu.dma_semaphore, #tpu.memory_space<semaphore_mem>>
      %dma_start3A_62 = arith.constant 0 : i32
      %dma_start3A_63 = tpu.memref_slice %arg15[%mul3A_6, %dma_start3A_62] : memref<10112x128xf32, #tpu.memory_space<vmem_shared>> -> memref<632x128xf32, #tpu.memory_space<vmem_shared>>
      %dma_start3A_64 = arith.constant 0 : i32
      %dma_start3A_65 = tpu.memref_slice %arg5[%mul3A_4, %dma_start3A_64] : memref<10112x128xf32, #tpu.memory_space<hbm>> -> memref<632x128xf32, #tpu.memory_space<hbm>>
      tpu.enqueue_dma source(%dma_start3A_65 : memref<632x128xf32, #tpu.memory_space<hbm>>) target(%dma_start3A_63 : memref<632x128xf32, #tpu.memory_space<vmem_shared>>) target_semaphore(%run_scoped3A : memref<!tpu.dma_semaphore, #tpu.memory_space<semaphore_mem>>)
      %dma_wait3A_66 = arith.constant 0 : i32
      %dma_wait3A_67 = tpu.memref_slice %arg15[%mul3A_6, %dma_wait3A_66] : memref<10112x128xf32, #tpu.memory_space<vmem_shared>> -> memref<632x128xf32, #tpu.memory_space<vmem_shared>>
      %dma_wait3A_68 = arith.constant 0 : i32
      %dma_wait3A_69 = tpu.memref_slice %arg5[%mul3A_4, %dma_wait3A_68] : memref<10112x128xf32, #tpu.memory_space<hbm>> -> memref<632x128xf32, #tpu.memory_space<hbm>>
      tpu.wait_dma2 semaphore(%run_scoped3A : memref<!tpu.dma_semaphore, #tpu.memory_space<semaphore_mem>>) src(%dma_wait3A_69 : memref<632x128xf32, #tpu.memory_space<hbm>>) dst(%dma_wait3A_67 : memref<632x128xf32, #tpu.memory_space<vmem_shared>>)
      tpu.yield
    }) : () -> ()
    %barrier3A = arith.constant 0 : index
    tpu.barrier barrier_id(%barrier3A)
    %add3A_7 = arith.constant 0 : i32
    %add3A_8 = arith.addi %mul3A_2, %add3A_7 : i32
    %add3A_9 = arith.constant 0 : i32
    %add3A_10 = arith.addi %add3A_9, %add3A_8 : i32
    %dma_start3A = tpu.memref_slice %arg4[%add3A_10] : memref<320000xi32, #tpu.memory_space<hbm>> -> memref<120xi32, #tpu.memory_space<hbm>>
    %dma_start3A_11 = tpu.memref_slice %arg4[%add3A_10] : memref<320000xi32, #tpu.memory_space<hbm>> -> memref<120xi32, #tpu.memory_space<hbm>>
    tpu.enqueue_dma source(%dma_start3A_11 : memref<120xi32, #tpu.memory_space<hbm>>) target(%arg7 : memref<120xi32, #tpu.memory_space<vmem>>) target_semaphore(%arg11 : memref<!tpu.dma_semaphore, #tpu.memory_space<semaphore_mem>>)
    %dma_start3A_12 = arith.constant 0 : i32
    %dma_start3A_13 = tpu.memref_slice %arg2[%add3A_8, %dma_start3A_12] : memref<160000x128xf32, #tpu.memory_space<hbm>> -> memref<120x128xf32, #tpu.memory_space<hbm>>
    %dma_start3A_14 = arith.constant 0 : i32
    %dma_start3A_15 = tpu.memref_slice %arg2[%add3A_8, %dma_start3A_14] : memref<160000x128xf32, #tpu.memory_space<hbm>> -> memref<120x128xf32, #tpu.memory_space<hbm>>
    tpu.enqueue_dma source(%dma_start3A_15 : memref<120x128xf32, #tpu.memory_space<hbm>>) target(%arg9 : memref<120x128xf32, #tpu.memory_space<vmem>>) target_semaphore(%arg11 : memref<!tpu.dma_semaphore, #tpu.memory_space<semaphore_mem>>)
    %scan3A = arith.constant 0 : i32
    %scan3A_16 = arith.constant 21 : i32
    %scan3A_17 = arith.addi %scan3A, %scan3A_16 : i32
    %scan3A_18 = arith.constant 1 : i32
    scf.for %scan3A_62 = %scan3A to %scan3A_17 step %scan3A_18  : i32 {
      %mul3A_63 = arith.constant 2 : i32
      %mul3A_64 = arith.muli %scan3A_62, %mul3A_63 : i32
      %add3A_65 = arith.constant 0 : i32
      %add3A_66 = arith.addi %add3A_65, %mul3A_64 : i32
      %add3A_67 = arith.constant 0 : i32
      %add3A_68 = arith.addi %add3A_66, %add3A_67 : i32
      %add3A_69 = arith.constant 1 : i32
      %add3A_70 = arith.addi %add3A_68, %add3A_69 : i32
      %lt3A = arith.constant 41 : i32
      %lt3A_71 = arith.cmpi slt, %add3A_70, %lt3A : i32
      %convert_element_type3A = arith.extui %lt3A_71 : i1 to i32
      %cond3A = arith.constant 0 : i32
      %cond3A_72 = arith.cmpi ne, %convert_element_type3A, %cond3A : i32
      scf.if %cond3A_72 {
        %ge3A = arith.constant 2 : i32
        %ge3A_92 = arith.cmpi sge, %add3A_70, %ge3A : i32
        %convert_element_type3A_93 = arith.extui %ge3A_92 : i1 to i32
        %cond3A_94 = arith.constant 0 : i32
        %cond3A_95 = arith.cmpi ne, %convert_element_type3A_93, %cond3A_94 : i32
        scf.if %cond3A_95 {
          %dma_wait3A_107 = arith.constant 0 : i32
          %dma_wait3A_108 = arith.constant 0 : i32
          %dma_wait3A_109 = tpu.memref_slice %arg15[%dma_wait3A_107, %dma_wait3A_108] : memref<10112x128xf32, #tpu.memory_space<vmem_shared>> -> memref<10112x128xf32, #tpu.memory_space<vmem_shared>>
          tpu.wait_indirect_dma semaphore(%arg14 : memref<!tpu.dma_semaphore, #tpu.memory_space<semaphore_mem>>) src(%arg10 : memref<120x128xf32, #tpu.memory_space<vmem>>) dst(%dma_wait3A_109 : memref<10112x128xf32, #tpu.memory_space<vmem_shared>>)
        } else {
        }
        %mul3A_96 = arith.constant 120 : i32
        %mul3A_97 = arith.muli %add3A_70, %mul3A_96 : i32
        %add3A_98 = arith.addi %mul3A_2, %mul3A_97 : i32
        %add3A_99 = arith.constant 0 : i32
        %add3A_100 = arith.addi %add3A_99, %add3A_98 : i32
        %dma_start3A_101 = tpu.memref_slice %arg4[%add3A_100] : memref<320000xi32, #tpu.memory_space<hbm>> -> memref<120xi32, #tpu.memory_space<hbm>>
        %dma_start3A_102 = tpu.memref_slice %arg4[%add3A_100] : memref<320000xi32, #tpu.memory_space<hbm>> -> memref<120xi32, #tpu.memory_space<hbm>>
        tpu.enqueue_dma source(%dma_start3A_102 : memref<120xi32, #tpu.memory_space<hbm>>) target(%arg8 : memref<120xi32, #tpu.memory_space<vmem>>) target_semaphore(%arg13 : memref<!tpu.dma_semaphore, #tpu.memory_space<semaphore_mem>>)
        %dma_start3A_103 = arith.constant 0 : i32
        %dma_start3A_104 = tpu.memref_slice %arg2[%add3A_98, %dma_start3A_103] : memref<160000x128xf32, #tpu.memory_space<hbm>> -> memref<120x128xf32, #tpu.memory_space<hbm>>
        %dma_start3A_105 = arith.constant 0 : i32
        %dma_start3A_106 = tpu.memref_slice %arg2[%add3A_98, %dma_start3A_105] : memref<160000x128xf32, #tpu.memory_space<hbm>> -> memref<120x128xf32, #tpu.memory_space<hbm>>
        tpu.enqueue_dma source(%dma_start3A_106 : memref<120x128xf32, #tpu.memory_space<hbm>>) target(%arg10 : memref<120x128xf32, #tpu.memory_space<vmem>>) target_semaphore(%arg13 : memref<!tpu.dma_semaphore, #tpu.memory_space<semaphore_mem>>)
      } else {
      }
      %lt3A_73 = arith.constant 41 : i32
      %lt3A_74 = arith.cmpi slt, %add3A_68, %lt3A_73 : i32
      %convert_element_type3A_75 = arith.extui %lt3A_74 : i1 to i32
      %cond3A_76 = arith.constant 0 : i32
      %cond3A_77 = arith.cmpi ne, %convert_element_type3A_75, %cond3A_76 : i32
      scf.if %cond3A_77 {
        %mul3A_92 = arith.constant 120 : i32
        %mul3A_93 = arith.muli %add3A_68, %mul3A_92 : i32
        %add3A_94 = arith.addi %mul3A_2, %mul3A_93 : i32
        %add3A_95 = arith.constant 0 : i32
        %add3A_96 = arith.addi %add3A_95, %add3A_94 : i32
        %dma_wait3A_97 = tpu.memref_slice %arg4[%add3A_96] : memref<320000xi32, #tpu.memory_space<hbm>> -> memref<120xi32, #tpu.memory_space<hbm>>
        %dma_wait3A_98 = tpu.memref_slice %arg4[%add3A_96] : memref<320000xi32, #tpu.memory_space<hbm>> -> memref<120xi32, #tpu.memory_space<hbm>>
        tpu.wait_dma2 semaphore(%arg11 : memref<!tpu.dma_semaphore, #tpu.memory_space<semaphore_mem>>) src(%dma_wait3A_98 : memref<120xi32, #tpu.memory_space<hbm>>) dst(%arg7 : memref<120xi32, #tpu.memory_space<vmem>>)
        %dma_wait3A_99 = arith.constant 0 : i32
        %dma_wait3A_100 = tpu.memref_slice %arg2[%add3A_94, %dma_wait3A_99] : memref<160000x128xf32, #tpu.memory_space<hbm>> -> memref<120x128xf32, #tpu.memory_space<hbm>>
        %dma_wait3A_101 = arith.constant 0 : i32
        %dma_wait3A_102 = tpu.memref_slice %arg2[%add3A_94, %dma_wait3A_101] : memref<160000x128xf32, #tpu.memory_space<hbm>> -> memref<120x128xf32, #tpu.memory_space<hbm>>
        tpu.wait_dma2 semaphore(%arg11 : memref<!tpu.dma_semaphore, #tpu.memory_space<semaphore_mem>>) src(%dma_wait3A_102 : memref<120x128xf32, #tpu.memory_space<hbm>>) dst(%arg9 : memref<120x128xf32, #tpu.memory_space<vmem>>)
        %dma_start3A_103 = arith.constant 0 : i32
        %dma_start3A_104 = arith.constant 0 : i32
        %dma_start3A_105 = tpu.memref_slice %arg15[%dma_start3A_103, %dma_start3A_104] : memref<10112x128xf32, #tpu.memory_space<vmem_shared>> -> memref<10112x128xf32, #tpu.memory_space<vmem_shared>>
        tpu.enqueue_indirect_dma source(%arg9 : memref<120x128xf32, #tpu.memory_space<vmem>>) target(%dma_start3A_105 : memref<10112x128xf32, #tpu.memory_space<vmem_shared>>) offsets(%arg7 : memref<120xi32, #tpu.memory_space<vmem>>) semaphore(%arg12 : memref<!tpu.dma_semaphore, #tpu.memory_space<semaphore_mem>>) {add = true}
      } else {
      }
      %add3A_78 = arith.constant 1 : i32
      %add3A_79 = arith.addi %add3A_66, %add3A_78 : i32
      %add3A_80 = arith.constant 1 : i32
      %add3A_81 = arith.addi %add3A_79, %add3A_80 : i32
      %lt3A_82 = arith.constant 41 : i32
      %lt3A_83 = arith.cmpi slt, %add3A_81, %lt3A_82 : i32
      %convert_element_type3A_84 = arith.extui %lt3A_83 : i1 to i32
      %cond3A_85 = arith.constant 0 : i32
      %cond3A_86 = arith.cmpi ne, %convert_element_type3A_84, %cond3A_85 : i32
      scf.if %cond3A_86 {
        %ge3A = arith.constant 2 : i32
        %ge3A_92 = arith.cmpi sge, %add3A_81, %ge3A : i32
        %convert_element_type3A_93 = arith.extui %ge3A_92 : i1 to i32
        %cond3A_94 = arith.constant 0 : i32
        %cond3A_95 = arith.cmpi ne, %convert_element_type3A_93, %cond3A_94 : i32
        scf.if %cond3A_95 {
          %dma_wait3A_107 = arith.constant 0 : i32
          %dma_wait3A_108 = arith.constant 0 : i32
          %dma_wait3A_109 = tpu.memref_slice %arg15[%dma_wait3A_107, %dma_wait3A_108] : memref<10112x128xf32, #tpu.memory_space<vmem_shared>> -> memref<10112x128xf32, #tpu.memory_space<vmem_shared>>
          tpu.wait_indirect_dma semaphore(%arg12 : memref<!tpu.dma_semaphore, #tpu.memory_space<semaphore_mem>>) src(%arg9 : memref<120x128xf32, #tpu.memory_space<vmem>>) dst(%dma_wait3A_109 : memref<10112x128xf32, #tpu.memory_space<vmem_shared>>)
        } else {
        }
        %mul3A_96 = arith.constant 120 : i32
        %mul3A_97 = arith.muli %add3A_81, %mul3A_96 : i32
        %add3A_98 = arith.addi %mul3A_2, %mul3A_97 : i32
        %add3A_99 = arith.constant 0 : i32
        %add3A_100 = arith.addi %add3A_99, %add3A_98 : i32
        %dma_start3A_101 = tpu.memref_slice %arg4[%add3A_100] : memref<320000xi32, #tpu.memory_space<hbm>> -> memref<120xi32, #tpu.memory_space<hbm>>
        %dma_start3A_102 = tpu.memref_slice %arg4[%add3A_100] : memref<320000xi32, #tpu.memory_space<hbm>> -> memref<120xi32, #tpu.memory_space<hbm>>
        tpu.enqueue_dma source(%dma_start3A_102 : memref<120xi32, #tpu.memory_space<hbm>>) target(%arg7 : memref<120xi32, #tpu.memory_space<vmem>>) target_semaphore(%arg11 : memref<!tpu.dma_semaphore, #tpu.memory_space<semaphore_mem>>)
        %dma_start3A_103 = arith.constant 0 : i32
        %dma_start3A_104 = tpu.memref_slice %arg2[%add3A_98, %dma_start3A_103] : memref<160000x128xf32, #tpu.memory_space<hbm>> -> memref<120x128xf32, #tpu.memory_space<hbm>>
        %dma_start3A_105 = arith.constant 0 : i32
        %dma_start3A_106 = tpu.memref_slice %arg2[%add3A_98, %dma_start3A_105] : memref<160000x128xf32, #tpu.memory_space<hbm>> -> memref<120x128xf32, #tpu.memory_space<hbm>>
        tpu.enqueue_dma source(%dma_start3A_106 : memref<120x128xf32, #tpu.memory_space<hbm>>) target(%arg9 : memref<120x128xf32, #tpu.memory_space<vmem>>) target_semaphore(%arg11 : memref<!tpu.dma_semaphore, #tpu.memory_space<semaphore_mem>>)
      } else {
      }
      %lt3A_87 = arith.constant 41 : i32
      %lt3A_88 = arith.cmpi slt, %add3A_79, %lt3A_87 : i32
      %convert_element_type3A_89 = arith.extui %lt3A_88 : i1 to i32
      %cond3A_90 = arith.constant 0 : i32
      %cond3A_91 = arith.cmpi ne, %convert_element_type3A_89, %cond3A_90 : i32
      scf.if %cond3A_91 {
        %mul3A_92 = arith.constant 120 : i32
        %mul3A_93 = arith.muli %add3A_79, %mul3A_92 : i32
        %add3A_94 = arith.addi %mul3A_2, %mul3A_93 : i32
        %add3A_95 = arith.constant 0 : i32
        %add3A_96 = arith.addi %add3A_95, %add3A_94 : i32
        %dma_wait3A_97 = tpu.memref_slice %arg4[%add3A_96] : memref<320000xi32, #tpu.memory_space<hbm>> -> memref<120xi32, #tpu.memory_space<hbm>>
        %dma_wait3A_98 = tpu.memref_slice %arg4[%add3A_96] : memref<320000xi32, #tpu.memory_space<hbm>> -> memref<120xi32, #tpu.memory_space<hbm>>
        tpu.wait_dma2 semaphore(%arg13 : memref<!tpu.dma_semaphore, #tpu.memory_space<semaphore_mem>>) src(%dma_wait3A_98 : memref<120xi32, #tpu.memory_space<hbm>>) dst(%arg8 : memref<120xi32, #tpu.memory_space<vmem>>)
        %dma_wait3A_99 = arith.constant 0 : i32
        %dma_wait3A_100 = tpu.memref_slice %arg2[%add3A_94, %dma_wait3A_99] : memref<160000x128xf32, #tpu.memory_space<hbm>> -> memref<120x128xf32, #tpu.memory_space<hbm>>
        %dma_wait3A_101 = arith.constant 0 : i32
        %dma_wait3A_102 = tpu.memref_slice %arg2[%add3A_94, %dma_wait3A_101] : memref<160000x128xf32, #tpu.memory_space<hbm>> -> memref<120x128xf32, #tpu.memory_space<hbm>>
        tpu.wait_dma2 semaphore(%arg13 : memref<!tpu.dma_semaphore, #tpu.memory_space<semaphore_mem>>) src(%dma_wait3A_102 : memref<120x128xf32, #tpu.memory_space<hbm>>) dst(%arg10 : memref<120x128xf32, #tpu.memory_space<vmem>>)
        %dma_start3A_103 = arith.constant 0 : i32
        %dma_start3A_104 = arith.constant 0 : i32
        %dma_start3A_105 = tpu.memref_slice %arg15[%dma_start3A_103, %dma_start3A_104] : memref<10112x128xf32, #tpu.memory_space<vmem_shared>> -> memref<10112x128xf32, #tpu.memory_space<vmem_shared>>
        tpu.enqueue_indirect_dma source(%arg10 : memref<120x128xf32, #tpu.memory_space<vmem>>) target(%dma_start3A_105 : memref<10112x128xf32, #tpu.memory_space<vmem_shared>>) offsets(%arg8 : memref<120xi32, #tpu.memory_space<vmem>>) semaphore(%arg14 : memref<!tpu.dma_semaphore, #tpu.memory_space<semaphore_mem>>) {add = true}
      } else {
      }
    }
    %scan3A_19 = arith.constant 21 : i32
    %dma_wait3A = arith.constant 0 : i32
    %dma_wait3A_20 = arith.constant 0 : i32
    %dma_wait3A_21 = tpu.memref_slice %arg15[%dma_wait3A, %dma_wait3A_20] : memref<10112x128xf32, #tpu.memory_space<vmem_shared>> -> memref<10112x128xf32, #tpu.memory_space<vmem_shared>>
    tpu.wait_indirect_dma semaphore(%arg14 : memref<!tpu.dma_semaphore, #tpu.memory_space<semaphore_mem>>) src(%arg10 : memref<120x128xf32, #tpu.memory_space<vmem>>) dst(%dma_wait3A_21 : memref<10112x128xf32, #tpu.memory_space<vmem_shared>>)
    %dma_wait3A_22 = arith.constant 0 : i32
    %dma_wait3A_23 = arith.constant 0 : i32
    %dma_wait3A_24 = tpu.memref_slice %arg15[%dma_wait3A_22, %dma_wait3A_23] : memref<10112x128xf32, #tpu.memory_space<vmem_shared>> -> memref<10112x128xf32, #tpu.memory_space<vmem_shared>>
    tpu.wait_indirect_dma semaphore(%arg12 : memref<!tpu.dma_semaphore, #tpu.memory_space<semaphore_mem>>) src(%arg9 : memref<120x128xf32, #tpu.memory_space<vmem>>) dst(%dma_wait3A_24 : memref<10112x128xf32, #tpu.memory_space<vmem_shared>>)
    %add3A_25 = arith.constant 4920 : i32
    %add3A_26 = arith.addi %mul3A_2, %add3A_25 : i32
    %add3A_27 = arith.constant 0 : i32
    %add3A_28 = arith.addi %add3A_27, %add3A_26 : i32
    "tpu.region"() ({
      %run_scoped3A = tpu.sem_alloc : memref<!tpu.dma_semaphore, #tpu.memory_space<semaphore_mem>>
      %dma_start3A_62 = tpu.memref_slice %arg4[%add3A_28] : memref<320000xi32, #tpu.memory_space<hbm>> -> memref<80xi32, #tpu.memory_space<hbm>>
      %dma_start3A_63 = tpu.memref_slice %arg4[%add3A_28] : memref<320000xi32, #tpu.memory_space<hbm>> -> memref<80xi32, #tpu.memory_space<hbm>>
      tpu.enqueue_dma source(%dma_start3A_63 : memref<80xi32, #tpu.memory_space<hbm>>) target(%arg16 : memref<80xi32, #tpu.memory_space<vmem>>) target_semaphore(%run_scoped3A : memref<!tpu.dma_semaphore, #tpu.memory_space<semaphore_mem>>)
      %dma_wait3A_64 = tpu.memref_slice %arg4[%add3A_28] : memref<320000xi32, #tpu.memory_space<hbm>> -> memref<80xi32, #tpu.memory_space<hbm>>
      %dma_wait3A_65 = tpu.memref_slice %arg4[%add3A_28] : memref<320000xi32, #tpu.memory_space<hbm>> -> memref<80xi32, #tpu.memory_space<hbm>>
      tpu.wait_dma2 semaphore(%run_scoped3A : memref<!tpu.dma_semaphore, #tpu.memory_space<semaphore_mem>>) src(%dma_wait3A_65 : memref<80xi32, #tpu.memory_space<hbm>>) dst(%arg16 : memref<80xi32, #tpu.memory_space<vmem>>)
      tpu.yield
    }) : () -> ()
    "tpu.region"() ({
      %run_scoped3A = tpu.sem_alloc : memref<!tpu.dma_semaphore, #tpu.memory_space<semaphore_mem>>
      %dma_start3A_62 = arith.constant 0 : i32
      %dma_start3A_63 = tpu.memref_slice %arg2[%add3A_26, %dma_start3A_62] : memref<160000x128xf32, #tpu.memory_space<hbm>> -> memref<80x128xf32, #tpu.memory_space<hbm>>
      %dma_start3A_64 = arith.constant 0 : i32
      %dma_start3A_65 = tpu.memref_slice %arg2[%add3A_26, %dma_start3A_64] : memref<160000x128xf32, #tpu.memory_space<hbm>> -> memref<80x128xf32, #tpu.memory_space<hbm>>
      tpu.enqueue_dma source(%dma_start3A_65 : memref<80x128xf32, #tpu.memory_space<hbm>>) target(%arg17 : memref<80x128xf32, #tpu.memory_space<vmem>>) target_semaphore(%run_scoped3A : memref<!tpu.dma_semaphore, #tpu.memory_space<semaphore_mem>>)
      %dma_wait3A_66 = arith.constant 0 : i32
      %dma_wait3A_67 = tpu.memref_slice %arg2[%add3A_26, %dma_wait3A_66] : memref<160000x128xf32, #tpu.memory_space<hbm>> -> memref<80x128xf32, #tpu.memory_space<hbm>>
      %dma_wait3A_68 = arith.constant 0 : i32
      %dma_wait3A_69 = tpu.memref_slice %arg2[%add3A_26, %dma_wait3A_68] : memref<160000x128xf32, #tpu.memory_space<hbm>> -> memref<80x128xf32, #tpu.memory_space<hbm>>
      tpu.wait_dma2 semaphore(%run_scoped3A : memref<!tpu.dma_semaphore, #tpu.memory_space<semaphore_mem>>) src(%dma_wait3A_69 : memref<80x128xf32, #tpu.memory_space<hbm>>) dst(%arg17 : memref<80x128xf32, #tpu.memory_space<vmem>>)
      tpu.yield
    }) : () -> ()
    "tpu.region"() ({
      %run_scoped3A = tpu.sem_alloc : memref<!tpu.dma_semaphore, #tpu.memory_space<semaphore_mem>>
      %dma_start3A_62 = arith.constant 0 : i32
      %dma_start3A_63 = arith.constant 0 : i32
      %dma_start3A_64 = tpu.memref_slice %arg15[%dma_start3A_62, %dma_start3A_63] : memref<10112x128xf32, #tpu.memory_space<vmem_shared>> -> memref<10112x128xf32, #tpu.memory_space<vmem_shared>>
      tpu.enqueue_indirect_dma source(%arg17 : memref<80x128xf32, #tpu.memory_space<vmem>>) target(%dma_start3A_64 : memref<10112x128xf32, #tpu.memory_space<vmem_shared>>) offsets(%arg16 : memref<80xi32, #tpu.memory_space<vmem>>) semaphore(%run_scoped3A : memref<!tpu.dma_semaphore, #tpu.memory_space<semaphore_mem>>) {add = true}
      %dma_wait3A_65 = arith.constant 0 : i32
      %dma_wait3A_66 = arith.constant 0 : i32
      %dma_wait3A_67 = tpu.memref_slice %arg15[%dma_wait3A_65, %dma_wait3A_66] : memref<10112x128xf32, #tpu.memory_space<vmem_shared>> -> memref<10112x128xf32, #tpu.memory_space<vmem_shared>>
      tpu.wait_indirect_dma semaphore(%run_scoped3A : memref<!tpu.dma_semaphore, #tpu.memory_space<semaphore_mem>>) src(%arg17 : memref<80x128xf32, #tpu.memory_space<vmem>>) dst(%dma_wait3A_67 : memref<10112x128xf32, #tpu.memory_space<vmem_shared>>)
      tpu.yield
    }) : () -> ()
    %add3A_29 = arith.constant 0 : i32
    %add3A_30 = arith.addi %mul3A_2, %add3A_29 : i32
    %add3A_31 = arith.constant 160000 : i32
    %add3A_32 = arith.addi %add3A_31, %add3A_30 : i32
    %dma_start3A_33 = tpu.memref_slice %arg4[%add3A_32] : memref<320000xi32, #tpu.memory_space<hbm>> -> memref<120xi32, #tpu.memory_space<hbm>>
    %dma_start3A_34 = tpu.memref_slice %arg4[%add3A_32] : memref<320000xi32, #tpu.memory_space<hbm>> -> memref<120xi32, #tpu.memory_space<hbm>>
    tpu.enqueue_dma source(%dma_start3A_34 : memref<120xi32, #tpu.memory_space<hbm>>) target(%arg7 : memref<120xi32, #tpu.memory_space<vmem>>) target_semaphore(%arg11 : memref<!tpu.dma_semaphore, #tpu.memory_space<semaphore_mem>>)
    %dma_start3A_35 = arith.constant 0 : i32
    %dma_start3A_36 = tpu.memref_slice %arg3[%add3A_30, %dma_start3A_35] : memref<160000x128xf32, #tpu.memory_space<hbm>> -> memref<120x128xf32, #tpu.memory_space<hbm>>
    %dma_start3A_37 = arith.constant 0 : i32
    %dma_start3A_38 = tpu.memref_slice %arg3[%add3A_30, %dma_start3A_37] : memref<160000x128xf32, #tpu.memory_space<hbm>> -> memref<120x128xf32, #tpu.memory_space<hbm>>
    tpu.enqueue_dma source(%dma_start3A_38 : memref<120x128xf32, #tpu.memory_space<hbm>>) target(%arg9 : memref<120x128xf32, #tpu.memory_space<vmem>>) target_semaphore(%arg11 : memref<!tpu.dma_semaphore, #tpu.memory_space<semaphore_mem>>)
    %scan3A_39 = arith.constant 0 : i32
    %scan3A_40 = arith.constant 21 : i32
    %scan3A_41 = arith.addi %scan3A_39, %scan3A_40 : i32
    %scan3A_42 = arith.constant 1 : i32
    scf.for %scan3A_62 = %scan3A_39 to %scan3A_41 step %scan3A_42  : i32 {
      %mul3A_63 = arith.constant 2 : i32
      %mul3A_64 = arith.muli %scan3A_62, %mul3A_63 : i32
      %add3A_65 = arith.constant 0 : i32
      %add3A_66 = arith.addi %add3A_65, %mul3A_64 : i32
      %add3A_67 = arith.constant 0 : i32
      %add3A_68 = arith.addi %add3A_66, %add3A_67 : i32
      %add3A_69 = arith.constant 1 : i32
      %add3A_70 = arith.addi %add3A_68, %add3A_69 : i32
      %lt3A = arith.constant 41 : i32
      %lt3A_71 = arith.cmpi slt, %add3A_70, %lt3A : i32
      %convert_element_type3A = arith.extui %lt3A_71 : i1 to i32
      %cond3A = arith.constant 0 : i32
      %cond3A_72 = arith.cmpi ne, %convert_element_type3A, %cond3A : i32
      scf.if %cond3A_72 {
        %ge3A = arith.constant 2 : i32
        %ge3A_92 = arith.cmpi sge, %add3A_70, %ge3A : i32
        %convert_element_type3A_93 = arith.extui %ge3A_92 : i1 to i32
        %cond3A_94 = arith.constant 0 : i32
        %cond3A_95 = arith.cmpi ne, %convert_element_type3A_93, %cond3A_94 : i32
        scf.if %cond3A_95 {
          %dma_wait3A_107 = arith.constant 0 : i32
          %dma_wait3A_108 = arith.constant 0 : i32
          %dma_wait3A_109 = tpu.memref_slice %arg15[%dma_wait3A_107, %dma_wait3A_108] : memref<10112x128xf32, #tpu.memory_space<vmem_shared>> -> memref<10112x128xf32, #tpu.memory_space<vmem_shared>>
          tpu.wait_indirect_dma semaphore(%arg14 : memref<!tpu.dma_semaphore, #tpu.memory_space<semaphore_mem>>) src(%arg10 : memref<120x128xf32, #tpu.memory_space<vmem>>) dst(%dma_wait3A_109 : memref<10112x128xf32, #tpu.memory_space<vmem_shared>>)
        } else {
        }
        %mul3A_96 = arith.constant 120 : i32
        %mul3A_97 = arith.muli %add3A_70, %mul3A_96 : i32
        %add3A_98 = arith.addi %mul3A_2, %mul3A_97 : i32
        %add3A_99 = arith.constant 160000 : i32
        %add3A_100 = arith.addi %add3A_99, %add3A_98 : i32
        %dma_start3A_101 = tpu.memref_slice %arg4[%add3A_100] : memref<320000xi32, #tpu.memory_space<hbm>> -> memref<120xi32, #tpu.memory_space<hbm>>
        %dma_start3A_102 = tpu.memref_slice %arg4[%add3A_100] : memref<320000xi32, #tpu.memory_space<hbm>> -> memref<120xi32, #tpu.memory_space<hbm>>
        tpu.enqueue_dma source(%dma_start3A_102 : memref<120xi32, #tpu.memory_space<hbm>>) target(%arg8 : memref<120xi32, #tpu.memory_space<vmem>>) target_semaphore(%arg13 : memref<!tpu.dma_semaphore, #tpu.memory_space<semaphore_mem>>)
        %dma_start3A_103 = arith.constant 0 : i32
        %dma_start3A_104 = tpu.memref_slice %arg3[%add3A_98, %dma_start3A_103] : memref<160000x128xf32, #tpu.memory_space<hbm>> -> memref<120x128xf32, #tpu.memory_space<hbm>>
        %dma_start3A_105 = arith.constant 0 : i32
        %dma_start3A_106 = tpu.memref_slice %arg3[%add3A_98, %dma_start3A_105] : memref<160000x128xf32, #tpu.memory_space<hbm>> -> memref<120x128xf32, #tpu.memory_space<hbm>>
        tpu.enqueue_dma source(%dma_start3A_106 : memref<120x128xf32, #tpu.memory_space<hbm>>) target(%arg10 : memref<120x128xf32, #tpu.memory_space<vmem>>) target_semaphore(%arg13 : memref<!tpu.dma_semaphore, #tpu.memory_space<semaphore_mem>>)
      } else {
      }
      %lt3A_73 = arith.constant 41 : i32
      %lt3A_74 = arith.cmpi slt, %add3A_68, %lt3A_73 : i32
      %convert_element_type3A_75 = arith.extui %lt3A_74 : i1 to i32
      %cond3A_76 = arith.constant 0 : i32
      %cond3A_77 = arith.cmpi ne, %convert_element_type3A_75, %cond3A_76 : i32
      scf.if %cond3A_77 {
        %mul3A_92 = arith.constant 120 : i32
        %mul3A_93 = arith.muli %add3A_68, %mul3A_92 : i32
        %add3A_94 = arith.addi %mul3A_2, %mul3A_93 : i32
        %add3A_95 = arith.constant 160000 : i32
        %add3A_96 = arith.addi %add3A_95, %add3A_94 : i32
        %dma_wait3A_97 = tpu.memref_slice %arg4[%add3A_96] : memref<320000xi32, #tpu.memory_space<hbm>> -> memref<120xi32, #tpu.memory_space<hbm>>
        %dma_wait3A_98 = tpu.memref_slice %arg4[%add3A_96] : memref<320000xi32, #tpu.memory_space<hbm>> -> memref<120xi32, #tpu.memory_space<hbm>>
        tpu.wait_dma2 semaphore(%arg11 : memref<!tpu.dma_semaphore, #tpu.memory_space<semaphore_mem>>) src(%dma_wait3A_98 : memref<120xi32, #tpu.memory_space<hbm>>) dst(%arg7 : memref<120xi32, #tpu.memory_space<vmem>>)
        %dma_wait3A_99 = arith.constant 0 : i32
        %dma_wait3A_100 = tpu.memref_slice %arg3[%add3A_94, %dma_wait3A_99] : memref<160000x128xf32, #tpu.memory_space<hbm>> -> memref<120x128xf32, #tpu.memory_space<hbm>>
        %dma_wait3A_101 = arith.constant 0 : i32
        %dma_wait3A_102 = tpu.memref_slice %arg3[%add3A_94, %dma_wait3A_101] : memref<160000x128xf32, #tpu.memory_space<hbm>> -> memref<120x128xf32, #tpu.memory_space<hbm>>
        tpu.wait_dma2 semaphore(%arg11 : memref<!tpu.dma_semaphore, #tpu.memory_space<semaphore_mem>>) src(%dma_wait3A_102 : memref<120x128xf32, #tpu.memory_space<hbm>>) dst(%arg9 : memref<120x128xf32, #tpu.memory_space<vmem>>)
        %dma_start3A_103 = arith.constant 0 : i32
        %dma_start3A_104 = arith.constant 0 : i32
        %dma_start3A_105 = tpu.memref_slice %arg15[%dma_start3A_103, %dma_start3A_104] : memref<10112x128xf32, #tpu.memory_space<vmem_shared>> -> memref<10112x128xf32, #tpu.memory_space<vmem_shared>>
        tpu.enqueue_indirect_dma source(%arg9 : memref<120x128xf32, #tpu.memory_space<vmem>>) target(%dma_start3A_105 : memref<10112x128xf32, #tpu.memory_space<vmem_shared>>) offsets(%arg7 : memref<120xi32, #tpu.memory_space<vmem>>) semaphore(%arg12 : memref<!tpu.dma_semaphore, #tpu.memory_space<semaphore_mem>>) {add = true}
      } else {
      }
      %add3A_78 = arith.constant 1 : i32
      %add3A_79 = arith.addi %add3A_66, %add3A_78 : i32
      %add3A_80 = arith.constant 1 : i32
      %add3A_81 = arith.addi %add3A_79, %add3A_80 : i32
      %lt3A_82 = arith.constant 41 : i32
      %lt3A_83 = arith.cmpi slt, %add3A_81, %lt3A_82 : i32
      %convert_element_type3A_84 = arith.extui %lt3A_83 : i1 to i32
      %cond3A_85 = arith.constant 0 : i32
      %cond3A_86 = arith.cmpi ne, %convert_element_type3A_84, %cond3A_85 : i32
      scf.if %cond3A_86 {
        %ge3A = arith.constant 2 : i32
        %ge3A_92 = arith.cmpi sge, %add3A_81, %ge3A : i32
        %convert_element_type3A_93 = arith.extui %ge3A_92 : i1 to i32
        %cond3A_94 = arith.constant 0 : i32
        %cond3A_95 = arith.cmpi ne, %convert_element_type3A_93, %cond3A_94 : i32
        scf.if %cond3A_95 {
          %dma_wait3A_107 = arith.constant 0 : i32
          %dma_wait3A_108 = arith.constant 0 : i32
          %dma_wait3A_109 = tpu.memref_slice %arg15[%dma_wait3A_107, %dma_wait3A_108] : memref<10112x128xf32, #tpu.memory_space<vmem_shared>> -> memref<10112x128xf32, #tpu.memory_space<vmem_shared>>
          tpu.wait_indirect_dma semaphore(%arg12 : memref<!tpu.dma_semaphore, #tpu.memory_space<semaphore_mem>>) src(%arg9 : memref<120x128xf32, #tpu.memory_space<vmem>>) dst(%dma_wait3A_109 : memref<10112x128xf32, #tpu.memory_space<vmem_shared>>)
        } else {
        }
        %mul3A_96 = arith.constant 120 : i32
        %mul3A_97 = arith.muli %add3A_81, %mul3A_96 : i32
        %add3A_98 = arith.addi %mul3A_2, %mul3A_97 : i32
        %add3A_99 = arith.constant 160000 : i32
        %add3A_100 = arith.addi %add3A_99, %add3A_98 : i32
        %dma_start3A_101 = tpu.memref_slice %arg4[%add3A_100] : memref<320000xi32, #tpu.memory_space<hbm>> -> memref<120xi32, #tpu.memory_space<hbm>>
        %dma_start3A_102 = tpu.memref_slice %arg4[%add3A_100] : memref<320000xi32, #tpu.memory_space<hbm>> -> memref<120xi32, #tpu.memory_space<hbm>>
        tpu.enqueue_dma source(%dma_start3A_102 : memref<120xi32, #tpu.memory_space<hbm>>) target(%arg7 : memref<120xi32, #tpu.memory_space<vmem>>) target_semaphore(%arg11 : memref<!tpu.dma_semaphore, #tpu.memory_space<semaphore_mem>>)
        %dma_start3A_103 = arith.constant 0 : i32
        %dma_start3A_104 = tpu.memref_slice %arg3[%add3A_98, %dma_start3A_103] : memref<160000x128xf32, #tpu.memory_space<hbm>> -> memref<120x128xf32, #tpu.memory_space<hbm>>
        %dma_start3A_105 = arith.constant 0 : i32
        %dma_start3A_106 = tpu.memref_slice %arg3[%add3A_98, %dma_start3A_105] : memref<160000x128xf32, #tpu.memory_space<hbm>> -> memref<120x128xf32, #tpu.memory_space<hbm>>
        tpu.enqueue_dma source(%dma_start3A_106 : memref<120x128xf32, #tpu.memory_space<hbm>>) target(%arg9 : memref<120x128xf32, #tpu.memory_space<vmem>>) target_semaphore(%arg11 : memref<!tpu.dma_semaphore, #tpu.memory_space<semaphore_mem>>)
      } else {
      }
      %lt3A_87 = arith.constant 41 : i32
      %lt3A_88 = arith.cmpi slt, %add3A_79, %lt3A_87 : i32
      %convert_element_type3A_89 = arith.extui %lt3A_88 : i1 to i32
      %cond3A_90 = arith.constant 0 : i32
      %cond3A_91 = arith.cmpi ne, %convert_element_type3A_89, %cond3A_90 : i32
      scf.if %cond3A_91 {
        %mul3A_92 = arith.constant 120 : i32
        %mul3A_93 = arith.muli %add3A_79, %mul3A_92 : i32
        %add3A_94 = arith.addi %mul3A_2, %mul3A_93 : i32
        %add3A_95 = arith.constant 160000 : i32
        %add3A_96 = arith.addi %add3A_95, %add3A_94 : i32
        %dma_wait3A_97 = tpu.memref_slice %arg4[%add3A_96] : memref<320000xi32, #tpu.memory_space<hbm>> -> memref<120xi32, #tpu.memory_space<hbm>>
        %dma_wait3A_98 = tpu.memref_slice %arg4[%add3A_96] : memref<320000xi32, #tpu.memory_space<hbm>> -> memref<120xi32, #tpu.memory_space<hbm>>
        tpu.wait_dma2 semaphore(%arg13 : memref<!tpu.dma_semaphore, #tpu.memory_space<semaphore_mem>>) src(%dma_wait3A_98 : memref<120xi32, #tpu.memory_space<hbm>>) dst(%arg8 : memref<120xi32, #tpu.memory_space<vmem>>)
        %dma_wait3A_99 = arith.constant 0 : i32
        %dma_wait3A_100 = tpu.memref_slice %arg3[%add3A_94, %dma_wait3A_99] : memref<160000x128xf32, #tpu.memory_space<hbm>> -> memref<120x128xf32, #tpu.memory_space<hbm>>
        %dma_wait3A_101 = arith.constant 0 : i32
        %dma_wait3A_102 = tpu.memref_slice %arg3[%add3A_94, %dma_wait3A_101] : memref<160000x128xf32, #tpu.memory_space<hbm>> -> memref<120x128xf32, #tpu.memory_space<hbm>>
        tpu.wait_dma2 semaphore(%arg13 : memref<!tpu.dma_semaphore, #tpu.memory_space<semaphore_mem>>) src(%dma_wait3A_102 : memref<120x128xf32, #tpu.memory_space<hbm>>) dst(%arg10 : memref<120x128xf32, #tpu.memory_space<vmem>>)
        %dma_start3A_103 = arith.constant 0 : i32
        %dma_start3A_104 = arith.constant 0 : i32
        %dma_start3A_105 = tpu.memref_slice %arg15[%dma_start3A_103, %dma_start3A_104] : memref<10112x128xf32, #tpu.memory_space<vmem_shared>> -> memref<10112x128xf32, #tpu.memory_space<vmem_shared>>
        tpu.enqueue_indirect_dma source(%arg10 : memref<120x128xf32, #tpu.memory_space<vmem>>) target(%dma_start3A_105 : memref<10112x128xf32, #tpu.memory_space<vmem_shared>>) offsets(%arg8 : memref<120xi32, #tpu.memory_space<vmem>>) semaphore(%arg14 : memref<!tpu.dma_semaphore, #tpu.memory_space<semaphore_mem>>) {add = true}
      } else {
      }
    }
    %scan3A_43 = arith.constant 21 : i32
    %dma_wait3A_44 = arith.constant 0 : i32
    %dma_wait3A_45 = arith.constant 0 : i32
    %dma_wait3A_46 = tpu.memref_slice %arg15[%dma_wait3A_44, %dma_wait3A_45] : memref<10112x128xf32, #tpu.memory_space<vmem_shared>> -> memref<10112x128xf32, #tpu.memory_space<vmem_shared>>
    tpu.wait_indirect_dma semaphore(%arg14 : memref<!tpu.dma_semaphore, #tpu.memory_space<semaphore_mem>>) src(%arg10 : memref<120x128xf32, #tpu.memory_space<vmem>>) dst(%dma_wait3A_46 : memref<10112x128xf32, #tpu.memory_space<vmem_shared>>)
    %dma_wait3A_47 = arith.constant 0 : i32
    %dma_wait3A_48 = arith.constant 0 : i32
    %dma_wait3A_49 = tpu.memref_slice %arg15[%dma_wait3A_47, %dma_wait3A_48] : memref<10112x128xf32, #tpu.memory_space<vmem_shared>> -> memref<10112x128xf32, #tpu.memory_space<vmem_shared>>
    tpu.wait_indirect_dma semaphore(%arg12 : memref<!tpu.dma_semaphore, #tpu.memory_space<semaphore_mem>>) src(%arg9 : memref<120x128xf32, #tpu.memory_space<vmem>>) dst(%dma_wait3A_49 : memref<10112x128xf32, #tpu.memory_space<vmem_shared>>)
    %add3A_50 = arith.constant 4920 : i32
    %add3A_51 = arith.addi %mul3A_2, %add3A_50 : i32
    %add3A_52 = arith.constant 160000 : i32
    %add3A_53 = arith.addi %add3A_52, %add3A_51 : i32
    "tpu.region"() ({
      %run_scoped3A = tpu.sem_alloc : memref<!tpu.dma_semaphore, #tpu.memory_space<semaphore_mem>>
      %dma_start3A_62 = tpu.memref_slice %arg4[%add3A_53] : memref<320000xi32, #tpu.memory_space<hbm>> -> memref<80xi32, #tpu.memory_space<hbm>>
      %dma_start3A_63 = tpu.memref_slice %arg4[%add3A_53] : memref<320000xi32, #tpu.memory_space<hbm>> -> memref<80xi32, #tpu.memory_space<hbm>>
      tpu.enqueue_dma source(%dma_start3A_63 : memref<80xi32, #tpu.memory_space<hbm>>) target(%arg16 : memref<80xi32, #tpu.memory_space<vmem>>) target_semaphore(%run_scoped3A : memref<!tpu.dma_semaphore, #tpu.memory_space<semaphore_mem>>)
      %dma_wait3A_64 = tpu.memref_slice %arg4[%add3A_53] : memref<320000xi32, #tpu.memory_space<hbm>> -> memref<80xi32, #tpu.memory_space<hbm>>
      %dma_wait3A_65 = tpu.memref_slice %arg4[%add3A_53] : memref<320000xi32, #tpu.memory_space<hbm>> -> memref<80xi32, #tpu.memory_space<hbm>>
      tpu.wait_dma2 semaphore(%run_scoped3A : memref<!tpu.dma_semaphore, #tpu.memory_space<semaphore_mem>>) src(%dma_wait3A_65 : memref<80xi32, #tpu.memory_space<hbm>>) dst(%arg16 : memref<80xi32, #tpu.memory_space<vmem>>)
      tpu.yield
    }) : () -> ()
    "tpu.region"() ({
      %run_scoped3A = tpu.sem_alloc : memref<!tpu.dma_semaphore, #tpu.memory_space<semaphore_mem>>
      %dma_start3A_62 = arith.constant 0 : i32
      %dma_start3A_63 = tpu.memref_slice %arg3[%add3A_51, %dma_start3A_62] : memref<160000x128xf32, #tpu.memory_space<hbm>> -> memref<80x128xf32, #tpu.memory_space<hbm>>
      %dma_start3A_64 = arith.constant 0 : i32
      %dma_start3A_65 = tpu.memref_slice %arg3[%add3A_51, %dma_start3A_64] : memref<160000x128xf32, #tpu.memory_space<hbm>> -> memref<80x128xf32, #tpu.memory_space<hbm>>
      tpu.enqueue_dma source(%dma_start3A_65 : memref<80x128xf32, #tpu.memory_space<hbm>>) target(%arg17 : memref<80x128xf32, #tpu.memory_space<vmem>>) target_semaphore(%run_scoped3A : memref<!tpu.dma_semaphore, #tpu.memory_space<semaphore_mem>>)
      %dma_wait3A_66 = arith.constant 0 : i32
      %dma_wait3A_67 = tpu.memref_slice %arg3[%add3A_51, %dma_wait3A_66] : memref<160000x128xf32, #tpu.memory_space<hbm>> -> memref<80x128xf32, #tpu.memory_space<hbm>>
      %dma_wait3A_68 = arith.constant 0 : i32
      %dma_wait3A_69 = tpu.memref_slice %arg3[%add3A_51, %dma_wait3A_68] : memref<160000x128xf32, #tpu.memory_space<hbm>> -> memref<80x128xf32, #tpu.memory_space<hbm>>
      tpu.wait_dma2 semaphore(%run_scoped3A : memref<!tpu.dma_semaphore, #tpu.memory_space<semaphore_mem>>) src(%dma_wait3A_69 : memref<80x128xf32, #tpu.memory_space<hbm>>) dst(%arg17 : memref<80x128xf32, #tpu.memory_space<vmem>>)
      tpu.yield
    }) : () -> ()
    "tpu.region"() ({
      %run_scoped3A = tpu.sem_alloc : memref<!tpu.dma_semaphore, #tpu.memory_space<semaphore_mem>>
      %dma_start3A_62 = arith.constant 0 : i32
      %dma_start3A_63 = arith.constant 0 : i32
      %dma_start3A_64 = tpu.memref_slice %arg15[%dma_start3A_62, %dma_start3A_63] : memref<10112x128xf32, #tpu.memory_space<vmem_shared>> -> memref<10112x128xf32, #tpu.memory_space<vmem_shared>>
      tpu.enqueue_indirect_dma source(%arg17 : memref<80x128xf32, #tpu.memory_space<vmem>>) target(%dma_start3A_64 : memref<10112x128xf32, #tpu.memory_space<vmem_shared>>) offsets(%arg16 : memref<80xi32, #tpu.memory_space<vmem>>) semaphore(%run_scoped3A : memref<!tpu.dma_semaphore, #tpu.memory_space<semaphore_mem>>) {add = true}
      %dma_wait3A_65 = arith.constant 0 : i32
      %dma_wait3A_66 = arith.constant 0 : i32
      %dma_wait3A_67 = tpu.memref_slice %arg15[%dma_wait3A_65, %dma_wait3A_66] : memref<10112x128xf32, #tpu.memory_space<vmem_shared>> -> memref<10112x128xf32, #tpu.memory_space<vmem_shared>>
      tpu.wait_indirect_dma semaphore(%run_scoped3A : memref<!tpu.dma_semaphore, #tpu.memory_space<semaphore_mem>>) src(%arg17 : memref<80x128xf32, #tpu.memory_space<vmem>>) dst(%dma_wait3A_67 : memref<10112x128xf32, #tpu.memory_space<vmem_shared>>)
      tpu.yield
    }) : () -> ()
    %barrier3A_54 = arith.constant 0 : index
    tpu.barrier barrier_id(%barrier3A_54)
    %mul3A_55 = arith.constant 632 : i32
    %mul3A_56 = arith.muli %arg1, %mul3A_55 : i32
    %mul3A_57 = arith.constant 10112 : i32
    %mul3A_58 = arith.muli %arg0, %mul3A_57 : i32
    %mul3A_59 = arith.constant 632 : i32
    %mul3A_60 = arith.muli %arg1, %mul3A_59 : i32
    %add3A_61 = arith.addi %mul3A_58, %mul3A_60 : i32
    "tpu.region"() ({
      %run_scoped3A = tpu.sem_alloc : memref<!tpu.dma_semaphore, #tpu.memory_space<semaphore_mem>>
      %dma_start3A_62 = arith.constant 0 : i32
      %dma_start3A_63 = tpu.memref_slice %arg6[%add3A_61, %dma_start3A_62] : memref<20224x128xf32, #tpu.memory_space<hbm>> -> memref<632x128xf32, #tpu.memory_space<hbm>>
      %dma_start3A_64 = arith.constant 0 : i32
      %dma_start3A_65 = tpu.memref_slice %arg15[%mul3A_56, %dma_start3A_64] : memref<10112x128xf32, #tpu.memory_space<vmem_shared>> -> memref<632x128xf32, #tpu.memory_space<vmem_shared>>
      tpu.enqueue_dma source(%dma_start3A_65 : memref<632x128xf32, #tpu.memory_space<vmem_shared>>) target(%dma_start3A_63 : memref<632x128xf32, #tpu.memory_space<hbm>>) target_semaphore(%run_scoped3A : memref<!tpu.dma_semaphore, #tpu.memory_space<semaphore_mem>>)
      %dma_wait3A_66 = arith.constant 0 : i32
      %dma_wait3A_67 = tpu.memref_slice %arg6[%add3A_61, %dma_wait3A_66] : memref<20224x128xf32, #tpu.memory_space<hbm>> -> memref<632x128xf32, #tpu.memory_space<hbm>>
      %dma_wait3A_68 = arith.constant 0 : i32
      %dma_wait3A_69 = tpu.memref_slice %arg15[%mul3A_56, %dma_wait3A_68] : memref<10112x128xf32, #tpu.memory_space<vmem_shared>> -> memref<632x128xf32, #tpu.memory_space<vmem_shared>>
      tpu.wait_dma2 semaphore(%run_scoped3A : memref<!tpu.dma_semaphore, #tpu.memory_space<semaphore_mem>>) src(%dma_wait3A_69 : memref<632x128xf32, #tpu.memory_space<vmem_shared>>) dst(%dma_wait3A_67 : memref<632x128xf32, #tpu.memory_space<hbm>>)
      tpu.yield
    }) : () -> ()
    return
  }
}

module attributes {stable_mosaic.version = 14 : i64} {
  func.func @_proj_body(%arg0: i32, %arg1: memref<2000x128xf32, #tpu.memory_space<vmem>>, %arg2: memref<128x128xf32, #tpu.memory_space<vmem>>, %arg3: memref<128x128xf32, #tpu.memory_space<vmem>>, %arg4: memref<2000x64xi32, #tpu.memory_space<vmem>>, %arg5: memref<2000x64xi32, #tpu.memory_space<vmem>>) attributes {dimension_semantics = [#tpu.dimension_semantics<arbitrary>], iteration_bounds = array<i64: 5>, scalar_prefetch = 0 : i64, scratch_operands = 0 : i64, tpu.core_type = #tpu.core_type<tc>, window_params = [{transform_indices = @transform_0, window_bounds = array<i64: 2000, 128>}, {pipeline_mode = #tpu.pipeline_mode<synchronous>, transform_indices = @transform_1, window_bounds = array<i64: 128, 128>}, {pipeline_mode = #tpu.pipeline_mode<synchronous>, transform_indices = @transform_2, window_bounds = array<i64: 128, 128>}, {transform_indices = @transform_3, window_bounds = array<i64: 2000, 64>}, {transform_indices = @transform_4, window_bounds = array<i64: 2000, 64>}]} {
    %get3A = arith.constant 0 : index
    %get3A_0 = arith.constant 0 : index
    %get3A_1 = vector.load %arg1[%get3A, %get3A_0] : memref<2000x128xf32, #tpu.memory_space<vmem>>, vector<2000x128xf32>
    %get3A_2 = arith.constant 0 : index
    %get3A_3 = arith.constant 0 : index
    %get3A_4 = vector.load %arg2[%get3A_2, %get3A_3] : memref<128x128xf32, #tpu.memory_space<vmem>>, vector<128x128xf32>
    %dot_general3A = arith.constant dense<0.000000e+00> : vector<2000x128xf32>
    %dot_general3A_5 = tpu.matmul %get3A_1, %get3A_4, %dot_general3A {dimension_numbers = #tpu.dot_dimension_numbers<[1], [0], [0], [1], [0, 0, 1, 1], [], []>, transpose_lhs_hint = false} : vector<2000x128xf32>, vector<128x128xf32>, vector<2000x128xf32> -> vector<2000x128xf32>
    %bitcast_convert_type3A = tpu.bitcast %dot_general3A_5 : vector<2000x128xf32> -> vector<2000x128xi32>
    %shift_right_logical3A = arith.constant 16 : i32
    %shift_right_logical3A_6 = vector.broadcast %shift_right_logical3A : i32 to vector<2000x128xi32>
    %shift_right_logical3A_7 = arith.shrui %bitcast_convert_type3A, %shift_right_logical3A_6 : vector<2000x128xi32>
    %and3A = arith.constant 1 : i32
    %and3A_8 = vector.broadcast %and3A : i32 to vector<2000x128xi32>
    %and3A_9 = arith.andi %shift_right_logical3A_7, %and3A_8 : vector<2000x128xi32>
    %add3A = arith.addi %bitcast_convert_type3A, %and3A_9 : vector<2000x128xi32>
    %add3A_10 = arith.constant 32767 : i32
    %add3A_11 = vector.broadcast %add3A_10 : i32 to vector<2000x128xi32>
    %add3A_12 = arith.addi %add3A, %add3A_11 : vector<2000x128xi32>
    %and3A_13 = arith.constant -65536 : i32
    %and3A_14 = vector.broadcast %and3A_13 : i32 to vector<2000x128xi32>
    %and3A_15 = arith.andi %add3A_12, %and3A_14 : vector<2000x128xi32>
    %slice3A = vector.extract_strided_slice %and3A_15 {offsets = [0, 0], sizes = [2000, 64], strides = [1, 1]} : vector<2000x128xi32> to vector<2000x64xi32>
    %slice3A_16 = vector.extract_strided_slice %and3A_15 {offsets = [0, 64], sizes = [2000, 64], strides = [1, 1]} : vector<2000x128xi32> to vector<2000x64xi32>
    %shift_right_logical3A_17 = arith.constant 16 : i32
    %shift_right_logical3A_18 = vector.broadcast %shift_right_logical3A_17 : i32 to vector<2000x64xi32>
    %shift_right_logical3A_19 = arith.shrui %slice3A_16, %shift_right_logical3A_18 : vector<2000x64xi32>
    %or3A = arith.ori %slice3A, %shift_right_logical3A_19 : vector<2000x64xi32>
    %bitcast_convert_type3A_20 = tpu.bitcast %or3A : vector<2000x64xi32> -> vector<2000x64xi32>
    %swap3A = arith.constant 0 : index
    %swap3A_21 = arith.constant 0 : index
    %swap3A_22 = vector.load %arg4[%swap3A, %swap3A_21] : memref<2000x64xi32, #tpu.memory_space<vmem>>, vector<2000x64xi32>
    tpu.vector_store %arg4[%swap3A, %swap3A_21], %bitcast_convert_type3A_20 {strides = array<i32>} : memref<2000x64xi32, #tpu.memory_space<vmem>>, vector<2000x64xi32>,
    %get3A_23 = arith.constant 0 : index
    %get3A_24 = arith.constant 0 : index
    %get3A_25 = vector.load %arg3[%get3A_23, %get3A_24] : memref<128x128xf32, #tpu.memory_space<vmem>>, vector<128x128xf32>
    %dot_general3A_26 = arith.constant dense<0.000000e+00> : vector<2000x128xf32>
    %dot_general3A_27 = tpu.matmul %get3A_1, %get3A_25, %dot_general3A_26 {dimension_numbers = #tpu.dot_dimension_numbers<[1], [0], [0], [1], [0, 0, 1, 1], [], []>, transpose_lhs_hint = false} : vector<2000x128xf32>, vector<128x128xf32>, vector<2000x128xf32> -> vector<2000x128xf32>
    %bitcast_convert_type3A_28 = tpu.bitcast %dot_general3A_27 : vector<2000x128xf32> -> vector<2000x128xi32>
    %shift_right_logical3A_29 = arith.constant 16 : i32
    %shift_right_logical3A_30 = vector.broadcast %shift_right_logical3A_29 : i32 to vector<2000x128xi32>
    %shift_right_logical3A_31 = arith.shrui %bitcast_convert_type3A_28, %shift_right_logical3A_30 : vector<2000x128xi32>
    %and3A_32 = arith.constant 1 : i32
    %and3A_33 = vector.broadcast %and3A_32 : i32 to vector<2000x128xi32>
    %and3A_34 = arith.andi %shift_right_logical3A_31, %and3A_33 : vector<2000x128xi32>
    %add3A_35 = arith.addi %bitcast_convert_type3A_28, %and3A_34 : vector<2000x128xi32>
    %add3A_36 = arith.constant 32767 : i32
    %add3A_37 = vector.broadcast %add3A_36 : i32 to vector<2000x128xi32>
    %add3A_38 = arith.addi %add3A_35, %add3A_37 : vector<2000x128xi32>
    %and3A_39 = arith.constant -65536 : i32
    %and3A_40 = vector.broadcast %and3A_39 : i32 to vector<2000x128xi32>
    %and3A_41 = arith.andi %add3A_38, %and3A_40 : vector<2000x128xi32>
    %slice3A_42 = vector.extract_strided_slice %and3A_41 {offsets = [0, 0], sizes = [2000, 64], strides = [1, 1]} : vector<2000x128xi32> to vector<2000x64xi32>
    %slice3A_43 = vector.extract_strided_slice %and3A_41 {offsets = [0, 64], sizes = [2000, 64], strides = [1, 1]} : vector<2000x128xi32> to vector<2000x64xi32>
    %shift_right_logical3A_44 = arith.constant 16 : i32
    %shift_right_logical3A_45 = vector.broadcast %shift_right_logical3A_44 : i32 to vector<2000x64xi32>
    %shift_right_logical3A_46 = arith.shrui %slice3A_43, %shift_right_logical3A_45 : vector<2000x64xi32>
    %or3A_47 = arith.ori %slice3A_42, %shift_right_logical3A_46 : vector<2000x64xi32>
    %bitcast_convert_type3A_48 = tpu.bitcast %or3A_47 : vector<2000x64xi32> -> vector<2000x64xi32>
    %swap3A_49 = arith.constant 0 : index
    %swap3A_50 = arith.constant 0 : index
    %swap3A_51 = vector.load %arg5[%swap3A_49, %swap3A_50] : memref<2000x64xi32, #tpu.memory_space<vmem>>, vector<2000x64xi32>
    tpu.vector_store %arg5[%swap3A_49, %swap3A_50], %bitcast_convert_type3A_48 {strides = array<i32>} : memref<2000x64xi32, #tpu.memory_space<vmem>>, vector<2000x64xi32>,
    return
  }
  func.func @transform_0(%arg0: i32) -> (i32, i32) {
    %c0_i32 = arith.constant 0 : i32
    %c0_i32_0 = arith.constant 0 : i32
    return %arg0, %c0_i32 : i32, i32
  }
  func.func @transform_1(%arg0: i32) -> (i32, i32) {
    %c0_i32 = arith.constant 0 : i32
    %c0_i32_0 = arith.constant 0 : i32
    %c0_i32_1 = arith.constant 0 : i32
    return %c0_i32, %c0_i32_0 : i32, i32
  }
  func.func @transform_2(%arg0: i32) -> (i32, i32) {
    %c0_i32 = arith.constant 0 : i32
    %c0_i32_0 = arith.constant 0 : i32
    %c0_i32_1 = arith.constant 0 : i32
    return %c0_i32, %c0_i32_0 : i32, i32
  }
  func.func @transform_3(%arg0: i32) -> (i32, i32) {
    %c0_i32 = arith.constant 0 : i32
    %c0_i32_0 = arith.constant 0 : i32
    return %arg0, %c0_i32 : i32, i32
  }
  func.func @transform_4(%arg0: i32) -> (i32, i32) {
    %c0_i32 = arith.constant 0 : i32
    %c0_i32_0 = arith.constant 0 : i32
    return %arg0, %c0_i32 : i32, i32
  }
}

module attributes {stable_mosaic.version = 14 : i64} {
  func.func @_edge_body(%arg0: i32, %arg1: memref<1000x128xi32, #tpu.memory_space<vmem>>, %arg2: memref<1000x128xi32, #tpu.memory_space<vmem>>, %arg3: memref<1000x64xf32, #tpu.memory_space<vmem>>, %arg4: memref<64x128xf32, #tpu.memory_space<vmem>>, %arg5: memref<64x128xf32, #tpu.memory_space<vmem>>, %arg6: memref<1x128xf32, #tpu.memory_space<vmem>>, %arg7: memref<1x128xf32, #tpu.memory_space<vmem>>, %arg8: memref<128x128xf32, #tpu.memory_space<vmem>>, %arg9: memref<128x128xf32, #tpu.memory_space<vmem>>, %arg10: memref<128x128xf32, #tpu.memory_space<vmem>>, %arg11: memref<128x128xf32, #tpu.memory_space<vmem>>, %arg12: memref<64x128xf32, #tpu.memory_space<vmem>>, %arg13: memref<64x128xf32, #tpu.memory_space<vmem>>, %arg14: memref<1x128xf32, #tpu.memory_space<vmem>>, %arg15: memref<1000x128xf32, #tpu.memory_space<vmem>>, %arg16: memref<1000x128xf32, #tpu.memory_space<vmem>>) attributes {dimension_semantics = [#tpu.dimension_semantics<arbitrary>], iteration_bounds = array<i64: 160>, scalar_prefetch = 0 : i64, scratch_operands = 0 : i64, tpu.core_type = #tpu.core_type<tc>, window_params = [{transform_indices = @transform_0, window_bounds = array<i64: 1000, 128>}, {transform_indices = @transform_1, window_bounds = array<i64: 1000, 128>}, {transform_indices = @transform_2, window_bounds = array<i64: 1000, 64>}, {pipeline_mode = #tpu.pipeline_mode<synchronous>, transform_indices = @transform_3, window_bounds = array<i64: 64, 128>}, {pipeline_mode = #tpu.pipeline_mode<synchronous>, transform_indices = @transform_4, window_bounds = array<i64: 64, 128>}, {pipeline_mode = #tpu.pipeline_mode<synchronous>, transform_indices = @transform_5, window_bounds = array<i64: 1, 128>}, {pipeline_mode = #tpu.pipeline_mode<synchronous>, transform_indices = @transform_6, window_bounds = array<i64: 1, 128>}, {pipeline_mode = #tpu.pipeline_mode<synchronous>, transform_indices = @transform_7, window_bounds = array<i64: 128, 128>}, {pipeline_mode = #tpu.pipeline_mode<synchronous>, transform_indices = @transform_8, window_bounds = array<i64: 128, 128>}, {pipeline_mode = #tpu.pipeline_mode<synchronous>, transform_indices = @transform_9, window_bounds = array<i64: 128, 128>}, {pipeline_mode = #tpu.pipeline_mode<synchronous>, transform_indices = @transform_10, window_bounds = array<i64: 128, 128>}, {pipeline_mode = #tpu.pipeline_mode<synchronous>, transform_indices = @transform_11, window_bounds = array<i64: 64, 128>}, {pipeline_mode = #tpu.pipeline_mode<synchronous>, transform_indices = @transform_12, window_bounds = array<i64: 64, 128>}, {pipeline_mode = #tpu.pipeline_mode<synchronous>, transform_indices = @transform_13, window_bounds = array<i64: 1, 128>}, {transform_indices = @transform_14, window_bounds = array<i64: 1000, 128>}, {transform_indices = @transform_15, window_bounds = array<i64: 1000, 128>}]} {
    %get3A = arith.constant 0 : index
    %get3A_0 = arith.constant 0 : index
    %get3A_1 = vector.load %arg1[%get3A, %get3A_0] : memref<1000x128xi32, #tpu.memory_space<vmem>>, vector<1000x128xi32>
    %bitcast_convert_type3A = tpu.bitcast %get3A_1 : vector<1000x128xi32> -> vector<1000x128xi32>
    %and3A = arith.constant -65536 : i32
    %and3A_2 = vector.broadcast %and3A : i32 to vector<1000x128xi32>
    %and3A_3 = arith.andi %bitcast_convert_type3A, %and3A_2 : vector<1000x128xi32>
    %bitcast_convert_type3A_4 = tpu.bitcast %and3A_3 : vector<1000x128xi32> -> vector<1000x128xf32>
    %shift_left3A = arith.constant 16 : i32
    %shift_left3A_5 = vector.broadcast %shift_left3A : i32 to vector<1000x128xi32>
    %shift_left3A_6 = arith.shli %bitcast_convert_type3A, %shift_left3A_5 : vector<1000x128xi32>
    %bitcast_convert_type3A_7 = tpu.bitcast %shift_left3A_6 : vector<1000x128xi32> -> vector<1000x128xf32>
    %get3A_8 = arith.constant 0 : index
    %get3A_9 = arith.constant 0 : index
    %get3A_10 = vector.load %arg2[%get3A_8, %get3A_9] : memref<1000x128xi32, #tpu.memory_space<vmem>>, vector<1000x128xi32>
    %bitcast_convert_type3A_11 = tpu.bitcast %get3A_10 : vector<1000x128xi32> -> vector<1000x128xi32>
    %and3A_12 = arith.constant -65536 : i32
    %and3A_13 = vector.broadcast %and3A_12 : i32 to vector<1000x128xi32>
    %and3A_14 = arith.andi %bitcast_convert_type3A_11, %and3A_13 : vector<1000x128xi32>
    %bitcast_convert_type3A_15 = tpu.bitcast %and3A_14 : vector<1000x128xi32> -> vector<1000x128xf32>
    %shift_left3A_16 = arith.constant 16 : i32
    %shift_left3A_17 = vector.broadcast %shift_left3A_16 : i32 to vector<1000x128xi32>
    %shift_left3A_18 = arith.shli %bitcast_convert_type3A_11, %shift_left3A_17 : vector<1000x128xi32>
    %bitcast_convert_type3A_19 = tpu.bitcast %shift_left3A_18 : vector<1000x128xi32> -> vector<1000x128xf32>
    %get3A_20 = arith.constant 0 : index
    %get3A_21 = arith.constant 0 : index
    %get3A_22 = vector.load %arg3[%get3A_20, %get3A_21] : memref<1000x64xf32, #tpu.memory_space<vmem>>, vector<1000x64xf32>
    %add3A = arith.addf %bitcast_convert_type3A_4, %bitcast_convert_type3A_15 : vector<1000x128xf32>
    %get3A_23 = arith.constant 0 : index
    %get3A_24 = arith.constant 0 : index
    %get3A_25 = vector.load %arg4[%get3A_23, %get3A_24] : memref<64x128xf32, #tpu.memory_space<vmem>>, vector<64x128xf32>
    %dot_general3A = arith.constant dense<0.000000e+00> : vector<1000x128xf32>
    %dot_general3A_26 = tpu.matmul %get3A_22, %get3A_25, %dot_general3A {dimension_numbers = #tpu.dot_dimension_numbers<[1], [0], [0], [1], [0, 0, 1, 1], [], []>, transpose_lhs_hint = false} : vector<1000x64xf32>, vector<64x128xf32>, vector<1000x128xf32> -> vector<1000x128xf32>
    %add3A_27 = arith.addf %add3A, %dot_general3A_26 : vector<1000x128xf32>
    %get3A_28 = arith.constant 0 : index
    %get3A_29 = arith.constant 0 : index
    %get3A_30 = vector.load %arg6[%get3A_28, %get3A_29] : memref<1x128xf32, #tpu.memory_space<vmem>>, vector<1x128xf32>
    %add3A_31 = vector.broadcast %get3A_30 : vector<1x128xf32> to vector<1000x128xf32>
    %add3A_32 = arith.addf %add3A_27, %add3A_31 : vector<1000x128xf32>
    %logistic3A = arith.negf %add3A_32 : vector<1000x128xf32>
    %logistic3A_33 = math.exp %logistic3A : vector<1000x128xf32>
    %logistic3A_34 = arith.constant 1.000000e+00 : f32
    %logistic3A_35 = vector.broadcast %logistic3A_34 : f32 to vector<1000x128xf32>
    %logistic3A_36 = arith.addf %logistic3A_35, %logistic3A_33 : vector<1000x128xf32>
    %logistic3A_37 = arith.divf %logistic3A_35, %logistic3A_36 : vector<1000x128xf32>
    %mul3A = arith.mulf %add3A_32, %logistic3A_37 : vector<1000x128xf32>
    %add3A_38 = arith.addf %bitcast_convert_type3A_7, %bitcast_convert_type3A_19 : vector<1000x128xf32>
    %get3A_39 = arith.constant 0 : index
    %get3A_40 = arith.constant 0 : index
    %get3A_41 = vector.load %arg5[%get3A_39, %get3A_40] : memref<64x128xf32, #tpu.memory_space<vmem>>, vector<64x128xf32>
    %dot_general3A_42 = arith.constant dense<0.000000e+00> : vector<1000x128xf32>
    %dot_general3A_43 = tpu.matmul %get3A_22, %get3A_41, %dot_general3A_42 {dimension_numbers = #tpu.dot_dimension_numbers<[1], [0], [0], [1], [0, 0, 1, 1], [], []>, transpose_lhs_hint = false} : vector<1000x64xf32>, vector<64x128xf32>, vector<1000x128xf32> -> vector<1000x128xf32>
    %add3A_44 = arith.addf %add3A_38, %dot_general3A_43 : vector<1000x128xf32>
    %get3A_45 = arith.constant 0 : index
    %get3A_46 = arith.constant 0 : index
    %get3A_47 = vector.load %arg7[%get3A_45, %get3A_46] : memref<1x128xf32, #tpu.memory_space<vmem>>, vector<1x128xf32>
    %add3A_48 = vector.broadcast %get3A_47 : vector<1x128xf32> to vector<1000x128xf32>
    %add3A_49 = arith.addf %add3A_44, %add3A_48 : vector<1000x128xf32>
    %logistic3A_50 = arith.negf %add3A_49 : vector<1000x128xf32>
    %logistic3A_51 = math.exp %logistic3A_50 : vector<1000x128xf32>
    %logistic3A_52 = arith.constant 1.000000e+00 : f32
    %logistic3A_53 = vector.broadcast %logistic3A_52 : f32 to vector<1000x128xf32>
    %logistic3A_54 = arith.addf %logistic3A_53, %logistic3A_51 : vector<1000x128xf32>
    %logistic3A_55 = arith.divf %logistic3A_53, %logistic3A_54 : vector<1000x128xf32>
    %mul3A_56 = arith.mulf %add3A_49, %logistic3A_55 : vector<1000x128xf32>
    %get3A_57 = arith.constant 0 : index
    %get3A_58 = arith.constant 0 : index
    %get3A_59 = vector.load %arg8[%get3A_57, %get3A_58] : memref<128x128xf32, #tpu.memory_space<vmem>>, vector<128x128xf32>
    %dot_general3A_60 = arith.constant dense<0.000000e+00> : vector<1000x128xf32>
    %dot_general3A_61 = tpu.matmul %mul3A, %get3A_59, %dot_general3A_60 {dimension_numbers = #tpu.dot_dimension_numbers<[1], [0], [0], [1], [0, 0, 1, 1], [], []>, transpose_lhs_hint = false} : vector<1000x128xf32>, vector<128x128xf32>, vector<1000x128xf32> -> vector<1000x128xf32>
    %get3A_62 = arith.constant 0 : index
    %get3A_63 = arith.constant 0 : index
    %get3A_64 = vector.load %arg9[%get3A_62, %get3A_63] : memref<128x128xf32, #tpu.memory_space<vmem>>, vector<128x128xf32>
    %dot_general3A_65 = arith.constant dense<0.000000e+00> : vector<1000x128xf32>
    %dot_general3A_66 = tpu.matmul %mul3A_56, %get3A_64, %dot_general3A_65 {dimension_numbers = #tpu.dot_dimension_numbers<[1], [0], [0], [1], [0, 0, 1, 1], [], []>, transpose_lhs_hint = false} : vector<1000x128xf32>, vector<128x128xf32>, vector<1000x128xf32> -> vector<1000x128xf32>
    %add3A_67 = arith.addf %dot_general3A_61, %dot_general3A_66 : vector<1000x128xf32>
    %get3A_68 = arith.constant 0 : index
    %get3A_69 = arith.constant 0 : index
    %get3A_70 = vector.load %arg12[%get3A_68, %get3A_69] : memref<64x128xf32, #tpu.memory_space<vmem>>, vector<64x128xf32>
    %dot_general3A_71 = arith.constant dense<0.000000e+00> : vector<1000x128xf32>
    %dot_general3A_72 = tpu.matmul %get3A_22, %get3A_70, %dot_general3A_71 {dimension_numbers = #tpu.dot_dimension_numbers<[1], [0], [0], [1], [0, 0, 1, 1], [], []>, transpose_lhs_hint = false} : vector<1000x64xf32>, vector<64x128xf32>, vector<1000x128xf32> -> vector<1000x128xf32>
    %add3A_73 = arith.addf %add3A_67, %dot_general3A_72 : vector<1000x128xf32>
    %get3A_74 = arith.constant 0 : index
    %get3A_75 = arith.constant 0 : index
    %get3A_76 = vector.load %arg14[%get3A_74, %get3A_75] : memref<1x128xf32, #tpu.memory_space<vmem>>, vector<1x128xf32>
    %add3A_77 = vector.broadcast %get3A_76 : vector<1x128xf32> to vector<1000x128xf32>
    %add3A_78 = arith.addf %add3A_73, %add3A_77 : vector<1000x128xf32>
    %logistic3A_79 = arith.negf %add3A_78 : vector<1000x128xf32>
    %logistic3A_80 = math.exp %logistic3A_79 : vector<1000x128xf32>
    %logistic3A_81 = arith.constant 1.000000e+00 : f32
    %logistic3A_82 = vector.broadcast %logistic3A_81 : f32 to vector<1000x128xf32>
    %logistic3A_83 = arith.addf %logistic3A_82, %logistic3A_80 : vector<1000x128xf32>
    %logistic3A_84 = arith.divf %logistic3A_82, %logistic3A_83 : vector<1000x128xf32>
    %mul3A_85 = arith.mulf %add3A_78, %logistic3A_84 : vector<1000x128xf32>
    %swap3A = arith.constant 0 : index
    %swap3A_86 = arith.constant 0 : index
    %swap3A_87 = vector.load %arg15[%swap3A, %swap3A_86] : memref<1000x128xf32, #tpu.memory_space<vmem>>, vector<1000x128xf32>
    tpu.vector_store %arg15[%swap3A, %swap3A_86], %mul3A_85 {strides = array<i32>} : memref<1000x128xf32, #tpu.memory_space<vmem>>, vector<1000x128xf32>,
    %get3A_88 = arith.constant 0 : index
    %get3A_89 = arith.constant 0 : index
    %get3A_90 = vector.load %arg10[%get3A_88, %get3A_89] : memref<128x128xf32, #tpu.memory_space<vmem>>, vector<128x128xf32>
    %dot_general3A_91 = arith.constant dense<0.000000e+00> : vector<1000x128xf32>
    %dot_general3A_92 = tpu.matmul %mul3A, %get3A_90, %dot_general3A_91 {dimension_numbers = #tpu.dot_dimension_numbers<[1], [0], [0], [1], [0, 0, 1, 1], [], []>, transpose_lhs_hint = false} : vector<1000x128xf32>, vector<128x128xf32>, vector<1000x128xf32> -> vector<1000x128xf32>
    %get3A_93 = arith.constant 0 : index
    %get3A_94 = arith.constant 0 : index
    %get3A_95 = vector.load %arg11[%get3A_93, %get3A_94] : memref<128x128xf32, #tpu.memory_space<vmem>>, vector<128x128xf32>
    %dot_general3A_96 = arith.constant dense<0.000000e+00> : vector<1000x128xf32>
    %dot_general3A_97 = tpu.matmul %mul3A_56, %get3A_95, %dot_general3A_96 {dimension_numbers = #tpu.dot_dimension_numbers<[1], [0], [0], [1], [0, 0, 1, 1], [], []>, transpose_lhs_hint = false} : vector<1000x128xf32>, vector<128x128xf32>, vector<1000x128xf32> -> vector<1000x128xf32>
    %add3A_98 = arith.addf %dot_general3A_92, %dot_general3A_97 : vector<1000x128xf32>
    %get3A_99 = arith.constant 0 : index
    %get3A_100 = arith.constant 0 : index
    %get3A_101 = vector.load %arg13[%get3A_99, %get3A_100] : memref<64x128xf32, #tpu.memory_space<vmem>>, vector<64x128xf32>
    %dot_general3A_102 = arith.constant dense<0.000000e+00> : vector<1000x128xf32>
    %dot_general3A_103 = tpu.matmul %get3A_22, %get3A_101, %dot_general3A_102 {dimension_numbers = #tpu.dot_dimension_numbers<[1], [0], [0], [1], [0, 0, 1, 1], [], []>, transpose_lhs_hint = false} : vector<1000x64xf32>, vector<64x128xf32>, vector<1000x128xf32> -> vector<1000x128xf32>
    %add3A_104 = arith.addf %add3A_98, %dot_general3A_103 : vector<1000x128xf32>
    %get3A_105 = arith.constant 0 : index
    %get3A_106 = arith.constant 0 : index
    %get3A_107 = vector.load %arg14[%get3A_105, %get3A_106] : memref<1x128xf32, #tpu.memory_space<vmem>>, vector<1x128xf32>
    %add3A_108 = vector.broadcast %get3A_107 : vector<1x128xf32> to vector<1000x128xf32>
    %add3A_109 = arith.addf %add3A_104, %add3A_108 : vector<1000x128xf32>
    %logistic3A_110 = arith.negf %add3A_109 : vector<1000x128xf32>
    %logistic3A_111 = math.exp %logistic3A_110 : vector<1000x128xf32>
    %logistic3A_112 = arith.constant 1.000000e+00 : f32
    %logistic3A_113 = vector.broadcast %logistic3A_112 : f32 to vector<1000x128xf32>
    %logistic3A_114 = arith.addf %logistic3A_113, %logistic3A_111 : vector<1000x128xf32>
    %logistic3A_115 = arith.divf %logistic3A_113, %logistic3A_114 : vector<1000x128xf32>
    %mul3A_116 = arith.mulf %add3A_109, %logistic3A_115 : vector<1000x128xf32>
    %swap3A_117 = arith.constant 0 : index
    %swap3A_118 = arith.constant 0 : index
    %swap3A_119 = vector.load %arg16[%swap3A_117, %swap3A_118] : memref<1000x128xf32, #tpu.memory_space<vmem>>, vector<1000x128xf32>
    tpu.vector_store %arg16[%swap3A_117, %swap3A_118], %mul3A_116 {strides = array<i32>} : memref<1000x128xf32, #tpu.memory_space<vmem>>, vector<1000x128xf32>,
    return
  }
  func.func @transform_0(%arg0: i32) -> (i32, i32) {
    %c0_i32 = arith.constant 0 : i32
    %c0_i32_0 = arith.constant 0 : i32
    return %arg0, %c0_i32 : i32, i32
  }
  func.func @transform_1(%arg0: i32) -> (i32, i32) {
    %c0_i32 = arith.constant 0 : i32
    %c0_i32_0 = arith.constant 0 : i32
    return %arg0, %c0_i32 : i32, i32
  }
  func.func @transform_2(%arg0: i32) -> (i32, i32) {
    %c0_i32 = arith.constant 0 : i32
    %c0_i32_0 = arith.constant 0 : i32
    return %arg0, %c0_i32 : i32, i32
  }
  func.func @transform_3(%arg0: i32) -> (i32, i32) {
    %c0_i32 = arith.constant 0 : i32
    %c0_i32_0 = arith.constant 0 : i32
    %c0_i32_1 = arith.constant 0 : i32
    return %c0_i32, %c0_i32_0 : i32, i32
  }
  func.func @transform_4(%arg0: i32) -> (i32, i32) {
    %c0_i32 = arith.constant 0 : i32
    %c0_i32_0 = arith.constant 0 : i32
    %c0_i32_1 = arith.constant 0 : i32
    return %c0_i32, %c0_i32_0 : i32, i32
  }
  func.func @transform_5(%arg0: i32) -> (i32, i32) {
    %c0_i32 = arith.constant 0 : i32
    %c0_i32_0 = arith.constant 0 : i32
    %c0_i32_1 = arith.constant 0 : i32
    return %c0_i32, %c0_i32_0 : i32, i32
  }
  func.func @transform_6(%arg0: i32) -> (i32, i32) {
    %c0_i32 = arith.constant 0 : i32
    %c0_i32_0 = arith.constant 0 : i32
    %c0_i32_1 = arith.constant 0 : i32
    return %c0_i32, %c0_i32_0 : i32, i32
  }
  func.func @transform_7(%arg0: i32) -> (i32, i32) {
    %c0_i32 = arith.constant 0 : i32
    %c0_i32_0 = arith.constant 0 : i32
    %c0_i32_1 = arith.constant 0 : i32
    return %c0_i32, %c0_i32_0 : i32, i32
  }
  func.func @transform_8(%arg0: i32) -> (i32, i32) {
    %c0_i32 = arith.constant 0 : i32
    %c0_i32_0 = arith.constant 0 : i32
    %c0_i32_1 = arith.constant 0 : i32
    return %c0_i32, %c0_i32_0 : i32, i32
  }
  func.func @transform_9(%arg0: i32) -> (i32, i32) {
    %c0_i32 = arith.constant 0 : i32
    %c0_i32_0 = arith.constant 0 : i32
    %c0_i32_1 = arith.constant 0 : i32
    return %c0_i32, %c0_i32_0 : i32, i32
  }
  func.func @transform_10(%arg0: i32) -> (i32, i32) {
    %c0_i32 = arith.constant 0 : i32
    %c0_i32_0 = arith.constant 0 : i32
    %c0_i32_1 = arith.constant 0 : i32
    return %c0_i32, %c0_i32_0 : i32, i32
  }
  func.func @transform_11(%arg0: i32) -> (i32, i32) {
    %c0_i32 = arith.constant 0 : i32
    %c0_i32_0 = arith.constant 0 : i32
    %c0_i32_1 = arith.constant 0 : i32
    return %c0_i32, %c0_i32_0 : i32, i32
  }
  func.func @transform_12(%arg0: i32) -> (i32, i32) {
    %c0_i32 = arith.constant 0 : i32
    %c0_i32_0 = arith.constant 0 : i32
    %c0_i32_1 = arith.constant 0 : i32
    return %c0_i32, %c0_i32_0 : i32, i32
  }
  func.func @transform_13(%arg0: i32) -> (i32, i32) {
    %c0_i32 = arith.constant 0 : i32
    %c0_i32_0 = arith.constant 0 : i32
    %c0_i32_1 = arith.constant 0 : i32
    return %c0_i32, %c0_i32_0 : i32, i32
  }
  func.func @transform_14(%arg0: i32) -> (i32, i32) {
    %c0_i32 = arith.constant 0 : i32
    %c0_i32_0 = arith.constant 0 : i32
    return %arg0, %c0_i32 : i32, i32
  }
  func.func @transform_15(%arg0: i32) -> (i32, i32) {
    %c0_i32 = arith.constant 0 : i32
    %c0_i32_0 = arith.constant 0 : i32
    return %arg0, %c0_i32 : i32, i32
  }
}

module attributes {stable_mosaic.version = 14 : i64} {
  func.func @_update_body(%arg0: i32, %arg1: memref<2000x128xf32, #tpu.memory_space<vmem>>, %arg2: memref<2x2000x128xf32, #tpu.memory_space<vmem>>, %arg3: memref<2000x16xf32, #tpu.memory_space<vmem>>, %arg4: memref<2000x16xf32, #tpu.memory_space<vmem>>, %arg5: memref<288x128xf32, #tpu.memory_space<vmem>>, %arg6: memref<1x128xf32, #tpu.memory_space<vmem>>, %arg7: memref<144x128xf32, #tpu.memory_space<vmem>>, %arg8: memref<1x128xf32, #tpu.memory_space<vmem>>, %arg9: memref<2000x128xf32, #tpu.memory_space<vmem>>) attributes {dimension_semantics = [#tpu.dimension_semantics<arbitrary>], iteration_bounds = array<i64: 5>, scalar_prefetch = 0 : i64, scratch_operands = 0 : i64, tpu.core_type = #tpu.core_type<tc>, window_params = [{transform_indices = @transform_0, window_bounds = array<i64: 2000, 128>}, {transform_indices = @transform_1, window_bounds = array<i64: 2, 2000, 128>}, {transform_indices = @transform_2, window_bounds = array<i64: 2000, 16>}, {transform_indices = @transform_3, window_bounds = array<i64: 2000, 16>}, {pipeline_mode = #tpu.pipeline_mode<synchronous>, transform_indices = @transform_4, window_bounds = array<i64: 288, 128>}, {pipeline_mode = #tpu.pipeline_mode<synchronous>, transform_indices = @transform_5, window_bounds = array<i64: 1, 128>}, {pipeline_mode = #tpu.pipeline_mode<synchronous>, transform_indices = @transform_6, window_bounds = array<i64: 144, 128>}, {pipeline_mode = #tpu.pipeline_mode<synchronous>, transform_indices = @transform_7, window_bounds = array<i64: 1, 128>}, {transform_indices = @transform_8, window_bounds = array<i64: 2000, 128>}]} {
    %get3A = arith.constant 0 : index
    %get3A_0 = arith.constant 0 : index
    %get3A_1 = vector.load %arg4[%get3A, %get3A_0] : memref<2000x16xf32, #tpu.memory_space<vmem>>, vector<2000x16xf32>
    %get3A_2 = arith.constant 0 : index
    %get3A_3 = arith.constant 0 : index
    %get3A_4 = arith.constant 0 : index
    %get3A_5 = vector.load %arg2[%get3A_2, %get3A_3, %get3A_4] : memref<2x2000x128xf32, #tpu.memory_space<vmem>>, vector<1x2000x128xf32>
    %get3A_6 = vector.shape_cast %get3A_5 : vector<1x2000x128xf32> to vector<2000x128xf32>
    %get3A_7 = arith.constant 1 : index
    %get3A_8 = arith.constant 0 : index
    %get3A_9 = arith.constant 0 : index
    %get3A_10 = vector.load %arg2[%get3A_7, %get3A_8, %get3A_9] : memref<2x2000x128xf32, #tpu.memory_space<vmem>>, vector<1x2000x128xf32>
    %get3A_11 = vector.shape_cast %get3A_10 : vector<1x2000x128xf32> to vector<2000x128xf32>
    %add3A = arith.addf %get3A_6, %get3A_11 : vector<2000x128xf32>
    %get3A_12 = arith.constant 0 : index
    %get3A_13 = arith.constant 0 : index
    %get3A_14 = vector.load %arg1[%get3A_12, %get3A_13] : memref<2000x128xf32, #tpu.memory_space<vmem>>, vector<2000x128xf32>
    %get3A_15 = arith.constant 0 : index
    %get3A_16 = arith.constant 0 : index
    %get3A_17 = vector.load %arg3[%get3A_15, %get3A_16] : memref<2000x16xf32, #tpu.memory_space<vmem>>, vector<2000x16xf32>
    %concatenate3A = tpu.concatenate %get3A_14, %add3A, %get3A_17, %get3A_1 in 1 : vector<2000x128xf32>, vector<2000x128xf32>, vector<2000x16xf32>, vector<2000x16xf32> -> vector<2000x288xf32>
    %get3A_18 = arith.constant 0 : index
    %get3A_19 = arith.constant 0 : index
    %get3A_20 = vector.load %arg5[%get3A_18, %get3A_19] : memref<288x128xf32, #tpu.memory_space<vmem>>, vector<288x128xf32>
    %dot_general3A = arith.constant dense<0.000000e+00> : vector<2000x128xf32>
    %dot_general3A_21 = tpu.matmul %concatenate3A, %get3A_20, %dot_general3A {dimension_numbers = #tpu.dot_dimension_numbers<[1], [0], [0], [1], [0, 0, 1, 1], [], []>, transpose_lhs_hint = false} : vector<2000x288xf32>, vector<288x128xf32>, vector<2000x128xf32> -> vector<2000x128xf32>
    %get3A_22 = arith.constant 0 : index
    %get3A_23 = arith.constant 0 : index
    %get3A_24 = vector.load %arg6[%get3A_22, %get3A_23] : memref<1x128xf32, #tpu.memory_space<vmem>>, vector<1x128xf32>
    %add3A_25 = vector.broadcast %get3A_24 : vector<1x128xf32> to vector<2000x128xf32>
    %add3A_26 = arith.addf %dot_general3A_21, %add3A_25 : vector<2000x128xf32>
    %logistic3A = arith.negf %add3A_26 : vector<2000x128xf32>
    %logistic3A_27 = math.exp %logistic3A : vector<2000x128xf32>
    %logistic3A_28 = arith.constant 1.000000e+00 : f32
    %logistic3A_29 = vector.broadcast %logistic3A_28 : f32 to vector<2000x128xf32>
    %logistic3A_30 = arith.addf %logistic3A_29, %logistic3A_27 : vector<2000x128xf32>
    %logistic3A_31 = arith.divf %logistic3A_29, %logistic3A_30 : vector<2000x128xf32>
    %mul3A = arith.mulf %add3A_26, %logistic3A_31 : vector<2000x128xf32>
    %concatenate3A_32 = tpu.concatenate %mul3A, %get3A_1 in 1 : vector<2000x128xf32>, vector<2000x16xf32> -> vector<2000x144xf32>
    %get3A_33 = arith.constant 0 : index
    %get3A_34 = arith.constant 0 : index
    %get3A_35 = vector.load %arg7[%get3A_33, %get3A_34] : memref<144x128xf32, #tpu.memory_space<vmem>>, vector<144x128xf32>
    %dot_general3A_36 = arith.constant dense<0.000000e+00> : vector<2000x128xf32>
    %dot_general3A_37 = tpu.matmul %concatenate3A_32, %get3A_35, %dot_general3A_36 {dimension_numbers = #tpu.dot_dimension_numbers<[1], [0], [0], [1], [0, 0, 1, 1], [], []>, transpose_lhs_hint = false} : vector<2000x144xf32>, vector<144x128xf32>, vector<2000x128xf32> -> vector<2000x128xf32>
    %get3A_38 = arith.constant 0 : index
    %get3A_39 = arith.constant 0 : index
    %get3A_40 = vector.load %arg8[%get3A_38, %get3A_39] : memref<1x128xf32, #tpu.memory_space<vmem>>, vector<1x128xf32>
    %add3A_41 = vector.broadcast %get3A_40 : vector<1x128xf32> to vector<2000x128xf32>
    %add3A_42 = arith.addf %dot_general3A_37, %add3A_41 : vector<2000x128xf32>
    %swap3A = arith.constant 0 : index
    %swap3A_43 = arith.constant 0 : index
    %swap3A_44 = vector.load %arg9[%swap3A, %swap3A_43] : memref<2000x128xf32, #tpu.memory_space<vmem>>, vector<2000x128xf32>
    tpu.vector_store %arg9[%swap3A, %swap3A_43], %add3A_42 {strides = array<i32>} : memref<2000x128xf32, #tpu.memory_space<vmem>>, vector<2000x128xf32>,
    return
  }
  func.func @transform_0(%arg0: i32) -> (i32, i32) {
    %c0_i32 = arith.constant 0 : i32
    %c0_i32_0 = arith.constant 0 : i32
    return %arg0, %c0_i32 : i32, i32
  }
  func.func @transform_1(%arg0: i32) -> (i32, i32, i32) {
    %c0_i32 = arith.constant 0 : i32
    %c0_i32_0 = arith.constant 0 : i32
    %c0_i32_1 = arith.constant 0 : i32
    return %c0_i32, %arg0, %c0_i32_0 : i32, i32, i32
  }
  func.func @transform_2(%arg0: i32) -> (i32, i32) {
    %c0_i32 = arith.constant 0 : i32
    %c0_i32_0 = arith.constant 0 : i32
    return %arg0, %c0_i32 : i32, i32
  }
  func.func @transform_3(%arg0: i32) -> (i32, i32) {
    %c0_i32 = arith.constant 0 : i32
    %c0_i32_0 = arith.constant 0 : i32
    return %arg0, %c0_i32 : i32, i32
  }
  func.func @transform_4(%arg0: i32) -> (i32, i32) {
    %c0_i32 = arith.constant 0 : i32
    %c0_i32_0 = arith.constant 0 : i32
    %c0_i32_1 = arith.constant 0 : i32
    return %c0_i32, %c0_i32_0 : i32, i32
  }
  func.func @transform_5(%arg0: i32) -> (i32, i32) {
    %c0_i32 = arith.constant 0 : i32
    %c0_i32_0 = arith.constant 0 : i32
    %c0_i32_1 = arith.constant 0 : i32
    return %c0_i32, %c0_i32_0 : i32, i32
  }
  func.func @transform_6(%arg0: i32) -> (i32, i32) {
    %c0_i32 = arith.constant 0 : i32
    %c0_i32_0 = arith.constant 0 : i32
    %c0_i32_1 = arith.constant 0 : i32
    return %c0_i32, %c0_i32_0 : i32, i32
  }
  func.func @transform_7(%arg0: i32) -> (i32, i32) {
    %c0_i32 = arith.constant 0 : i32
    %c0_i32_0 = arith.constant 0 : i32
    %c0_i32_1 = arith.constant 0 : i32
    return %c0_i32, %c0_i32_0 : i32, i32
  }
  func.func @transform_8(%arg0: i32) -> (i32, i32) {
    %c0_i32 = arith.constant 0 : i32
    %c0_i32_0 = arith.constant 0 : i32
    return %arg0, %c0_i32 : i32, i32
  }
}

</mosaic_0001>

<sc_bundles>
// kernel: kernel.10.cloned.1.call-start
scs
__scs_entry_jumppad:
0x0: {  	(pc) =	sbr.rel $0x88, $3  }
0x1: {  	(tag) =	ssettag $0x0;
	lr =	simm.s32 $0x1  }
0x2: {  	[smem:$0x3F93] =	sst lr;
	_ =	strace $0xD0000000  }
0x3: {  	_ = 	snop  }
0x4: {  	_ = 	snop  }
0x5: {  	_ = 	snop  }
0x6: {  	_ = 	snop  }
0x7: {  	_ = 	snop  }
__scs_overlays_trampoline_lowered:
0x8: {  	[smem:$0x3FA2] =	sst s0  }
0x9: {  	[smem:$0x3FA3] =	sst s1  }
0xa: {  	[smem:$0x3FA4] =	sst s2  }
0xb: {  	[smem:$0x3FA5] =	sst s3  }
0xc: {  	[smem:$0x3FA6] =	sst s4  }
0xd: {  	[smem:$0x3FA7] =	sst s5  }
0xe: {  	[smem:$0x3FA8] =	sst s6  }
0xf: {  	[smem:$0x3FA9] =	sst s7  }
0x10: {  	[smem:$0x3FAA] =	sst s8  }
0x11: {  	[smem:$0x3FAB] =	sst s9;
	s0 =	simm.s32 @!p0 $0x0  }
0x12: {  	s1 =	sld [smem:$0x3F91];
	s0 =	simm.s32 @p0 $0x1  }
0x13: {  	[smem:$0x3FAC] =	sst s0;
	s0 =	simm.s32 @!p1 $0x0  }
0x14: {  	s2 =	sld [smem:$0x3F90];
	s0 =	simm.s32 @p1 $0x1  }
0x15: {  	[smem:$0x3FAD] =	sst s0;
	s0 =	simm.s32 @!p2 $0x0  }
0x16: {  	s3 =	sld [smem:$0x3FDB];
	s0 =	simm.s32 @p2 $0x1  }
0x17: {  	s4 =	simm.s32 $0x1BF5;
	[smem:$0x3FAF] =	sst s0  }
0x18: {  	s0 =	sld [smem:$0x3F92];
	_ =	swait.ge [sflag:s4], $0x0  }
0x19: {  	s7 =	sld [smem:$0x3F93]  }
0x1a: {  	s8 =	sadd.s32 $0xFFFFE003, lr  }
0x1b: {  	s9 =	sadd.s32 $0xFFFFFEF7, lr;
	s5 =	simm.s32 $0xFFFFFFFF;
	p2 =	slt.u32 s8, $0xFFFFF086  }
0x1c: {  	p1 =	slt.u32 s9, $0xF7A;
	s5 =	simm.s32 @!p2 $0x0  }
0x1d: {  	s5 =	simm.s32 @p1 $0x1;
	p0 =	seq.s32 s7, s2  }
0x1e: {  	s7 =	smul.u32 @!p0 $0xF7A, s2;
	p2 =	seq.s32 @!p0 s5, $0x0  }
0x1f: {  	s9 =	smul.u32 $0xF7A, s1;
	s8 =	simm.s32 @!p0 $0x1BF5;
	p2 =	por !p2, p0  }
0x20: {  	[sflag:s8] =	ssyncset.s32 @!p0 $0xFFFFF086;
	s6 =	sadd.s32 @!p0 s3, s7;
	s7 =	simm.s32 @!p0 $0x108  }
0x21: {  	s3 =	sadd.s32 s3, s9;
	s6 =	sadd.s32 @!p0 $0x88, s6;
	s7 =	simm.s32 @p2 $0x1082  }
0x22: {  	[simem:s7], [sflag:s8] =	dma.local @!p0 [hbm:s6], $0xF7A  }
0x23: {  	s9 =	sor.u32 $0xD0000000, s2;
	s6 =	simm.s32 $0x108;
	_ =	swait.ge @!p0 [sflag:s8], $0x0  }
0x24: {  	s3 =	sadd.s32 $0x88, s3;
	s6 =	simm.s32 @!p1 $0x1082;
	[sflag:s4] =	ssyncset.s32 $0xFFFFF086  }
0x25: {  	[simem:s6], [sflag:s4] =	dma.local [hbm:s3], $0xF7A  }
0x26: {  	[smem:$0x3F93] =	sst s1;
	(tag) =	ssettag s2;
	_ =	strace s9  }
0x27: {  	s1 =	sld [smem:$0x3FA3]  }
0x28: {  	s2 =	sld [smem:$0x3FA4]  }
0x29: {  	s4 =	sld [smem:$0x3FA6]  }
0x2a: {  	p0 =	seq.s32 s5, $0x0;
	s5 =	sld [smem:$0x3FA7]  }
0x2b: {  	s6 =	sld [smem:$0x3FA8]  }
0x2c: {  	s7 =	sld [smem:$0x3FA9]  }
0x2d: {  	s3 =	simm.s32 $0x108;
	s8 =	sld [smem:$0x3FAA]  }
0x2e: {  	s3 =	simm.s32 @!p0 $0x1082;
	s9 =	sld [smem:$0x3FAB]  }
0x2f: {  	lr =	sadd.s32 s0, s3;
	s0 =	sld [smem:$0x3FA2]  }
0x30: {  	s3 =	sld [smem:$0x3FA5]  }
0x31: {  	[smem:$0x3FAE] =	sst s10  }
0x32: {  	s10 =	sld [smem:$0x3FAC];
	_ =	sdelay $0x3  }
0x33: {  	p0 =	seq.s32 s10, $0x1;
	s10 =	sld [smem:$0x3FAE];
	_ =	sdelay $0x3  }
0x34: {  	[smem:$0x3FAE] =	sst s10  }
0x35: {  	s10 =	sld [smem:$0x3FAD];
	_ =	sdelay $0x3  }
0x36: {  	p1 =	seq.s32 s10, $0x1;
	s10 =	sld [smem:$0x3FAE];
	_ =	sdelay $0x3  }
0x37: {  	[smem:$0x3FAE] =	sst s10  }
0x38: {  	s10 =	sld [smem:$0x3FAF]  }
0x39: {  	_ = 	snop;
	(pc) =	sbr.ind lr, $3  }
0x3a: {  	_ = 	snop  }
0x3b: {  	_ = 	snop  }
0x3c: {  	p2 =	seq.s32 s10, $0x1;
	s10 =	sld [smem:$0x3FAE]  }
0x3d: {  	_ =	shalt  }
0x3e: {  	_ =	shalt  }
0x3f: {  	_ =	shalt  }
0x40: {  	_ =	shalt  }
0x41: {  	_ =	shalt  }
0x42: {  	_ =	shalt  }
0x43: {  	_ =	shalt  }
0x44: {  	_ =	shalt  }
0x45: {  	_ =	shalt  }
0x46: {  	_ =	shalt  }
0x47: {  	_ =	shalt  }
0x48: {  	_ =	shalt  }
0x49: {  	_ =	shalt  }
0x4a: {  	_ =	shalt  }
0x4b: {  	_ =	shalt  }
0x4c: {  	_ =	shalt  }
0x4d: {  	_ =	shalt  }
0x4e: {  	_ =	shalt  }
0x4f: {  	_ =	shalt  }
0x50: {  	_ =	shalt  }
0x51: {  	_ =	shalt  }
0x52: {  	_ =	shalt  }
0x53: {  	_ =	shalt  }
0x54: {  	_ =	shalt  }
0x55: {  	_ =	shalt  }
0x56: {  	_ =	shalt  }
0x57: {  	_ =	shalt  }
0x58: {  	_ =	shalt  }
0x59: {  	_ =	shalt  }
0x5a: {  	_ =	shalt  }
0x5b: {  	_ =	shalt  }
0x5c: {  	_ =	shalt  }
0x5d: {  	_ =	shalt  }
0x5e: {  	_ =	shalt  }
0x5f: {  	_ =	shalt  }
0x60: {  	_ =	shalt  }
0x61: {  	_ =	shalt  }
0x62: {  	_ =	shalt  }
0x63: {  	_ =	shalt  }
0x64: {  	_ =	shalt  }
0x65: {  	_ =	shalt  }
0x66: {  	_ =	shalt  }
0x67: {  	_ =	shalt  }
0x68: {  	_ =	shalt  }
0x69: {  	_ =	shalt  }
0x6a: {  	_ =	shalt  }
0x6b: {  	_ =	shalt  }
0x6c: {  	_ =	shalt  }
0x6d: {  	_ =	shalt  }
0x6e: {  	_ =	shalt  }
0x6f: {  	_ =	shalt  }
0x70: {  	_ =	shalt  }
0x71: {  	_ =	shalt  }
0x72: {  	_ =	shalt  }
0x73: {  	_ =	shalt  }
0x74: {  	_ =	shalt  }
0x75: {  	_ =	shalt  }
0x76: {  	_ =	shalt  }
0x77: {  	_ =	shalt  }
0x78: {  	_ =	shalt  }
0x79: {  	_ =	shalt  }
0x7a: {  	_ =	shalt  }
0x7b: {  	_ =	shalt  }
0x7c: {  	_ =	shalt  }
0x7d: {  	_ =	shalt  }
0x7e: {  	_ =	shalt  }
0x7f: {  	_ =	shalt  }
0x80: {  	_ =	shalt  }
0x81: {  	_ =	shalt  }
0x82: {  	_ =	shalt  }
0x83: {  	_ =	shalt  }
0x84: {  	_ =	shalt  }
0x85: {  	_ =	shalt  }
0x86: {  	_ =	shalt  }
0x87: {  	_ =	shalt  }
.Lfunc_end0:
.L_simem_size_0:
called_computation.2_lowered:
.L_overlay_start_0:
0x88: {  	s2 =	sld [smem:$0x3FD9]  }
0x89: {  	s3 =	sld [smem:$0x3FFE];
	_ =	sdelay $0x1  }
0x8a: {  	s1 =	srdreg.scid  }
0x8b: {  	s0 =	sand.u32 $0x1, s1  }
0x8c: {  	s16 =	sshll.u32 s0, $0xA;
	s2 =	sadd.s32 s3, s2  }
0x8d: {  	s2 =	sadd.s32 s2, s16  }
0x8e: {  	[smem:$0x3FBA] =	sst s2  }
0x8f: {  	_ = 	snop  }
0x90: {  	(tm) =	ssettm $0x1  }
0x91: {  	s17 =	sld [smem:$0x3FFB];
	_ =	sdelay $0x3  }
0x92: {  	_ =	strace s17  }
0x93: {  	s2 =	sld [smem:$0x3FFC];
	_ =	sdelay $0x3  }
0x94: {  	_ =	strace s2  }
0x95: {  	s2 =	sld [smem:$0x3FFD];
	_ =	sdelay $0x3  }
0x96: {  	_ =	strace s2  }
0x97: {  	_ =	strace $0x8FFFFFFF  }
0x98: {  	s18 =	sld [smem:$0x3FDB];
	_ =	sdelay $0x1  }
0x99: {  	s19 =	simm.s32 $_scs_section_size  }
0x9a: {  	s4 =	simm.s32 $_size__tile_overlayer_lowered;
	s5 =	simm.s32 $_tile_overlayer_lowered  }
0x9b: {  	s22 =	simm.s32 $0x1BFF;
	s21 =	sshll.u32 s5, $0x1;
	s2 =	sadd.s32 s19, s18  }
0x9c: {  	s6 =	simm.s32 $0x0;
	s20 =	sshll.u32 s4, $0x1;
	s4 =	sadd.s32 s21, s2  }
0x9d: {  	[timem:s6], [sflag:s22] =	dma.local [hbm:s4], s20  }
0x9e: {  	_ =	swait.ge [sflag:s22], s20  }
0x9f: {  	s3 =	ssub.s32 $0x0, s20;
	[sflag:s22] =	ssyncset.done $0x0  }
0xa0: {  	[sflag:s22] =	ssyncadd.s32 s3;
	_ =	sdelay $0x1  }
0xa1: {  	s23 =	simm.s32 $0x1B8B  }
0xa2: {  	_ =	swait.ge [sflag:s23], $0x1  }
0xa3: {  	[sflag:s23] =	ssyncset.done $0x0  }
0xa4: {  	s25 =	simm.s32 $0x1B8E;
	s24 =	sld [smem:$0x3FFE];
	[sflag:s23] =	ssyncadd.s32 $0xFFFFFFFF  }
0xa5: {  	s26 =	simm.s32 $execute0_lowered;
	[smem:$0x3FD2] =	sst s25  }
0xa6: {  	s4 =	sshll.u32 s26, $0x1;
	_ =	strace $0x8000004C;
	[dreg:$0x1] =	wrdreg $0xFFFFFFFF  }
0xa7: {  	s28 =	simm.s32 $_size_execute0_lowered;
	s2 =	sadd.s32 s2, s4;
	[dreg:$0x0] =	wrdreg $0x0  }
0xa8: {  	s4 =	sshll.u32 s28, $0x1;
	[dreg:$0x2] =	wrdreg s2  }
0xa9: {  	[dreg:$0x3] =	wrdreg s4  }
0xaa: {  	[dreg:$0x4] =	wrdreg $0xC0  }
0xab: {  	_ =	task [dreg:s6], $0x5FFFF  }
0xac: {  	[dreg:$0x1] =	wrdreg $0xFFFFFFFF  }
0xad: {  	[dreg:$0x0] =	wrdreg $0x60  }
0xae: {  	[dreg:$0x2] =	wrdreg s24  }
0xaf: {  	[dreg:$0x3] =	wrdreg $0x79000  }
0xb0: {  	[dreg:$0x4] =	wrdreg $0x9  }
0xb1: {  	_ =	task.clear_ibuf [dreg:s6], $0x5FFFF;
	_ =	strace $0x9000004C  }
0xb2: {  	s29 =	simm.s32 $0x9;
	_ =	strace $0x8000004E  }
0xb3: {  	_ =	swait.ge [sflag:s29], $0x1  }
0xb4: {  	[sflag:s29] =	ssyncadd.s32 $0xFFFFFFFF  }
0xb5: {  	_ =	strace $0x9000004E  }
0xb6: {  	_ =	sfence  }
0xb7: {  	s30 =	sld [smem:$0x0];
	_ =	sdelay $0x2  }
0xb8: {  	s31 =	sshll.u32 s1, $0xD;
	s1 =	sshrl.u32 s1, $0x2  }
0xb9: {  	s3 =	sand.u32 $0x4000, s31;
	s1 =	sadd.s32 s1, s30  }
0xba: {  	s0 =	sor.u32 s3, s0;
	s1 =	sshll.u32 s1, $0x11  }
0xbb: {  	s0 =	sor.u32 s1, s0  }
0xbc: {  	s0 =	sadd.s32 $0x8F2B, s0  }
0xbd: {  	[sflag:s0] =	ssyncadd.remote.s32 $0x1  }
0xbe: {  	_ =	sfence.sel $0xFFFF  }
0xbf: {  	[dreg:$0x0] =	wrdreg $0xFFFFFFFF;
	(pc) =	sbr.abs _section_cstart, $3  }
0xc0: {  	[dreg:$0x1] =	wrdreg $0xFFFFFFFF  }
0xc1: {  	_ =	task.clear_ibuf [dreg:s6], $0x2FFFF;
	_ =	strace $0x9FFFFFFF  }
0xc2: {  	(tm) =	ssettm $0x7FFFFFFF  }
0xc3: {  	_ =	shalt  }
tec
execute0_lowered:
.L_overlay_start_1:
0x0: {  	(tag) =	ssettag $0x1  }
0x1: {  	s1 =	rddreg [dreg:$0x0]  }
0x2: {  	s0 =	rddreg [dreg:$0x1];
	s2 =	simm.s32 $0x0;
	s14 =	stileid.u32  }
0x3: {  	s5 =	srdreg.scid;
	[smem:$0x7FF] =	sst s2;
	s3 =	sadd.s32 $0x3A00, s1  }
0x4: {  	s6 =	smul.u32 $0x2780, s14;
	s5 =	sand.u32 $0x1, s5;
	s7 =	sshll.u32 s14, $0x1  }
0x5: {  	s4 =	sadd.s32 $0x274A00, s1;
	s9 =	smul.u32 $0x27800, s5;
	s7 =	sor.u32 s5, s7  }
0x6: {  	s11 =	ssub.s32 $0x2, s5;
	s10 =	sadd.s32 s6, s1;
	s12 =	smul.u32 $0x1388, s7  }
0x7: {  	s17 =	sshrl.u32 s11, $0x1;
	s7 =	smul.u32 $0x13880, s7;
	s6 =	sadd.s32 s6, s9  }
0x8: {  	s8 =	sadd.s32 $0xB27800, s1;
	s1 =	sadd.s32 s6, s1;
	s6 =	ssub.s32 s11, s17  }
0x9: {  	s18 =	sshrl.u32 s12, $0x3;
	s19 =	sadd.s32 s3, s7;
	s20 =	sadd.s32 $0x1338, s12  }
0xa: {  	s21 =	sadd.s32 $0xF0, s12;
	s23 =	sadd.s32 $0x28438, s12;
	s25 =	sadd.s32 $0x78, s12  }
0xb: {  	s15 =	sadd.s32 s8, s18;
	[dreg:$0x3] =	wrdreg s19;
	s13 =	sshrl.u32 s20, $0x3  }
0xc: {  	s9 =	sshll.u32 s20, $0x4;
	s18 =	sadd.s32 s4, s7;
	s24 =	sshrl.u32 s23, $0x3  }
0xd: {  	s16 =	sshrl.u32 s21, $0x3;
	s19 =	smul.u32 $0x2710, s14;
	s20 =	sshll.u32 s21, $0x4  }
0xe: {  	s21 =	sadd.s32 $0x27178, s12;
	s1 =	sadd.s32 $0x50D200, s1;
	s13 =	sadd.s32 s8, s13  }
0xf: {  	s22 =	sadd.s32 s3, s9;
	s7 =	sadd.s32 s8, s24;
	s26 =	sadd.s32 s4, s9  }
0x10: {  	s9 =	sshrl.u32 s25, $0x3;
	s17 =	sadd.s32 s8, s16;
	[dreg:$0x4] =	wrdreg s13  }
0x11: {  	s23 =	sadd.s32 s3, s20;
	s11 =	sshrl.u32 s21, $0x3;
	[dreg:$0x5] =	wrdreg s22  }
0x12: {  	s24 =	smul.u32 $0x27100, s14;
	s29 =	smov.u32 s18;
	[dreg:$0x6] =	wrdreg s7  }
0x13: {  	s30 =	sadd.s32 $0x780, s18;
	s31 =	sadd.s32 $0x4E3E, s15;
	[dreg:$0x7] =	wrdreg s26  }
0x14: {  	s18 =	simm.s32 $0x5;
	s7 =	sadd.s32 s8, s9;
	[dreg:$0xa] =	wrdreg s17  }
0x15: {  	s13 =	sshll.u32 s25, $0x4;
	s22 =	smul.u32 $0x1388, s5;
	[dreg:$0xb] =	wrdreg s23  }
0x16: {  	s11 =	sadd.s32 s8, s11;
	s9 =	sadd.s32 s4, s20;
	[dreg:$0x8] =	wrdreg s7  }
0x17: {  	s5 =	smul.u32 $0x13880, s5;
	s23 =	sshll.u32 s14, $0x6;
	[dreg:$0xc] =	wrdreg s11  }
0x18: {  	s7 =	sadd.s32 s3, s13;
	[dreg:$0xd] =	wrdreg s9;
	s3 =	sadd.s32 s24, s3  }
0x19: {  	s4 =	sadd.s32 s24, s4;
	s13 =	smul.u32 $0x4F000, s14;
	s23 =	sor.u32 $0x1C05, s23  }
0x1a: {  	s24 =	smax.u32 s6, $0x1;
	s6 =	simm.s32 $0x1;
	[dreg:$0x9] =	wrdreg s7  }
0x1b: {  	s7 =	sadd.s32 s22, s19;
	s3 =	sadd.s32 s5, s3;
	s4 =	sadd.s32 s5, s4  }
0x1c: {  	s22 =	sadd.s32 $0x4E5A00, s10;
	s10 =	simm.s32 $0x3;
	s25 =	sadd.s32 $0x1E0, s7  }
0x1d: {  	s26 =	sadd.s32 $0x168, s7;
	_ =	strace $0x8000004D;
	[dreg:$0xf] =	wrdreg s22  }
0x1e: {  	s12 =	sadd.s32 $0x272E0, s7;
	s7 =	sadd.s32 $0x27268, s7;
	[dreg:$0x10] =	wrdreg s1  }
0x1f: {  	s21 =	sshrl.u32 s13, $0x2;
	[dreg:$0x11] =	wrdreg s24;
	s28 =	sadd.s32 $0x1E00, s4  }
0x20: {  	s1 =	simm.s32 $0x100;
	s4 =	simm.s32 $0x80;
	s13 =	simm.s32 $0x0  }
0x21: {  	s9 =	sshrl.u32 s25, $0x3;
	s11 =	sshrl.u32 s26, $0x3;
	s5 =	sshrl.u32 s12, $0x3  }
0x22: {  	s20 =	sshrl.u32 s7, $0x3;
	s26 =	sadd.s32 $0x1E00, s3;
	s25 =	sadd.s32 $0x4E20, s15  }
0x23: {  	s12 =	simm.s32 $0x1B500;
	s7 =	simm.s32 $0x1B580;
	s3 =	simm.s32 $0x50  }
0x24: {  	s16 =	sadd.s32 s9, s8;
	s17 =	sadd.s32 s11, s8;
	s19 =	sadd.s32 s5, s8  }
0x25: {  	s20 =	sadd.s32 s20, s8;
	s5 =	sadd.s32 s21, s0;
	[dreg:$0x12] =	wrdreg s25  }
0x26: {  	s25 =	smov.u32 s15;
	s8 =	simm.s32 $0x78;
	s9 =	simm.s32 $0x2  }
0x27: {  	s11 =	simm.s32 $0x4;
	[dreg:$0xe] =	wrdreg s5;
	s5 =	simm.s32 $0x3D00  }
.LBB2_1:
0x28: {  	s14 =	rddreg [dreg:$0xe]  }
0x29: {  	s15 =	rddreg [dreg:$0xf];
	s14 =	sshrl.u32 s14, $0x3  }
0x2a: {  	[spmem:s14], [sflag:s23] =	dma.local [hbm:s15], $0x2780  }
0x2b: {  	_ =	swait.ge [sflag:s18], $0x2780  }
0x2c: {  	[sflag:s18] =	ssyncset.done $0x0  }
0x2d: {  	[sflag:s18] =	ssyncadd.s32 $0xFFFFD880  }
0x2e: {  	[bflag:$0x0] =	sbarrier.arrive $0xFFFF  }
0x2f: {  	[tilespmem:s2], [sflag:$0x1] =	stream.linear.gather [hbm4b:s25+s2], $0x78, $0x38;
	[tilespmem:$0x1DD80] =	vst v63  }
0x30: {  	s22 =	rddreg [dreg:$0x3]  }
0x31: {  	[tilespmem:s1], [sflag:$0x1] =	stream.linear.gather [hbm4b:s22+s2], $0x3C00, $0x38;
	[tilespmem:$0x1DD80] =	vst v63  }
0x32: {  	s24 =	rddreg [dreg:$0x8]  }
0x33: {  	[tilespmem:s4], [sflag:$0x3] =	stream.linear.gather [hbm4b:s24+s2], $0x78, $0x38;
	[tilespmem:$0x1DD80] =	vst v63  }
0x34: {  	s21 =	rddreg [dreg:$0x9]  }
0x35: {  	[tilespmem:s5], [sflag:$0x3] =	stream.linear.gather [hbm4b:s21+s2], $0x3C00, $0x38;
	[tilespmem:$0x1DD80] =	vst v63  }
0x36: {  	_ =	swait.ge [sflag:s6], $0x78  }
0x37: {  	[sflag:s6] =	ssyncset.done $0x0  }
0x38: {  	[sflag:s6] =	ssyncadd.s32 $0xFFFFFF88  }
0x39: {  	_ =	swait.ge [sflag:s6], $0x3C00  }
0x3a: {  	[sflag:s6] =	ssyncset.done $0x0  }
0x3b: {  	[sflag:s6] =	ssyncadd.s32 $0xFFFFC400  }
0x3c: {  	[spmem:s0] =	stream.indirect.scatter.add.f32 [tilespmem:s1], [sflag:$0x2], $0x80, s2, s8, $0xb8;
	[tilespmem:$0x1DD80] =	vst v63  }
0x3d: {  	_ =	swait.ge [sflag:s9], $0x3C00  }
0x3e: {  	[sflag:s9] =	ssyncset.done $0x0  }
0x3f: {  	s22 =	rddreg [dreg:$0xa];
	[sflag:s9] =	ssyncadd.s32 $0xFFFFC400  }
0x40: {  	[tilespmem:s2], [sflag:$0x1] =	stream.linear.gather [hbm4b:s22+s2], $0x78, $0x38;
	[tilespmem:$0x1DD80] =	vst v63  }
0x41: {  	s24 =	rddreg [dreg:$0xb]  }
0x42: {  	[tilespmem:s1], [sflag:$0x1] =	stream.linear.gather [hbm4b:s24+s2], $0x3C00, $0x38;
	[tilespmem:$0x1DD80] =	vst v63  }
0x43: {  	_ =	swait.ge [sflag:s10], $0x78  }
0x44: {  	[sflag:s10] =	ssyncset.done $0x0  }
0x45: {  	[sflag:s10] =	ssyncadd.s32 $0xFFFFFF88  }
0x46: {  	_ =	swait.ge [sflag:s10], $0x3C00  }
0x47: {  	[sflag:s10] =	ssyncset.done $0x0  }
0x48: {  	[sflag:s10] =	ssyncadd.s32 $0xFFFFC400  }
0x49: {  	[spmem:s0] =	stream.indirect.scatter.add.f32 [tilespmem:s5], [sflag:$0x4], $0x80, s4, s8, $0xb8;
	[tilespmem:$0x1DD80] =	vst v63  }
0x4a: {  	_ =	swait.ge [sflag:s11], $0x3C00  }
0x4b: {  	[sflag:s11] =	ssyncset.done $0x0  }
0x4c: {  	s21 =	sadd.s32 $0x0, s17;
	[sflag:s11] =	ssyncadd.s32 $0xFFFFC400  }
0x4d: {  	[tilespmem:s4], [sflag:$0x3] =	stream.linear.gather [hbm4b:s21+s2], $0x78, $0x38;
	[tilespmem:$0x1DD80] =	vst v63  }
0x4e: {  	s22 =	sadd.s32 $0xFFFFF880, s26  }
0x4f: {  	[tilespmem:s5], [sflag:$0x3] =	stream.linear.gather [hbm4b:s22+s2], $0x3C00, $0x38;
	[tilespmem:$0x1DD80] =	vst v63  }
0x50: {  	_ =	swait.ge [sflag:s6], $0x78  }
0x51: {  	[sflag:s6] =	ssyncset.done $0x0  }
0x52: {  	[sflag:s6] =	ssyncadd.s32 $0xFFFFFF88  }
0x53: {  	_ =	swait.ge [sflag:s6], $0x3C00  }
0x54: {  	[sflag:s6] =	ssyncset.done $0x0  }
0x55: {  	[sflag:s6] =	ssyncadd.s32 $0xFFFFC400  }
0x56: {  	[spmem:s0] =	stream.indirect.scatter.add.f32 [tilespmem:s1], [sflag:$0x2], $0x80, s2, s8, $0xb8;
	[tilespmem:$0x1DD80] =	vst v63  }
0x57: {  	_ =	swait.ge [sflag:s9], $0x3C00  }
0x58: {  	[sflag:s9] =	ssyncset.done $0x0  }
0x59: {  	s24 =	sadd.s32 $0x0, s16;
	[sflag:s9] =	ssyncadd.s32 $0xFFFFC400  }
0x5a: {  	[tilespmem:s2], [sflag:$0x1] =	stream.linear.gather [hbm4b:s24+s2], $0x78, $0x38;
	[tilespmem:$0x1DD80] =	vst v63  }
0x5b: {  	_ = 	snop  }
0x5c: {  	[tilespmem:s1], [sflag:$0x1] =	stream.linear.gather [hbm4b:s26+s2], $0x3C00, $0x38;
	[tilespmem:$0x1DD80] =	vst v63  }
0x5d: {  	_ =	swait.ge [sflag:s10], $0x78  }
0x5e: {  	[sflag:s10] =	ssyncset.done $0x0  }
0x5f: {  	[sflag:s10] =	ssyncadd.s32 $0xFFFFFF88  }
0x60: {  	_ =	swait.ge [sflag:s10], $0x3C00  }
0x61: {  	[sflag:s10] =	ssyncset.done $0x0  }
0x62: {  	s15 =	simm.s32 $0x1E;
	s21 =	sadd.s32 $0xF00, s26;
	[sflag:s10] =	ssyncadd.s32 $0xFFFFC400  }
.LBB2_2:
0x63: {  	[spmem:s0] =	stream.indirect.scatter.add.f32 [tilespmem:s5], [sflag:$0x4], $0x80, s4, s8, $0xb8;
	[tilespmem:$0x1DD80] =	vst v63  }
0x64: {  	s22 =	smov.u32 s15  }
0x65: {  	p0 =	sne.s32 s15, $0x21C;
	s15 =	sadd.s32 $0x1E, s15;
	_ =	swait.ge [sflag:s11], $0x3C00  }
0x66: {  	[sflag:s11] =	ssyncset.done $0x0  }
0x67: {  	s24 =	sadd.s32 s22, s17;
	[sflag:s11] =	ssyncadd.s32 $0xFFFFC400  }
0x68: {  	[tilespmem:s4], [sflag:$0x3] =	stream.linear.gather [hbm4b:s24+s2], $0x78, $0x38;
	[tilespmem:$0x1DD80] =	vst v63  }
0x69: {  	s24 =	sadd.s32 $0xFFFFF880, s21  }
0x6a: {  	[tilespmem:s5], [sflag:$0x3] =	stream.linear.gather [hbm4b:s24+s2], $0x3C00, $0x38;
	[tilespmem:$0x1DD80] =	vst v63  }
0x6b: {  	_ =	swait.ge [sflag:s6], $0x78  }
0x6c: {  	[sflag:s6] =	ssyncset.done $0x0  }
0x6d: {  	[sflag:s6] =	ssyncadd.s32 $0xFFFFFF88  }
0x6e: {  	_ =	swait.ge [sflag:s6], $0x3C00  }
0x6f: {  	[sflag:s6] =	ssyncset.done $0x0  }
0x70: {  	[sflag:s6] =	ssyncadd.s32 $0xFFFFC400  }
0x71: {  	[spmem:s0] =	stream.indirect.scatter.add.f32 [tilespmem:s1], [sflag:$0x2], $0x80, s2, s8, $0xb8;
	[tilespmem:$0x1DD80] =	vst v63  }
0x72: {  	_ =	swait.ge [sflag:s9], $0x3C00  }
0x73: {  	[sflag:s9] =	ssyncset.done $0x0  }
0x74: {  	s22 =	sadd.s32 s22, s16;
	[sflag:s9] =	ssyncadd.s32 $0xFFFFC400  }
0x75: {  	[tilespmem:s2], [sflag:$0x1] =	stream.linear.gather [hbm4b:s22+s2], $0x78, $0x38;
	[tilespmem:$0x1DD80] =	vst v63  }
0x76: {  	_ = 	snop  }
0x77: {  	[tilespmem:s1], [sflag:$0x1] =	stream.linear.gather [hbm4b:s21+s2], $0x3C00, $0x38;
	[tilespmem:$0x1DD80] =	vst v63  }
0x78: {  	_ =	swait.ge [sflag:s10], $0x78  }
.Ltmp0:
0x79: {  	[sflag:s10] =	ssyncset.done $0x0;
	(pc) =	sbr.rel @p0 .LBB2_2-.Ltmp0, $4  }
0x7a: {  	[sflag:s10] =	ssyncadd.s32 $0xFFFFFF88  }
0x7b: {  	_ =	swait.ge [sflag:s10], $0x3C00  }
0x7c: {  	[sflag:s10] =	ssyncset.done $0x0  }
0x7d: {  	s21 =	sadd.s32 $0xF00, s21;
	[sflag:s10] =	ssyncadd.s32 $0xFFFFC400  }
0x7e: {  	[spmem:s0] =	stream.indirect.scatter.add.f32 [tilespmem:s5], [sflag:$0x4], $0x80, s4, s8, $0xb8;
	[tilespmem:$0x1DD80] =	vst v63  }
0x7f: {  	_ =	swait.ge [sflag:s6], $0x78  }
0x80: {  	[sflag:s6] =	ssyncset.done $0x0  }
0x81: {  	[sflag:s6] =	ssyncadd.s32 $0xFFFFFF88  }
0x82: {  	_ =	swait.ge [sflag:s6], $0x3C00  }
0x83: {  	[sflag:s6] =	ssyncset.done $0x0  }
0x84: {  	s15 =	simm.s32 $0x0;
	[sflag:s6] =	ssyncadd.s32 $0xFFFFC400  }
0x85: {  	[spmem:s0] =	stream.indirect.scatter.add.f32 [tilespmem:s1], [sflag:$0x2], $0x80, s15, s8, $0xb8;
	[tilespmem:$0x1DD80] =	vst v63  }
0x86: {  	_ =	swait.ge [sflag:s11], $0x3C00  }
0x87: {  	[sflag:s11] =	ssyncset.done $0x0  }
0x88: {  	[sflag:s11] =	ssyncadd.s32 $0xFFFFC400  }
0x89: {  	_ =	swait.ge [sflag:s9], $0x3C00  }
0x8a: {  	[sflag:s9] =	ssyncset.done $0x0  }
0x8b: {  	s21 =	rddreg [dreg:$0x4];
	[sflag:s9] =	ssyncadd.s32 $0xFFFFC400  }
0x8c: {  	[tilespmem:s12], [sflag:$0x5] =	stream.linear.gather [hbm4b:s21+s15], $0x50, $0x38;
	[tilespmem:$0x1DD80] =	vst v63  }
0x8d: {  	_ =	swait.ge [sflag:s18], $0x50  }
0x8e: {  	[sflag:s18] =	ssyncset.done $0x0  }
0x8f: {  	s22 =	rddreg [dreg:$0x5];
	[sflag:s18] =	ssyncadd.s32 $0xFFFFFFB0  }
0x90: {  	[tilespmem:s7], [sflag:$0x5] =	stream.linear.gather [hbm4b:s22+s15], $0x2800, $0x38;
	[tilespmem:$0x1DD80] =	vst v63  }
0x91: {  	_ =	swait.ge [sflag:s18], $0x2800  }
0x92: {  	[sflag:s18] =	ssyncset.done $0x0  }
0x93: {  	[sflag:s18] =	ssyncadd.s32 $0xFFFFD800  }
0x94: {  	[spmem:s0] =	stream.indirect.scatter.add.f32 [tilespmem:s7], [sflag:$0x5], $0x80, s12, s3, $0xb8;
	[tilespmem:$0x1DD80] =	vst v63  }
0x95: {  	_ =	swait.ge [sflag:s18], $0x2800  }
0x96: {  	[sflag:s18] =	ssyncset.done $0x0  }
0x97: {  	s24 =	rddreg [dreg:$0x12];
	[sflag:s18] =	ssyncadd.s32 $0xFFFFD800  }
0x98: {  	[tilespmem:s15], [sflag:$0x1] =	stream.linear.gather [hbm4b:s24+s15], $0x78, $0x38;
	[tilespmem:$0x1DD80] =	vst v63  }
0x99: {  	_ = 	snop  }
0x9a: {  	[tilespmem:s1], [sflag:$0x1] =	stream.linear.gather [hbm4b:s29+s15], $0x3C00, $0x38;
	[tilespmem:$0x1DD80] =	vst v63  }
0x9b: {  	s22 =	rddreg [dreg:$0xc]  }
0x9c: {  	[tilespmem:s4], [sflag:$0x3] =	stream.linear.gather [hbm4b:s22+s15], $0x78, $0x38;
	[tilespmem:$0x1DD80] =	vst v63  }
0x9d: {  	_ = 	snop  }
0x9e: {  	[tilespmem:s5], [sflag:$0x3] =	stream.linear.gather [hbm4b:s30+s15], $0x3C00, $0x38;
	[tilespmem:$0x1DD80] =	vst v63  }
0x9f: {  	_ =	swait.ge [sflag:s6], $0x78  }
0xa0: {  	[sflag:s6] =	ssyncset.done $0x0  }
0xa1: {  	[sflag:s6] =	ssyncadd.s32 $0xFFFFFF88  }
0xa2: {  	_ =	swait.ge [sflag:s6], $0x3C00  }
0xa3: {  	[sflag:s6] =	ssyncset.done $0x0  }
0xa4: {  	[sflag:s6] =	ssyncadd.s32 $0xFFFFC400  }
0xa5: {  	[spmem:s0] =	stream.indirect.scatter.add.f32 [tilespmem:s1], [sflag:$0x2], $0x80, s15, s8, $0xb8;
	[tilespmem:$0x1DD80] =	vst v63  }
0xa6: {  	_ =	swait.ge [sflag:s9], $0x3C00  }
0xa7: {  	[sflag:s9] =	ssyncset.done $0x0  }
0xa8: {  	[sflag:s9] =	ssyncadd.s32 $0xFFFFC400  }
0xa9: {  	[tilespmem:s15], [sflag:$0x1] =	stream.linear.gather [hbm4b:s31+s15], $0x78, $0x38;
	[tilespmem:$0x1DD80] =	vst v63  }
0xaa: {  	s24 =	rddreg [dreg:$0xd]  }
0xab: {  	[tilespmem:s1], [sflag:$0x1] =	stream.linear.gather [hbm4b:s24+s15], $0x3C00, $0x38;
	[tilespmem:$0x1DD80] =	vst v63  }
0xac: {  	_ =	swait.ge [sflag:s10], $0x78  }
0xad: {  	[sflag:s10] =	ssyncset.done $0x0  }
0xae: {  	[sflag:s10] =	ssyncadd.s32 $0xFFFFFF88  }
0xaf: {  	_ =	swait.ge [sflag:s10], $0x3C00  }
0xb0: {  	[sflag:s10] =	ssyncset.done $0x0  }
0xb1: {  	[sflag:s10] =	ssyncadd.s32 $0xFFFFC400  }
0xb2: {  	[spmem:s0] =	stream.indirect.scatter.add.f32 [tilespmem:s5], [sflag:$0x4], $0x80, s4, s8, $0xb8;
	[tilespmem:$0x1DD80] =	vst v63  }
0xb3: {  	_ =	swait.ge [sflag:s11], $0x3C00  }
0xb4: {  	[sflag:s11] =	ssyncset.done $0x0  }
0xb5: {  	s21 =	sadd.s32 $0x0, s20;
	[sflag:s11] =	ssyncadd.s32 $0xFFFFC400  }
0xb6: {  	[tilespmem:s4], [sflag:$0x3] =	stream.linear.gather [hbm4b:s21+s2], $0x78, $0x38;
	[tilespmem:$0x1DD80] =	vst v63  }
0xb7: {  	s22 =	sadd.s32 $0xFFFFF880, s28  }
0xb8: {  	[tilespmem:s5], [sflag:$0x3] =	stream.linear.gather [hbm4b:s22+s2], $0x3C00, $0x38;
	[tilespmem:$0x1DD80] =	vst v63  }
0xb9: {  	_ =	swait.ge [sflag:s6], $0x78  }
0xba: {  	[sflag:s6] =	ssyncset.done $0x0  }
0xbb: {  	[sflag:s6] =	ssyncadd.s32 $0xFFFFFF88  }
0xbc: {  	_ =	swait.ge [sflag:s6], $0x3C00  }
0xbd: {  	[sflag:s6] =	ssyncset.done $0x0  }
0xbe: {  	[sflag:s6] =	ssyncadd.s32 $0xFFFFC400  }
0xbf: {  	[spmem:s0] =	stream.indirect.scatter.add.f32 [tilespmem:s1], [sflag:$0x2], $0x80, s2, s8, $0xb8;
	[tilespmem:$0x1DD80] =	vst v63  }
0xc0: {  	_ =	swait.ge [sflag:s9], $0x3C00  }
0xc1: {  	[sflag:s9] =	ssyncset.done $0x0  }
0xc2: {  	s24 =	sadd.s32 $0x0, s19;
	[sflag:s9] =	ssyncadd.s32 $0xFFFFC400  }
0xc3: {  	[tilespmem:s2], [sflag:$0x1] =	stream.linear.gather [hbm4b:s24+s2], $0x78, $0x38;
	[tilespmem:$0x1DD80] =	vst v63  }
0xc4: {  	_ = 	snop  }
0xc5: {  	[tilespmem:s1], [sflag:$0x1] =	stream.linear.gather [hbm4b:s28+s2], $0x3C00, $0x38;
	[tilespmem:$0x1DD80] =	vst v63  }
0xc6: {  	_ =	swait.ge [sflag:s10], $0x78  }
0xc7: {  	[sflag:s10] =	ssyncset.done $0x0  }
0xc8: {  	[sflag:s10] =	ssyncadd.s32 $0xFFFFFF88  }
0xc9: {  	_ =	swait.ge [sflag:s10], $0x3C00  }
0xca: {  	[sflag:s10] =	ssyncset.done $0x0  }
0xcb: {  	s15 =	simm.s32 $0x1E;
	s21 =	sadd.s32 $0xF00, s28;
	[sflag:s10] =	ssyncadd.s32 $0xFFFFC400  }
.LBB2_4:
0xcc: {  	[spmem:s0] =	stream.indirect.scatter.add.f32 [tilespmem:s5], [sflag:$0x4], $0x80, s4, s8, $0xb8;
	[tilespmem:$0x1DD80] =	vst v63  }
0xcd: {  	s22 =	smov.u32 s15  }
0xce: {  	p0 =	sne.s32 s15, $0x21C;
	s15 =	sadd.s32 $0x1E, s15;
	_ =	swait.ge [sflag:s11], $0x3C00  }
0xcf: {  	[sflag:s11] =	ssyncset.done $0x0  }
0xd0: {  	s24 =	sadd.s32 s22, s20;
	[sflag:s11] =	ssyncadd.s32 $0xFFFFC400  }
0xd1: {  	[tilespmem:s4], [sflag:$0x3] =	stream.linear.gather [hbm4b:s24+s2], $0x78, $0x38;
	[tilespmem:$0x1DD80] =	vst v63  }
0xd2: {  	s24 =	sadd.s32 $0xFFFFF880, s21  }
0xd3: {  	[tilespmem:s5], [sflag:$0x3] =	stream.linear.gather [hbm4b:s24+s2], $0x3C00, $0x38;
	[tilespmem:$0x1DD80] =	vst v63  }
0xd4: {  	_ =	swait.ge [sflag:s6], $0x78  }
0xd5: {  	[sflag:s6] =	ssyncset.done $0x0  }
0xd6: {  	[sflag:s6] =	ssyncadd.s32 $0xFFFFFF88  }
0xd7: {  	_ =	swait.ge [sflag:s6], $0x3C00  }
0xd8: {  	[sflag:s6] =	ssyncset.done $0x0  }
0xd9: {  	[sflag:s6] =	ssyncadd.s32 $0xFFFFC400  }
0xda: {  	[spmem:s0] =	stream.indirect.scatter.add.f32 [tilespmem:s1], [sflag:$0x2], $0x80, s2, s8, $0xb8;
	[tilespmem:$0x1DD80] =	vst v63  }
0xdb: {  	_ =	swait.ge [sflag:s9], $0x3C00  }
0xdc: {  	[sflag:s9] =	ssyncset.done $0x0  }
0xdd: {  	s22 =	sadd.s32 s22, s19;
	[sflag:s9] =	ssyncadd.s32 $0xFFFFC400  }
0xde: {  	[tilespmem:s2], [sflag:$0x1] =	stream.linear.gather [hbm4b:s22+s2], $0x78, $0x38;
	[tilespmem:$0x1DD80] =	vst v63  }
0xdf: {  	_ = 	snop  }
0xe0: {  	[tilespmem:s1], [sflag:$0x1] =	stream.linear.gather [hbm4b:s21+s2], $0x3C00, $0x38;
	[tilespmem:$0x1DD80] =	vst v63  }
0xe1: {  	_ =	swait.ge [sflag:s10], $0x78  }
.Ltmp1:
0xe2: {  	[sflag:s10] =	ssyncset.done $0x0;
	(pc) =	sbr.rel @p0 .LBB2_4-.Ltmp1, $4  }
0xe3: {  	[sflag:s10] =	ssyncadd.s32 $0xFFFFFF88  }
0xe4: {  	_ =	swait.ge [sflag:s10], $0x3C00  }
0xe5: {  	[sflag:s10] =	ssyncset.done $0x0  }
0xe6: {  	s21 =	sadd.s32 $0xF00, s21;
	[sflag:s10] =	ssyncadd.s32 $0xFFFFC400  }
0xe7: {  	[spmem:s0] =	stream.indirect.scatter.add.f32 [tilespmem:s5], [sflag:$0x4], $0x80, s4, s8, $0xb8;
	[tilespmem:$0x1DD80] =	vst v63  }
0xe8: {  	_ =	swait.ge [sflag:s6], $0x78  }
0xe9: {  	[sflag:s6] =	ssyncset.done $0x0  }
0xea: {  	[sflag:s6] =	ssyncadd.s32 $0xFFFFFF88  }
0xeb: {  	_ =	swait.ge [sflag:s6], $0x3C00  }
0xec: {  	[sflag:s6] =	ssyncset.done $0x0  }
0xed: {  	[sflag:s6] =	ssyncadd.s32 $0xFFFFC400  }
0xee: {  	[spmem:s0] =	stream.indirect.scatter.add.f32 [tilespmem:s1], [sflag:$0x2], $0x80, s2, s8, $0xb8;
	[tilespmem:$0x1DD80] =	vst v63  }
0xef: {  	_ =	swait.ge [sflag:s11], $0x3C00  }
0xf0: {  	[sflag:s11] =	ssyncset.done $0x0  }
0xf1: {  	[sflag:s11] =	ssyncadd.s32 $0xFFFFC400  }
0xf2: {  	_ =	swait.ge [sflag:s9], $0x3C00  }
0xf3: {  	[sflag:s9] =	ssyncset.done $0x0  }
0xf4: {  	s15 =	rddreg [dreg:$0x6];
	[sflag:s9] =	ssyncadd.s32 $0xFFFFC400  }
0xf5: {  	[tilespmem:s12], [sflag:$0x5] =	stream.linear.gather [hbm4b:s15+s2], $0x50, $0x38;
	[tilespmem:$0x1DD80] =	vst v63  }
0xf6: {  	_ =	swait.ge [sflag:s18], $0x50  }
0xf7: {  	[sflag:s18] =	ssyncset.done $0x0  }
0xf8: {  	s21 =	rddreg [dreg:$0x7];
	[sflag:s18] =	ssyncadd.s32 $0xFFFFFFB0  }
0xf9: {  	[tilespmem:s7], [sflag:$0x5] =	stream.linear.gather [hbm4b:s21+s2], $0x2800, $0x38;
	[tilespmem:$0x1DD80] =	vst v63  }
0xfa: {  	_ =	swait.ge [sflag:s18], $0x2800  }
0xfb: {  	[sflag:s18] =	ssyncset.done $0x0  }
0xfc: {  	[sflag:s18] =	ssyncadd.s32 $0xFFFFD800  }
0xfd: {  	[spmem:s0] =	stream.indirect.scatter.add.f32 [tilespmem:s7], [sflag:$0x5], $0x80, s12, s3, $0xb8;
	[tilespmem:$0x1DD80] =	vst v63  }
0xfe: {  	_ =	swait.ge [sflag:s18], $0x2800  }
0xff: {  	[sflag:s18] =	ssyncset.done $0x0  }
0x100: {  	[sflag:s18] =	ssyncadd.s32 $0xFFFFD800  }
0x101: {  	[bflag:$0x0] =	sbarrier.arrive $0xFFFF  }
0x102: {  	s22 =	rddreg [dreg:$0x10]  }
0x103: {  	[hbm:s22], [sflag:s23] =	dma.local [spmem:s14], $0x2780  }
0x104: {  	_ =	swait.ge [sflag:s18], $0x2780  }
0x105: {  	s13 =	sadd.s32 $0x1, s13;
	s24 =	rddreg [dreg:$0x11]  }
0x106: {  	p0 =	sne.s32 s13, s24  }
.Ltmp2:
0x107: {  	_ = 	snop;
	(pc) =	sbr.rel @p0 .LBB2_1-.Ltmp2, $3  }
0x108: {  	_ =	sdelay $0x1  }
0x109: {  	[sflag:s18] =	ssyncset.done $0x0  }
0x10a: {  	[sflag:s18] =	ssyncadd.s32 $0xFFFFD880  }
0x10b: {  	_ =	sfence.sel $0x180000  }
0x10c: {  	[bflag:$0x0] =	sbarrier.arrive $0xFFFF  }
0x10d: {  	_ =	strace $0x9000004D  }
0x10e: {  	s0 =	stileid.u32;
	[bflag:$0x2] =	sbarrier.arrive $0xFFFF  }
0x10f: {  	p0 =	sne.s32 s0, $0x0;
	s0 =	rddreg [dreg:$0x2]  }
0x110: {  	s0 =	sadd.s32 @!p0 $0x100000, s0  }
0x111: {  	[sflag:s0] =	ssyncadd.tile.s32 @!p0 $0x1;
	_ =	shalt  }
.Lfunc_end2:
_tile_overlayer_lowered:
.L_overlay_start_2:
0x112: {  	(tag) =	ssettag $0x2  }
0x113: {  	s0 =	rddreg [dreg:$0x0];
	s2 =	stileid.u32  }
0x114: {  	s1 =	rddreg [dreg:$0x1];
	p0 =	sne.s32 s2, $0x0  }
0x115: {  	s3 =	rddreg [dreg:$0x2];
	[bflag:$0x3] =	sbarrier.arrive $0xFFFF;
	s2 =	simm.s32 @!p0 $0x1C05  }
0x116: {  	[timem:s3], [sflag:s2] =	dma.local @!p0 [hbm:s0], s1  }
0x117: {  	s0 =	simm.s32 @!p0 $0x5  }
0x118: {  	_ =	swait.ge @!p0 [sflag:s0], s1  }
0x119: {  	s1 =	ssub.s32 @!p0 $0x0, s1;
	[sflag:s0] =	ssyncset.done @!p0 $0x0  }
0x11a: {  	[sflag:s0] =	ssyncadd.s32 @!p0 s1  }
0x11b: {  	[bflag:$0x3] =	sbarrier.arrive $0xFFFF  }
0x11c: {  	_ =	shalt  }

// kernel: kernel.7.cloned.1.call-start
scs
__scs_entry_jumppad:
0x0: {  	(pc) =	sbr.rel $0x88, $3  }
0x1: {  	(tag) =	ssettag $0x0;
	lr =	simm.s32 $0x1  }
0x2: {  	[smem:$0x3F93] =	sst lr;
	_ =	strace $0xD0000000  }
0x3: {  	_ = 	snop  }
0x4: {  	_ = 	snop  }
0x5: {  	_ = 	snop  }
0x6: {  	_ = 	snop  }
0x7: {  	_ = 	snop  }
__scs_overlays_trampoline_lowered:
0x8: {  	[smem:$0x3FA2] =	sst s0  }
0x9: {  	[smem:$0x3FA3] =	sst s1  }
0xa: {  	[smem:$0x3FA4] =	sst s2  }
0xb: {  	[smem:$0x3FA5] =	sst s3  }
0xc: {  	[smem:$0x3FA6] =	sst s4  }
0xd: {  	[smem:$0x3FA7] =	sst s5  }
0xe: {  	[smem:$0x3FA8] =	sst s6  }
0xf: {  	[smem:$0x3FA9] =	sst s7  }
0x10: {  	[smem:$0x3FAA] =	sst s8  }
0x11: {  	[smem:$0x3FAB] =	sst s9;
	s0 =	simm.s32 @!p0 $0x0  }
0x12: {  	s1 =	sld [smem:$0x3F91];
	s0 =	simm.s32 @p0 $0x1  }
0x13: {  	[smem:$0x3FAC] =	sst s0;
	s0 =	simm.s32 @!p1 $0x0  }
0x14: {  	s2 =	sld [smem:$0x3F90];
	s0 =	simm.s32 @p1 $0x1  }
0x15: {  	[smem:$0x3FAD] =	sst s0;
	s0 =	simm.s32 @!p2 $0x0  }
0x16: {  	s3 =	sld [smem:$0x3FDB];
	s0 =	simm.s32 @p2 $0x1  }
0x17: {  	s4 =	simm.s32 $0x1BF5;
	[smem:$0x3FAF] =	sst s0  }
0x18: {  	s0 =	sld [smem:$0x3F92];
	_ =	swait.ge [sflag:s4], $0x0  }
0x19: {  	s7 =	sld [smem:$0x3F93]  }
0x1a: {  	s8 =	sadd.s32 $0xFFFFE003, lr  }
0x1b: {  	s9 =	sadd.s32 $0xFFFFFEF7, lr;
	s5 =	simm.s32 $0xFFFFFFFF;
	p2 =	slt.u32 s8, $0xFFFFF086  }
0x1c: {  	p1 =	slt.u32 s9, $0xF7A;
	s5 =	simm.s32 @!p2 $0x0  }
0x1d: {  	s5 =	simm.s32 @p1 $0x1;
	p0 =	seq.s32 s7, s2  }
0x1e: {  	s7 =	smul.u32 @!p0 $0xF7A, s2;
	p2 =	seq.s32 @!p0 s5, $0x0  }
0x1f: {  	s9 =	smul.u32 $0xF7A, s1;
	s8 =	simm.s32 @!p0 $0x1BF5;
	p2 =	por !p2, p0  }
0x20: {  	[sflag:s8] =	ssyncset.s32 @!p0 $0xFFFFF086;
	s6 =	sadd.s32 @!p0 s3, s7;
	s7 =	simm.s32 @!p0 $0x108  }
0x21: {  	s3 =	sadd.s32 s3, s9;
	s6 =	sadd.s32 @!p0 $0x88, s6;
	s7 =	simm.s32 @p2 $0x1082  }
0x22: {  	[simem:s7], [sflag:s8] =	dma.local @!p0 [hbm:s6], $0xF7A  }
0x23: {  	s9 =	sor.u32 $0xD0000000, s2;
	s6 =	simm.s32 $0x108;
	_ =	swait.ge @!p0 [sflag:s8], $0x0  }
0x24: {  	s3 =	sadd.s32 $0x88, s3;
	s6 =	simm.s32 @!p1 $0x1082;
	[sflag:s4] =	ssyncset.s32 $0xFFFFF086  }
0x25: {  	[simem:s6], [sflag:s4] =	dma.local [hbm:s3], $0xF7A  }
0x26: {  	[smem:$0x3F93] =	sst s1;
	(tag) =	ssettag s2;
	_ =	strace s9  }
0x27: {  	s1 =	sld [smem:$0x3FA3]  }
0x28: {  	s2 =	sld [smem:$0x3FA4]  }
0x29: {  	s4 =	sld [smem:$0x3FA6]  }
0x2a: {  	p0 =	seq.s32 s5, $0x0;
	s5 =	sld [smem:$0x3FA7]  }
0x2b: {  	s6 =	sld [smem:$0x3FA8]  }
0x2c: {  	s7 =	sld [smem:$0x3FA9]  }
0x2d: {  	s3 =	simm.s32 $0x108;
	s8 =	sld [smem:$0x3FAA]  }
0x2e: {  	s3 =	simm.s32 @!p0 $0x1082;
	s9 =	sld [smem:$0x3FAB]  }
0x2f: {  	lr =	sadd.s32 s0, s3;
	s0 =	sld [smem:$0x3FA2]  }
0x30: {  	s3 =	sld [smem:$0x3FA5]  }
0x31: {  	[smem:$0x3FAE] =	sst s10  }
0x32: {  	s10 =	sld [smem:$0x3FAC];
	_ =	sdelay $0x3  }
0x33: {  	p0 =	seq.s32 s10, $0x1;
	s10 =	sld [smem:$0x3FAE];
	_ =	sdelay $0x3  }
0x34: {  	[smem:$0x3FAE] =	sst s10  }
0x35: {  	s10 =	sld [smem:$0x3FAD];
	_ =	sdelay $0x3  }
0x36: {  	p1 =	seq.s32 s10, $0x1;
	s10 =	sld [smem:$0x3FAE];
	_ =	sdelay $0x3  }
0x37: {  	[smem:$0x3FAE] =	sst s10  }
0x38: {  	s10 =	sld [smem:$0x3FAF]  }
0x39: {  	_ = 	snop;
	(pc) =	sbr.ind lr, $3  }
0x3a: {  	_ = 	snop  }
0x3b: {  	_ = 	snop  }
0x3c: {  	p2 =	seq.s32 s10, $0x1;
	s10 =	sld [smem:$0x3FAE]  }
0x3d: {  	_ =	shalt  }
0x3e: {  	_ =	shalt  }
0x3f: {  	_ =	shalt  }
0x40: {  	_ =	shalt  }
0x41: {  	_ =	shalt  }
0x42: {  	_ =	shalt  }
0x43: {  	_ =	shalt  }
0x44: {  	_ =	shalt  }
0x45: {  	_ =	shalt  }
0x46: {  	_ =	shalt  }
0x47: {  	_ =	shalt  }
0x48: {  	_ =	shalt  }
0x49: {  	_ =	shalt  }
0x4a: {  	_ =	shalt  }
0x4b: {  	_ =	shalt  }
0x4c: {  	_ =	shalt  }
0x4d: {  	_ =	shalt  }
0x4e: {  	_ =	shalt  }
0x4f: {  	_ =	shalt  }
0x50: {  	_ =	shalt  }
0x51: {  	_ =	shalt  }
0x52: {  	_ =	shalt  }
0x53: {  	_ =	shalt  }
0x54: {  	_ =	shalt  }
0x55: {  	_ =	shalt  }
0x56: {  	_ =	shalt  }
0x57: {  	_ =	shalt  }
0x58: {  	_ =	shalt  }
0x59: {  	_ =	shalt  }
0x5a: {  	_ =	shalt  }
0x5b: {  	_ =	shalt  }
0x5c: {  	_ =	shalt  }
0x5d: {  	_ =	shalt  }
0x5e: {  	_ =	shalt  }
0x5f: {  	_ =	shalt  }
0x60: {  	_ =	shalt  }
0x61: {  	_ =	shalt  }
0x62: {  	_ =	shalt  }
0x63: {  	_ =	shalt  }
0x64: {  	_ =	shalt  }
0x65: {  	_ =	shalt  }
0x66: {  	_ =	shalt  }
0x67: {  	_ =	shalt  }
0x68: {  	_ =	shalt  }
0x69: {  	_ =	shalt  }
0x6a: {  	_ =	shalt  }
0x6b: {  	_ =	shalt  }
0x6c: {  	_ =	shalt  }
0x6d: {  	_ =	shalt  }
0x6e: {  	_ =	shalt  }
0x6f: {  	_ =	shalt  }
0x70: {  	_ =	shalt  }
0x71: {  	_ =	shalt  }
0x72: {  	_ =	shalt  }
0x73: {  	_ =	shalt  }
0x74: {  	_ =	shalt  }
0x75: {  	_ =	shalt  }
0x76: {  	_ =	shalt  }
0x77: {  	_ =	shalt  }
0x78: {  	_ =	shalt  }
0x79: {  	_ =	shalt  }
0x7a: {  	_ =	shalt  }
0x7b: {  	_ =	shalt  }
0x7c: {  	_ =	shalt  }
0x7d: {  	_ =	shalt  }
0x7e: {  	_ =	shalt  }
0x7f: {  	_ =	shalt  }
0x80: {  	_ =	shalt  }
0x81: {  	_ =	shalt  }
0x82: {  	_ =	shalt  }
0x83: {  	_ =	shalt  }
0x84: {  	_ =	shalt  }
0x85: {  	_ =	shalt  }
0x86: {  	_ =	shalt  }
0x87: {  	_ =	shalt  }
.Lfunc_end0:
.L_simem_size_0:
called_computation.1_lowered:
.L_overlay_start_0:
0x88: {  	s2 =	sld [smem:$0x3FD9]  }
0x89: {  	s3 =	sld [smem:$0x3FFE];
	_ =	sdelay $0x1  }
0x8a: {  	s1 =	srdreg.scid  }
0x8b: {  	s0 =	sand.u32 $0x1, s1  }
0x8c: {  	s17 =	sshll.u32 s0, $0xA;
	s2 =	sadd.s32 s3, s2  }
0x8d: {  	s2 =	sadd.s32 s2, s17  }
0x8e: {  	[smem:$0x3FBA] =	sst s2  }
0x8f: {  	_ = 	snop  }
0x90: {  	s18 =	sld [smem:$0x3FD0];
	(tm) =	ssettm $0x1  }
0x91: {  	s19 =	sld [smem:$0x3FFB];
	_ =	sdelay $0x3  }
0x92: {  	_ =	strace s19  }
0x93: {  	s2 =	sld [smem:$0x3FFC];
	_ =	sdelay $0x3  }
0x94: {  	_ =	strace s2  }
0x95: {  	s2 =	sld [smem:$0x3FFD];
	_ =	sdelay $0x3  }
0x96: {  	_ =	strace s2  }
0x97: {  	_ =	strace $0x8FFFFFFF  }
0x98: {  	s20 =	sld [smem:$0x3FDB];
	_ =	sdelay $0x1  }
0x99: {  	s4 =	simm.s32 $_scs_section_size  }
0x9a: {  	s5 =	simm.s32 $_size__tile_overlayer_lowered;
	s6 =	simm.s32 $_tile_overlayer_lowered  }
0x9b: {  	s7 =	simm.s32 $0x1BFF;
	s21 =	sshll.u32 s6, $0x1;
	s4 =	sadd.s32 s4, s20  }
0x9c: {  	s22 =	simm.s32 $0x0;
	s5 =	sshll.u32 s5, $0x1;
	s6 =	sadd.s32 s21, s4  }
0x9d: {  	[timem:s22], [sflag:s7] =	dma.local [hbm:s6], s5  }
0x9e: {  	_ =	swait.ge [sflag:s7], s5  }
0x9f: {  	s5 =	ssub.s32 $0x0, s5;
	[sflag:s7] =	ssyncset.done $0x0  }
0xa0: {  	[sflag:s7] =	ssyncadd.s32 s5;
	_ =	sdelay $0x1  }
0xa1: {  	s23 =	simm.s32 $0x1B8B  }
0xa2: {  	_ =	swait.ge [sflag:s23], $0x1  }
0xa3: {  	[sflag:s23] =	ssyncset.done $0x0  }
0xa4: {  	[sflag:s23] =	ssyncadd.s32 $0xFFFFFFFF  }
0xa5: {  	s5 =	sld [smem:$0x0]  }
0xa6: {  	s6 =	sand.u32 $0xFFFFFFFE, s1  }
0xa7: {  	p0 =	sne.s32 s1, s6  }
0xa8: {  	s6 =	sshll.u32 @p0 s6, $0xE  }
0xa9: {  	s6 =	sadd.s32 @p0 $0x11B8D, s6;
	s7 =	sshll.u32 @p0 s5, $0x11  }
0xaa: {  	s6 =	sor.u32 @p0 s7, s6  }
0xab: {  	[sflag:s6] =	ssyncadd.remote.s32 @p0 $0x1;
	_ =	sdelay $0x1  }
0xac: {  	s6 =	simm.s32 @p0 $0x1B8D  }
0xad: {  	_ =	swait.eq @p0 [sflag:s6], $0x1  }
0xae: {  	[sflag:s6] =	ssyncadd.s32 @p0 $0xFFFFFFFF  }
0xaf: {  	s7 =	sshll.u32 @!p0 s1, $0xE  }
0xb0: {  	s7 =	sor.u32 @!p0 $0x4000, s7;
	s6 =	simm.s32 @!p0 $0x1B8D  }
0xb1: {  	s5 =	sshll.u32 @!p0 s5, $0x11;
	s7 =	sadd.s32 @!p0 $0x11B8D, s7;
	_ =	swait.eq @!p0 [sflag:s6], $0x1  }
0xb2: {  	s5 =	sor.u32 @!p0 s5, s7;
	[sflag:s6] =	ssyncadd.s32 @!p0 $0xFFFFFFFF  }
0xb3: {  	s25 =	simm.s32 $0x1B8E;
	s24 =	sld [smem:$0x3FFE];
	[sflag:s5] =	ssyncadd.remote.s32 @!p0 $0x1  }
0xb4: {  	s26 =	simm.s32 $execute0_lowered;
	[smem:$0x3FD2] =	sst s25  }
0xb5: {  	s6 =	sshll.u32 s26, $0x1;
	_ =	strace $0x80000049;
	[dreg:$0x1] =	wrdreg $0xFFFFFFFF  }
0xb6: {  	s28 =	simm.s32 $_size_execute0_lowered;
	s4 =	sadd.s32 s4, s6;
	[dreg:$0x0] =	wrdreg $0x0  }
0xb7: {  	s6 =	sshll.u32 s28, $0x1;
	[dreg:$0x2] =	wrdreg s4  }
0xb8: {  	[dreg:$0x3] =	wrdreg s6  }
0xb9: {  	[dreg:$0x4] =	wrdreg $0xC0  }
0xba: {  	_ =	task [dreg:s22], $0x5FFFF  }
0xbb: {  	[dreg:$0x1] =	wrdreg $0xFFFFFFFF  }
0xbc: {  	[dreg:$0x0] =	wrdreg $0x60  }
0xbd: {  	[dreg:$0x2] =	wrdreg s18  }
0xbe: {  	[dreg:$0x3] =	wrdreg s24  }
0xbf: {  	[dreg:$0x4] =	wrdreg $0xA  }
0xc0: {  	_ =	task.clear_ibuf [dreg:s22], $0x5FFFF;
	_ =	strace $0x90000049  }
0xc1: {  	s29 =	simm.s32 $0xA;
	_ =	strace $0x8000004B  }
0xc2: {  	_ =	swait.ge [sflag:s29], $0x1  }
0xc3: {  	[sflag:s29] =	ssyncadd.s32 $0xFFFFFFFF  }
0xc4: {  	_ =	strace $0x9000004B  }
0xc5: {  	_ =	sfence  }
0xc6: {  	s30 =	sld [smem:$0x0];
	_ =	sdelay $0x2  }
0xc7: {  	s31 =	sshll.u32 s1, $0xD;
	s1 =	sshrl.u32 s1, $0x2  }
0xc8: {  	s4 =	sand.u32 $0x4000, s31;
	s1 =	sadd.s32 s1, s30  }
0xc9: {  	s0 =	sor.u32 s4, s0;
	s1 =	sshll.u32 s1, $0x11  }
0xca: {  	s0 =	sor.u32 s1, s0  }
0xcb: {  	s0 =	sadd.s32 $0x8F2B, s0  }
0xcc: {  	[sflag:s0] =	ssyncadd.remote.s32 $0x1  }
0xcd: {  	_ =	sfence.sel $0xFFFF  }
0xce: {  	[dreg:$0x0] =	wrdreg $0xFFFFFFFF;
	(pc) =	sbr.abs _section_cstart, $3  }
0xcf: {  	[dreg:$0x1] =	wrdreg $0xFFFFFFFF  }
0xd0: {  	_ =	task.clear_ibuf [dreg:s22], $0x2FFFF;
	_ =	strace $0x9FFFFFFF  }
0xd1: {  	(tm) =	ssettm $0x7FFFFFFF  }
tec
execute0_lowered:
.L_overlay_start_1:
0x0: {  	(tag) =	ssettag $0x1  }
0x1: {  	s1 =	rddreg [dreg:$0x0]  }
0x2: {  	s0 =	rddreg [dreg:$0x1];
	s3 =	simm.s32 $0x0;
	s2 =	srdreg.scid  }
0x3: {  	s8 =	stileid.u32;
	s19 =	simm.s32 $0x7;
	s28 =	simm.s32 $0x200  }
0x4: {  	s29 =	simm.s32 $0x280;
	s30 =	simm.s32 $0x8300;
	s31 =	simm.s32 $0xA300  }
0x5: {  	s2 =	sand.u32 $0x1, s2;
	s4 =	sadd.s32 $0x61E200, s0;
	s7 =	sadd.s32 $0x631C00, s0  }
0x6: {  	s5 =	sshll.u32 s8, $0x1;
	s12 =	smul.u32 $0x4E20, s8;
	s8 =	sadd.s32 $0x645800, s0  }
0x7: {  	s6 =	sor.u32 s2, s5;
	s10 =	ssub.s32 $0x2, s2;
	s2 =	smul.u32 $0x2710, s2  }
0x8: {  	[smem:$0x7FF] =	sst s3;
	s9 =	sadd.s32 $0x8B6800, s0;
	s6 =	smul.u32 $0x2710, s6  }
0x9: {  	_ =	strace $0x8000004A;
	s5 =	sadd.s32 $0x63BA00, s0;
	s11 =	sshrl.u32 s10, $0x1  }
0xa: {  	s20 =	ssub.s32 s10, s11;
	s2 =	sadd.s32 s2, s12;
	s21 =	sshrl.u32 s6, $0x3  }
0xb: {  	s11 =	sadd.s32 $0x80, s6;
	s2 =	sadd.s32 $0x200, s2;
	s0 =	smax.u32 s20, $0x1  }
0xc: {  	s15 =	sadd.s32 $0x180, s6;
	s22 =	sadd.s32 s5, s21;
	[dreg:$0x7] =	wrdreg s0  }
0xd: {  	s10 =	sadd.s32 s7, s21;
	s23 =	sshrl.u32 s11, $0x3;
	[dreg:$0x3] =	wrdreg s22  }
0xe: {  	s2 =	sshrl.u32 s2, $0x3;
	[dreg:$0x4] =	wrdreg s10;
	s24 =	sadd.s32 s5, s23  }
.Ltmp0:
0xf: {  	s10 =	sadd.s32 s7, s23;
	[dreg:$0x5] =	wrdreg s24;
	(pc) =	sbr.rel .LBB2_1-.Ltmp0, $4  }
0x10: {  	s20 =	simm.s32 $0x80;
	s25 =	sadd.s32 s2, s7;
	[dreg:$0x6] =	wrdreg s10  }
0x11: {  	s21 =	simm.s32 $0x300;
	s26 =	sadd.s32 s2, s5;
	[dreg:$0x8] =	wrdreg s25  }
0x12: {  	s0 =	simm.s32 $0x1;
	s22 =	simm.s32 $0x2300;
	[dreg:$0x9] =	wrdreg s26  }
0x13: {  	s25 =	simm.s32 $0x6;
	s26 =	simm.s32 $0x2;
	s10 =	simm.s32 $0x0  }
.LBB2_7:
0x14: {  	s2 =	simm.s32 $0x4  }
0x15: {  	_ =	swait.ge [sflag:s2], $0x2000  }
0x16: {  	[sflag:s2] =	ssyncset.done $0x0  }
0x17: {  	[sflag:s2] =	ssyncadd.s32 $0xFFFFE000  }
0x18: {  	_ =	swait.ge [sflag:s2], $0x2000  }
0x19: {  	[sflag:s2] =	ssyncset.done $0x0  }
0x1a: {  	[sflag:s2] =	ssyncadd.s32 $0xFFFFE000  }
0x1b: {  	_ =	swait.ge [sflag:s25], $0x2000  }
0x1c: {  	[sflag:s25] =	ssyncset.done $0x0  }
0x1d: {  	[sflag:s25] =	ssyncadd.s32 $0xFFFFE000  }
0x1e: {  	_ =	swait.ge [sflag:s25], $0x2000  }
0x1f: {  	[sflag:s25] =	ssyncset.done $0x0  }
0x20: {  	[sflag:s25] =	ssyncadd.s32 $0xFFFFE000  }
0x21: {  	_ =	swait.ge [sflag:s26], $0x2000  }
0x22: {  	[sflag:s26] =	ssyncset.done $0x0  }
0x23: {  	[sflag:s26] =	ssyncadd.s32 $0xFFFFE000  }
0x24: {  	_ =	swait.ge [sflag:s26], $0x2000  }
0x25: {  	s10 =	sadd.s32 $0x1, s10;
	s24 =	rddreg [dreg:$0x7]  }
0x26: {  	p0 =	sne.s32 s10, s24  }
.Ltmp1:
0x27: {  	_ = 	snop;
	(pc) =	sbr.rel @!p0 .LBB2_8-.Ltmp1, $3  }
0x28: {  	_ =	sdelay $0x1  }
0x29: {  	[sflag:s26] =	ssyncset.done $0x0  }
0x2a: {  	[sflag:s26] =	ssyncadd.s32 $0xFFFFE000  }
.LBB2_1:
0x2b: {  	s2 =	rddreg [dreg:$0x3]  }
0x2c: {  	[tilespmem:s3], [sflag:$0x7] =	stream.linear.gather [hbm4b:s2+s3], $0x80, $0x38;
	[tilespmem:$0xC300] =	vst v63  }
0x2d: {  	_ =	swait.ge [sflag:s19], $0x80  }
0x2e: {  	[sflag:s19] =	ssyncset.done $0x0  }
0x2f: {  	s16 =	rddreg [dreg:$0x4];
	[sflag:s19] =	ssyncadd.s32 $0xFFFFFF80  }
0x30: {  	[tilespmem:s20], [sflag:$0x7] =	stream.linear.gather [hbm4b:s16+s3], $0x80, $0x38;
	[tilespmem:$0xC300] =	vst v63  }
0x31: {  	_ =	swait.ge [sflag:s19], $0x80  }
0x32: {  	[sflag:s19] =	ssyncset.done $0x0  }
0x33: {  	[sflag:s19] =	ssyncadd.s32 $0xFFFFFF80  }
0x34: {  	[tilespmem:s21], [sflag:$0x1] =	stream.indirect.gather [hbm4b:s1+s20], $0x40, s3, s20, $0xb8;
	[tilespmem:$0xC300] =	vst v63  }
0x35: {  	_ = 	snop  }
0x36: {  	[tilespmem:s22], [sflag:$0x1] =	stream.indirect.gather [hbm4b:s4+s20], $0x40, s20, s20, $0xb8;
	[tilespmem:$0xC300] =	vst v63  }
0x37: {  	s12 =	simm.s32 $0x100;
	s17 =	rddreg [dreg:$0x5]  }
0x38: {  	[tilespmem:s12], [sflag:$0x7] =	stream.linear.gather [hbm4b:s17+s3], $0x80, $0x38;
	[tilespmem:$0xC300] =	vst v63  }
0x39: {  	_ =	swait.ge [sflag:s19], $0x80  }
0x3a: {  	[sflag:s19] =	ssyncset.done $0x0  }
0x3b: {  	s13 =	simm.s32 $0x180;
	s18 =	rddreg [dreg:$0x6];
	[sflag:s19] =	ssyncadd.s32 $0xFFFFFF80  }
0x3c: {  	[tilespmem:s13], [sflag:$0x7] =	stream.linear.gather [hbm4b:s18+s3], $0x80, $0x38;
	[tilespmem:$0xC300] =	vst v63  }
0x3d: {  	_ =	swait.ge [sflag:s19], $0x80  }
.Ltmp2:
0x3e: {  	s23 =	simm.s32 $0x4300;
	[sflag:s19] =	ssyncset.done $0x0;
	(pc) =	sbr.rel .LBB2_2-.Ltmp2, $4  }
0x3f: {  	s24 =	simm.s32 $0x6300;
	s18 =	rddreg [dreg:$0x9];
	[sflag:s19] =	ssyncadd.s32 $0xFFFFFF80  }
0x40: {  	[tilespmem:s23], [sflag:$0x3] =	stream.indirect.gather [hbm4b:s1+s20], $0x40, s12, s20, $0xb8;
	[tilespmem:$0xC300] =	vst v63  }
0x41: {  	s14 =	simm.s32 $0x0;
	s16 =	simm.s32 $0x0;
	s17 =	rddreg [dreg:$0x8]  }
0x42: {  	[tilespmem:s24], [sflag:$0x3] =	stream.indirect.gather [hbm4b:s4+s20], $0x40, s13, s20, $0xb8;
	[tilespmem:$0xC300] =	vst v63  }
.LBB2_5:
0x43: {  	s13 =	sadd.s32 $0x100, s14  }
0x44: {  	s13 =	smin.u32 s13, $0x2690  }
0x45: {  	s13 =	sadd.s32 s6, s13  }
0x46: {  	s13 =	sshrl.u32 s13, $0x3  }
0x47: {  	s23 =	sadd.s32 s5, s13  }
0x48: {  	[tilespmem:s28], [sflag:$0x7] =	stream.linear.gather [hbm4b:s23+s3], $0x80, $0x38;
	[tilespmem:$0xC300] =	vst v63  }
0x49: {  	_ =	swait.ge [sflag:s19], $0x80  }
0x4a: {  	[sflag:s19] =	ssyncset.done $0x0  }
0x4b: {  	s13 =	sadd.s32 s7, s13;
	[sflag:s19] =	ssyncadd.s32 $0xFFFFFF80  }
0x4c: {  	[tilespmem:s29], [sflag:$0x7] =	stream.linear.gather [hbm4b:s13+s3], $0x80, $0x38;
	[tilespmem:$0xC300] =	vst v63  }
0x4d: {  	_ =	swait.ge [sflag:s19], $0x80  }
0x4e: {  	[sflag:s19] =	ssyncset.done $0x0  }
0x4f: {  	[sflag:s19] =	ssyncadd.s32 $0xFFFFFF80  }
0x50: {  	[tilespmem:s30], [sflag:$0x5] =	stream.indirect.gather [hbm4b:s1+s20], $0x40, s28, s20, $0xb8;
	[tilespmem:$0xC300] =	vst v63  }
0x51: {  	_ = 	snop  }
0x52: {  	[tilespmem:s31], [sflag:$0x5] =	stream.indirect.gather [hbm4b:s4+s20], $0x40, s29, s20, $0xb8;
	[tilespmem:$0xC300] =	vst v63  }
.LBB2_6:
0x53: {  	_ =	swait.ge [sflag:s0], $0x2000  }
0x54: {  	s13 =	smin.u32 s14, $0x2690;
	[sflag:s0] =	ssyncset.done $0x0  }
0x55: {  	s13 =	sadd.s32 s6, s13;
	[sflag:s0] =	ssyncadd.s32 $0xFFFFE000  }
0x56: {  	s13 =	sshll.u32 s13, $0x3;
	_ =	swait.ge [sflag:s0], $0x2000  }
0x57: {  	s13 =	sand.u32 $0x7FFF80, s13;
	[sflag:s0] =	ssyncset.done $0x0  }
0x58: {  	s23 =	sadd.s32 s8, s13;
	[sflag:s0] =	ssyncadd.s32 $0xFFFFE000  }
0x59: {  	[hbm4b:s23+s3] =	stream.linear.scatter [tilespmem:s21], [sflag:$0x2], $0x2000, $0x38;
	[tilespmem:$0xC300] =	vst v63  }
0x5a: {  	p0 =	seq.s32 s14, $0x2700;
	s13 =	sadd.s32 s9, s13  }
0x5b: {  	[hbm4b:s13+s3] =	stream.linear.scatter [tilespmem:s22], [sflag:$0x2], $0x2000, $0x38;
	[tilespmem:$0xC300] =	vst v63  }
0x5c: {  	s13 =	simm.s32 @!p0 $0x2  }
0x5d: {  	_ =	swait.ge @!p0 [sflag:s13], $0x2000  }
0x5e: {  	[sflag:s13] =	ssyncset.done @!p0 $0x0  }
0x5f: {  	s23 =	smin.u32 @!p0 s14, $0x2510;
	[sflag:s13] =	ssyncadd.s32 @!p0 $0xFFFFE000  }
0x60: {  	s23 =	sadd.s32 @!p0 s23, s15;
	_ =	swait.ge @!p0 [sflag:s13], $0x2000  }
0x61: {  	s23 =	sshrl.u32 @!p0 s23, $0x3;
	[sflag:s13] =	ssyncset.done @!p0 $0x0  }
0x62: {  	s12 =	sadd.s32 @!p0 s5, s23;
	[sflag:s13] =	ssyncadd.s32 @!p0 $0xFFFFE000;
	s13 =	simm.s32 @!p0 $0x0  }
0x63: {  	[tilespmem:s13], [sflag:$0x7] =	stream.linear.gather @!p0 [hbm4b:s12+s13], $0x80, $0x38;
	[tilespmem:$0xC300] =	vst v63  }
0x64: {  	s12 =	simm.s32 @!p0 $0x7  }
0x65: {  	_ =	swait.ge @!p0 [sflag:s12], $0x80  }
0x66: {  	[sflag:s12] =	ssyncset.done @!p0 $0x0  }
0x67: {  	s24 =	simm.s32 @!p0 $0x80;
	s23 =	sadd.s32 @!p0 s7, s23;
	[sflag:s12] =	ssyncadd.s32 @!p0 $0xFFFFFF80  }
0x68: {  	[tilespmem:s24], [sflag:$0x7] =	stream.linear.gather @!p0 [hbm4b:s23+s13], $0x80, $0x38;
	[tilespmem:$0xC300] =	vst v63  }
0x69: {  	_ =	swait.ge @!p0 [sflag:s12], $0x80  }
0x6a: {  	[sflag:s12] =	ssyncset.done @!p0 $0x0  }
0x6b: {  	[sflag:s12] =	ssyncadd.s32 @!p0 $0xFFFFFF80;
	s12 =	simm.s32 @!p0 $0x300  }
0x6c: {  	[tilespmem:s12], [sflag:$0x1] =	stream.indirect.gather @!p0 [hbm4b:s1+s24], $0x40, s13, s24, $0xb8;
	[tilespmem:$0xC300] =	vst v63  }
0x6d: {  	s12 =	simm.s32 @!p0 $0x2300  }
0x6e: {  	[tilespmem:s12], [sflag:$0x1] =	stream.indirect.gather @!p0 [hbm4b:s4+s24], $0x40, s24, s24, $0xb8;
	[tilespmem:$0xC300] =	vst v63  }
0x6f: {  	s12 =	simm.s32 @!p0 $0x3  }
0x70: {  	_ =	swait.ge @!p0 [sflag:s12], $0x2000  }
0x71: {  	s23 =	smin.u32 @!p0 s14, $0x2610;
	[sflag:s12] =	ssyncset.done @!p0 $0x0  }
0x72: {  	s23 =	sadd.s32 @!p0 s23, s11;
	[sflag:s12] =	ssyncadd.s32 @!p0 $0xFFFFE000  }
0x73: {  	s23 =	sshll.u32 @!p0 s23, $0x3;
	_ =	swait.ge @!p0 [sflag:s12], $0x2000  }
0x74: {  	p1 =	sgt.u32 @!p0 s16, $0x18;
	s23 =	sand.u32 @!p0 $0xFFFF80, s23;
	[sflag:s12] =	ssyncset.done @!p0 $0x0  }
0x75: {  	s24 =	simm.s32 @!p0 $0x4300;
	[sflag:s12] =	ssyncadd.s32 @!p0 $0xFFFFE000;
	s12 =	sadd.s32 @!p0 s8, s23  }
0x76: {  	[hbm4b:s12+s13] =	stream.linear.scatter @!p0 [tilespmem:s24], [sflag:$0x4], $0x2000, $0x38;
	[tilespmem:$0xC300] =	vst v63  }
0x77: {  	p1 =	por p1, p0;
	s12 =	sadd.s32 @!p0 s9, s23;
	s23 =	simm.s32 @!p0 $0x6300  }
0x78: {  	[hbm4b:s12+s13] =	stream.linear.scatter @!p0 [tilespmem:s23], [sflag:$0x4], $0x2000, $0x38;
	[tilespmem:$0xC300] =	vst v63  }
0x79: {  	s12 =	simm.s32 @!p1 $0x4  }
0x7a: {  	_ =	swait.ge @!p1 [sflag:s12], $0x2000  }
0x7b: {  	[sflag:s12] =	ssyncset.done @!p1 $0x0  }
0x7c: {  	[sflag:s12] =	ssyncadd.s32 @!p1 $0xFFFFE000  }
0x7d: {  	_ =	swait.ge @!p1 [sflag:s12], $0x2000  }
0x7e: {  	s24 =	simm.s32 @!p1 $0x7;
	[sflag:s12] =	ssyncset.done @!p1 $0x0  }
0x7f: {  	s23 =	simm.s32 @!p1 $0x100;
	[sflag:s12] =	ssyncadd.s32 @!p1 $0xFFFFE000;
	s12 =	simm.s32 @!p1 $0x0  }
0x80: {  	[tilespmem:s23], [sflag:$0x7] =	stream.linear.gather @!p1 [hbm4b:s18+s12], $0x80, $0x38;
	[tilespmem:$0xC300] =	vst v63  }
0x81: {  	_ =	swait.ge @!p1 [sflag:s24], $0x80  }
0x82: {  	[sflag:s24] =	ssyncset.done @!p1 $0x0  }
0x83: {  	s2 =	simm.s32 @!p1 $0x180;
	[sflag:s24] =	ssyncadd.s32 @!p1 $0xFFFFFF80  }
0x84: {  	[tilespmem:s2], [sflag:$0x7] =	stream.linear.gather @!p1 [hbm4b:s17+s12], $0x80, $0x38;
	[tilespmem:$0xC300] =	vst v63  }
0x85: {  	_ =	swait.ge @!p1 [sflag:s24], $0x80  }
0x86: {  	[sflag:s24] =	ssyncset.done @!p1 $0x0  }
0x87: {  	s12 =	simm.s32 @!p1 $0x80;
	[sflag:s24] =	ssyncadd.s32 @!p1 $0xFFFFFF80;
	s24 =	simm.s32 @!p1 $0x4300  }
0x88: {  	[tilespmem:s24], [sflag:$0x3] =	stream.indirect.gather @!p1 [hbm4b:s1+s12], $0x40, s23, s12, $0xb8;
	[tilespmem:$0xC300] =	vst v63  }
0x89: {  	s23 =	simm.s32 @!p1 $0x6300  }
0x8a: {  	[tilespmem:s23], [sflag:$0x3] =	stream.indirect.gather @!p1 [hbm4b:s4+s12], $0x40, s2, s12, $0xb8;
	[tilespmem:$0xC300] =	vst v63  }
0x8b: {  	s16 =	sadd.s32 @!p0 $0x1, s16;
	s2 =	simm.s32 @!p0 $0x5  }
0x8c: {  	s18 =	sadd.s32 @!p0 $0x30, s18;
	s12 =	sadd.s32 @!p0 $0x100, s14;
	_ =	swait.ge @!p0 [sflag:s2], $0x2000  }
0x8d: {  	s14 =	sadd.s32 @!p0 $0x180, s14;
	s12 =	smin.u32 @!p0 s12, $0x2690;
	[sflag:s2] =	ssyncset.done @!p0 $0x0  }
0x8e: {  	p1 =	sne.s32 @!p0 s14, $0x2880;
	s12 =	sadd.s32 @!p0 s6, s12;
	[sflag:s2] =	ssyncadd.s32 @!p0 $0xFFFFE000  }
0x8f: {  	p1 =	por p0, !p1;
	s12 =	sshll.u32 @!p0 s12, $0x3;
	_ =	swait.ge @!p0 [sflag:s2], $0x2000  }
.Ltmp3:
0x90: {  	s12 =	sand.u32 @!p0 $0x7FFF80, s12;
	[sflag:s2] =	ssyncset.done @!p0 $0x0;
	(pc) =	sbr.rel @p1 .LBB2_7-.Ltmp3, $4  }
0x91: {  	s23 =	simm.s32 @!p0 $0x8300;
	[sflag:s2] =	ssyncadd.s32 @!p0 $0xFFFFE000;
	s2 =	sadd.s32 @!p0 s8, s12  }
0x92: {  	[hbm4b:s2+s13] =	stream.linear.scatter @!p0 [tilespmem:s23], [sflag:$0x6], $0x2000, $0x38;
	[tilespmem:$0xC300] =	vst v63  }
0x93: {  	s17 =	sadd.s32 @!p0 $0x30, s17;
	s2 =	sadd.s32 @!p0 s9, s12;
	s12 =	simm.s32 @!p0 $0xA300  }
0x94: {  	[hbm4b:s2+s13] =	stream.linear.scatter @!p0 [tilespmem:s12], [sflag:$0x6], $0x2000, $0x38;
	[tilespmem:$0xC300] =	vst v63  }
.LBB2_2:
0x95: {  	p0 =	seq.s32 s14, $0x0  }
.Ltmp4:
0x96: {  	_ = 	snop;
	(pc) =	sbr.rel @p0 .LBB2_5-.Ltmp4, $1  }
0x97: {  	_ =	sdelay $0x3  }
0x98: {  	p0 =	seq.s32 s14, $0x2700  }
.Ltmp5:
0x99: {  	_ = 	snop;
	(pc) =	sbr.rel @p0 .LBB2_6-.Ltmp5, $1  }
0x9a: {  	_ =	sdelay $0x3  }
0x9b: {  	_ =	swait.ge [sflag:s25], $0x2000  }
.Ltmp6:
0x9c: {  	[sflag:s25] =	ssyncset.done $0x0;
	(pc) =	sbr.rel .LBB2_5-.Ltmp6, $4  }
0x9d: {  	[sflag:s25] =	ssyncadd.s32 $0xFFFFE000  }
0x9e: {  	_ =	swait.ge [sflag:s25], $0x2000  }
0x9f: {  	[sflag:s25] =	ssyncset.done $0x0  }
0xa0: {  	[sflag:s25] =	ssyncadd.s32 $0xFFFFE000  }
.LBB2_8:
0xa1: {  	_ =	sfence.sel $0x180000  }
0xa2: {  	[bflag:$0x0] =	sbarrier.arrive $0xFFFF  }
0xa3: {  	_ =	strace $0x9000004A  }
0xa4: {  	s0 =	stileid.u32;
	[bflag:$0x2] =	sbarrier.arrive $0xFFFF  }
0xa5: {  	p0 =	sne.s32 s0, $0x0;
	s0 =	rddreg [dreg:$0x2]  }
0xa6: {  	s0 =	sadd.s32 @!p0 $0x100000, s0  }
0xa7: {  	[sflag:s0] =	ssyncadd.tile.s32 @!p0 $0x1;
	_ =	shalt  }
.Lfunc_end2:
_tile_overlayer_lowered:
.L_overlay_start_2:
0xa8: {  	(tag) =	ssettag $0x2  }
0xa9: {  	s0 =	rddreg [dreg:$0x0];
	s2 =	stileid.u32  }
0xaa: {  	s1 =	rddreg [dreg:$0x1];
	p0 =	sne.s32 s2, $0x0  }
0xab: {  	s3 =	rddreg [dreg:$0x2];
	[bflag:$0x3] =	sbarrier.arrive $0xFFFF;
	s2 =	simm.s32 @!p0 $0x1C07  }
0xac: {  	[timem:s3], [sflag:s2] =	dma.local @!p0 [hbm:s0], s1  }
0xad: {  	s0 =	simm.s32 @!p0 $0x7  }
0xae: {  	_ =	swait.ge @!p0 [sflag:s0], s1  }
0xaf: {  	s1 =	ssub.s32 @!p0 $0x0, s1;
	[sflag:s0] =	ssyncset.done @!p0 $0x0  }
0xb0: {  	[sflag:s0] =	ssyncadd.s32 @!p0 s1  }
0xb1: {  	[bflag:$0x3] =	sbarrier.arrive $0xFFFF  }
0xb2: {  	_ =	shalt  }

// kernel: sparse-core-data-format-call.cloned.1.call-start
scs
called_computation_lowered:
.L_overlay_start_0:
0x0: {  	s1 =	sld [smem:$0x3FD9]  }
0x1: {  	s2 =	sld [smem:$0x3FFE];
	_ =	sdelay $0x1  }
0x2: {  	s3 =	srdreg.scid  }
0x3: {  	s0 =	sand.u32 $0x1, s3  }
0x4: {  	s17 =	sshll.u32 s0, $0xA;
	s1 =	sadd.s32 s2, s1  }
0x5: {  	s1 =	sadd.s32 s1, s17  }
0x6: {  	[smem:$0x3FBA] =	sst s1  }
0x7: {  	_ = 	snop  }
0x8: {  	(tm) =	ssettm $0x1  }
0x9: {  	s18 =	sld [smem:$0x3FFB];
	_ =	sdelay $0x3  }
0xa: {  	_ =	strace s18  }
0xb: {  	s1 =	sld [smem:$0x3FFC];
	_ =	sdelay $0x3  }
0xc: {  	_ =	strace s1  }
0xd: {  	s1 =	sld [smem:$0x3FFD];
	_ =	sdelay $0x3  }
0xe: {  	_ =	strace s1  }
0xf: {  	_ =	strace $0x8FFFFFFF  }
0x10: {  	s19 =	sld [smem:$0x3FDB];
	_ =	sdelay $0x1  }
0x11: {  	s20 =	simm.s32 $_scs_section_size  }
0x12: {  	s4 =	simm.s32 $_size__tile_overlayer_lowered;
	s5 =	simm.s32 $_tile_overlayer_lowered  }
0x13: {  	s23 =	simm.s32 $0x1BFF;
	s22 =	sshll.u32 s5, $0x1;
	s1 =	sadd.s32 s20, s19  }
0x14: {  	s6 =	simm.s32 $0x0;
	s21 =	sshll.u32 s4, $0x1;
	s4 =	sadd.s32 s22, s1  }
0x15: {  	[timem:s6], [sflag:s23] =	dma.local [hbm:s4], s21  }
0x16: {  	_ =	swait.ge [sflag:s23], s21  }
0x17: {  	s2 =	ssub.s32 $0x0, s21;
	[sflag:s23] =	ssyncset.done $0x0  }
0x18: {  	[sflag:s23] =	ssyncadd.s32 s2;
	_ =	sdelay $0x1  }
0x19: {  	s24 =	simm.s32 $0x1B8B  }
0x1a: {  	_ =	swait.ge [sflag:s24], $0x1  }
0x1b: {  	[sflag:s24] =	ssyncset.done $0x0  }
0x1c: {  	s26 =	simm.s32 $0x1B8E;
	s25 =	sld [smem:$0x3FFE];
	[sflag:s24] =	ssyncadd.s32 $0xFFFFFFFF  }
0x1d: {  	s27 =	simm.s32 $execute0_lowered;
	[smem:$0x3FD2] =	sst s26  }
0x1e: {  	s4 =	sshll.u32 s27, $0x1;
	_ =	strace $0x80000046;
	[dreg:$0x1] =	wrdreg $0xFFFFFFFF  }
0x1f: {  	s28 =	simm.s32 $_size_execute0_lowered;
	s1 =	sadd.s32 s1, s4;
	[dreg:$0x0] =	wrdreg $0x0  }
0x20: {  	s4 =	sshll.u32 s28, $0x1;
	[dreg:$0x2] =	wrdreg s1  }
0x21: {  	[dreg:$0x3] =	wrdreg s4  }
0x22: {  	[dreg:$0x4] =	wrdreg $0xC0  }
0x23: {  	_ =	task [dreg:s6], $0x5FFFF  }
0x24: {  	[dreg:$0x1] =	wrdreg $0xFFFFFFFF  }
0x25: {  	[dreg:$0x0] =	wrdreg $0x60  }
0x26: {  	[dreg:$0x2] =	wrdreg s25  }
0x27: {  	[dreg:$0x3] =	wrdreg $0x9  }
0x28: {  	_ =	task.clear_ibuf [dreg:s6], $0x4FFFF;
	_ =	strace $0x90000046  }
0x29: {  	s29 =	simm.s32 $0x9;
	_ =	strace $0x80000048  }
0x2a: {  	_ =	swait.ge [sflag:s29], $0x1  }
0x2b: {  	[sflag:s29] =	ssyncadd.s32 $0xFFFFFFFF  }
0x2c: {  	_ =	strace $0x90000048  }
0x2d: {  	_ =	sfence  }
0x2e: {  	s30 =	sld [smem:$0x0];
	_ =	sdelay $0x2  }
0x2f: {  	s31 =	sshll.u32 s3, $0xD;
	s3 =	sshrl.u32 s3, $0x2  }
0x30: {  	s2 =	sand.u32 $0x4000, s31;
	s1 =	sadd.s32 s3, s30  }
0x31: {  	s0 =	sor.u32 s2, s0;
	s1 =	sshll.u32 s1, $0x11  }
0x32: {  	s0 =	sor.u32 s1, s0  }
0x33: {  	s0 =	sadd.s32 $0x8F2B, s0  }
0x34: {  	[sflag:s0] =	ssyncadd.remote.s32 $0x1  }
0x35: {  	_ =	sfence.sel $0xFFFF  }
0x36: {  	[dreg:$0x0] =	wrdreg $0xFFFFFFFF;
	(pc) =	sbr.abs _section_cstart, $3  }
0x37: {  	[dreg:$0x1] =	wrdreg $0xFFFFFFFF  }
0x38: {  	_ =	task.clear_ibuf [dreg:s6], $0x2FFFF;
	_ =	strace $0x9FFFFFFF  }
0x39: {  	(tm) =	ssettm $0x7FFFFFFF  }
tec
execute0_lowered:
.L_overlay_start_1:
0x0: {  	(tag) =	ssettag $0x1  }
0x1: {  	s0 =	srdreg.scid  }
0x2: {  	s6 =	rddreg [dreg:$0x0];
	s7 =	simm.s32 $0x1;
	s1 =	sshll.u32 s0, $0x4  }
0x3: {  	s8 =	simm.s32 $0x2;
	s0 =	stileid.u32;
	s1 =	sand.u32 $0x10, s1  }
0x4: {  	s13 =	simm.s32 $0x0;
	s12 =	simm.s32 $0x0;
	s1 =	sor.u32 s0, s1  }
0x5: {  	s10 =	simm.s32 $0x0;
	s11 =	simm.s32 $0x0;
	s2 =	sshll.u32 s1, $0x9  }
0x6: {  	s3 =	sadd.s32 $0x3A00, s6;
	s6 =	sadd.s32 $0x13C200, s6;
	s5 =	ssub.s32 $0x4E200, s2  }
.Ltmp0:
0x7: {  	s1 =	rddreg [dreg:$0x1];
	s4 =	sand.u32 $0x3E00, s5;
	(pc) =	sbr.rel .LBB1_1-.Ltmp0, $4  }
0x8: {  	_ =	strace $0x80000047;
	s9 =	smov.u32 s2;
	p0 =	sne.s32 s4, $0x0  }
0x9: {  	s5 =	sshrl.u32 s5, $0xE;
	s4 =	simm.s32 $0x1;
	s7 =	simm.s32 @!p0 $0x0  }
0xa: {  	[sflag:s4] =	ssyncpa.u1 $0x0;
	p0 =	por $0x0, $0x0;
	s5 =	sadd.s32 s7, s5  }
0xb: {  	[sflag:s8] =	ssyncpa.u1 $0x0;
	s8 =	simm.s32 $0x80;
	s7 =	sadd.s32 $0x1, s5  }
.LBB1_4:
0xc: {  	_ = 	snop  }
0xd: {  	[tilespmem:s18+$0x2D60 ss:$0x21] =	vst.msk $0xffff, v7  }
0xe: {  	[tilespmem:s18+$0x2F70 ss:$0x21] =	vst.msk $0xffff, v6  }
0xf: {  	[tilespmem:s18+$0x3390 ss:$0x21] =	vst.msk $0xffff, v3  }
0x10: {  	s21 =	sor.u32 s24, s23;
	v31 =	vld.idx.msk [tilespmem:v0+s16+$0xC70 ss:$0x1], $0xffff;
	[tilespmem:s18+$0x35A0 ss:$0x21] =	vst.msk $0xffff, v1  }
0x11: {  	[tilespmem:s18+$0x37B0 ss:$0x21] =	vst.msk $0xffff, v2;
	v43 =	vld.idx.msk [tilespmem:v0+s21+$0x410 ss:$0x1], $0xffff  }
0x12: {  	[tilespmem:s18+$0x39C0 ss:$0x21] =	vst.msk $0xffff, v4;
	v44 =	vld.idx.msk [tilespmem:v0+s21+$0x420 ss:$0x1], $0xffff  }
0x13: {  	[tilespmem:s18+$0x3BD0 ss:$0x21] =	vst.msk $0xffff, v5;
	s22 =	sand.u32 $0x3200, s21;
	v45 =	vld.idx.msk [tilespmem:v0+s21+$0x430 ss:$0x1], $0xffff  }
0x14: {  	s20 =	sand.u32 $0x180, s20;
	s25 =	sshra.s32 s19, $0x2;
	[tilespmem:s18+$0x3DE0 ss:$0x21] =	vst.msk $0xffff, v8;
	v46 =	vld.idx.msk [tilespmem:v0+s21+$0x440 ss:$0x1], $0xffff;
	s15 =	sadd.s32 s22, s15  }
0x15: {  	v47 =	vld.idx.msk [tilespmem:v0+s21+$0x450 ss:$0x1], $0xffff;
	s24 =	sadd.s32 s20, s15;
	s15 =	sadd.s32 s25, s17;
	[tilespmem:s18+$0x3FF0 ss:$0x21] =	vst.msk $0xffff, v31  }
0x16: {  	v48 =	vld.idx.msk [tilespmem:v0+s21+$0x460 ss:$0x1], $0xffff;
	[tilespmem:s15+$0x1290 ss:$0x21] =	vst.msk $0xffff, v43  }
0x17: {  	v49 =	vld.idx.msk [tilespmem:v0+s21+$0x470 ss:$0x1], $0xffff;
	[tilespmem:s15+$0x14A0 ss:$0x21] =	vst.msk $0xffff, v44  }
0x18: {  	v50 =	vld.idx.msk [tilespmem:v0+s21+$0x810 ss:$0x1], $0xffff;
	[tilespmem:s15+$0x16B0 ss:$0x21] =	vst.msk $0xffff, v45  }
0x19: {  	v51 =	vld.idx.msk [tilespmem:v0+s21+$0x820 ss:$0x1], $0xffff;
	[tilespmem:s15+$0x18C0 ss:$0x21] =	vst.msk $0xffff, v46  }
0x1a: {  	v52 =	vld.idx.msk [tilespmem:v0+s21+$0x830 ss:$0x1], $0xffff;
	[tilespmem:s15+$0x1AD0 ss:$0x21] =	vst.msk $0xffff, v47  }
0x1b: {  	v53 =	vld.idx.msk [tilespmem:v0+s21+$0x840 ss:$0x1], $0xffff;
	[tilespmem:s15+$0x1CE0 ss:$0x21] =	vst.msk $0xffff, v48  }
0x1c: {  	v54 =	vld.idx.msk [tilespmem:v0+s21+$0x850 ss:$0x1], $0xffff;
	[tilespmem:s15+$0x1EF0 ss:$0x21] =	vst.msk $0xffff, v49  }
0x1d: {  	v55 =	vld.idx.msk [tilespmem:v0+s21+$0x860 ss:$0x1], $0xffff;
	[tilespmem:s15+$0x2310 ss:$0x21] =	vst.msk $0xffff, v50  }
0x1e: {  	v56 =	vld.idx.msk [tilespmem:v0+s21+$0x870 ss:$0x1], $0xffff;
	[tilespmem:s15+$0x2520 ss:$0x21] =	vst.msk $0xffff, v51  }
0x1f: {  	v57 =	vld.idx.msk [tilespmem:v0+s21+$0xC10 ss:$0x1], $0xffff;
	[tilespmem:s15+$0x2730 ss:$0x21] =	vst.msk $0xffff, v52  }
0x20: {  	v58 =	vld.idx.msk [tilespmem:v0+s21+$0xC20 ss:$0x1], $0xffff;
	[tilespmem:s15+$0x2940 ss:$0x21] =	vst.msk $0xffff, v53  }
0x21: {  	v59 =	vld.idx.msk [tilespmem:v0+s21+$0xC30 ss:$0x1], $0xffff;
	[tilespmem:s15+$0x2B50 ss:$0x21] =	vst.msk $0xffff, v54  }
0x22: {  	v60 =	vld.idx.msk [tilespmem:v0+s21+$0xC40 ss:$0x1], $0xffff;
	[tilespmem:s15+$0x2D60 ss:$0x21] =	vst.msk $0xffff, v55  }
0x23: {  	v61 =	vld.idx.msk [tilespmem:v0+s21+$0xC50 ss:$0x1], $0xffff;
	[tilespmem:s15+$0x2F70 ss:$0x21] =	vst.msk $0xffff, v56  }
0x24: {  	v62 =	vld.idx.msk [tilespmem:v0+s21+$0xC60 ss:$0x1], $0xffff;
	[tilespmem:s15+$0x3390 ss:$0x21] =	vst.msk $0xffff, v57  }
0x25: {  	v63 =	vld.idx.msk [tilespmem:v0+s21+$0xC70 ss:$0x1], $0xffff;
	[tilespmem:s15+$0x35A0 ss:$0x21] =	vst.msk $0xffff, v58  }
0x26: {  	v32 =	vld [tilespmem:s24+$0xC00];
	[tilespmem:s15+$0x37B0 ss:$0x21] =	vst.msk $0xffff, v59  }
0x27: {  	v33 =	vld [tilespmem:s24+$0x0];
	[tilespmem:s15+$0x39C0 ss:$0x21] =	vst.msk $0xffff, v60  }
0x28: {  	v34 =	vld [tilespmem:s24+$0x10];
	[tilespmem:s15+$0x3BD0 ss:$0x21] =	vst.msk $0xffff, v61  }
0x29: {  	s13 =	sshll.u32 s13, $0x7;
	s26 =	sshll.u32 s12, $0x3;
	v35 =	vld [tilespmem:s24+$0x20];
	[tilespmem:s15+$0x3DE0 ss:$0x21] =	vst.msk $0xffff, v62  }
0x2a: {  	s27 =	sand.u32 $0xFFFFFC00, s13;
	s16 =	sand.u32 $0xFFFFFC00, s26;
	v36 =	vld [tilespmem:s24+$0x30];
	[tilespmem:s15+$0x3FF0 ss:$0x21] =	vst.msk $0xffff, v63  }
0x2b: {  	s13 =	sand.u32 $0x380, s13;
	s16 =	sadd.s32 s16, s27;
	v37 =	vld [tilespmem:s24+$0x40];
	[tilespmem:s15+$0x3180 ss:$0x21] =	vst.msk $0xffff, v32  }
0x2c: {  	s13 =	sor.u32 s13, s16;
	v38 =	vld [tilespmem:s24+$0x50];
	[tilespmem:s15+$0x0 ss:$0x21] =	vst.msk $0xffff, v33  }
0x2d: {  	v39 =	vld [tilespmem:s24+$0x60];
	s13 =	sshrl.u32 s13, $0x7;
	[tilespmem:s15+$0x210 ss:$0x21] =	vst.msk $0xffff, v34  }
0x2e: {  	v40 =	vld [tilespmem:s24+$0x70];
	s28 =	smulhi.u32 $0x1A36E2F, s13;
	[tilespmem:s15+$0x420 ss:$0x21] =	vst.msk $0xffff, v35  }
0x2f: {  	v41 =	vld [tilespmem:s24+$0x400];
	[tilespmem:s15+$0x630 ss:$0x21] =	vst.msk $0xffff, v36  }
0x30: {  	v42 =	vld [tilespmem:s24+$0x800];
	s16 =	sshrl.u32 s28, $0xB;
	[tilespmem:s15+$0x840 ss:$0x21] =	vst.msk $0xffff, v37  }
0x31: {  	s16 =	smul.u32 $0x4E200, s16;
	[tilespmem:s15+$0xA50 ss:$0x21] =	vst.msk $0xffff, v38  }
0x32: {  	s29 =	sshrl.u32 s12, $0x3;
	[tilespmem:s15+$0xC60 ss:$0x21] =	vst.msk $0xffff, v39  }
0x33: {  	s31 =	sand.u32 $0x7, s12;
	s30 =	sand.u32 $0xF, s29;
	[tilespmem:s15+$0xE70 ss:$0x21] =	vst.msk $0xffff, v40;
	s13 =	ssub.s32 s13, s16  }
0x34: {  	s12 =	sshll.u32 s31, $0x12;
	[tilespmem:s15+$0x1080 ss:$0x21] =	vst.msk $0xffff, v41;
	s16 =	sadd.s32 s6, s30;
	s13 =	sshll.u32 s13, $0x4  }
0x35: {  	s12 =	sor.u32 $0x20, s12;
	[tilespmem:s15+$0x2100 ss:$0x21] =	vst.msk $0xffff, v42;
	s13 =	sadd.s32 s13, s16  }
0x36: {  	[hbm4b:s13+s12] =	stream.strided.scatter [tilespmem:s14], [sflag:$0x2], $0x4000, s8, s12, $0x10;
	[tilespmem:$0x10400] =	vst v63  }
.LBB1_5:
0x37: {  	s14 =	sadd.s32 $0x4000, s9  }
0x38: {  	s12 =	sadd.s32 $0x20, s10;
	s16 =	smov.u32 s10;
	p2 =	sgt.s32 s14, $0x4E1FF  }
0x39: {  	s16 =	smov.u32 @p2 s12  }
0x3a: {  	s14 =	smov.u32 @p2 s2;
	p2 =	sgt.s32 s16, $0x1F  }
0x3b: {  	s16 =	simm.s32 @p2 $0x0;
	p2 =	sne.s32 s11, s7  }
.Ltmp1:
0x3c: {  	p1 =	slt.u32 s11, $0x2;
	(pc) =	sbr.rel @!p2 .LBB1_6-.Ltmp1, $4  }
0x3d: {  	s15 =	simm.s32 @!p1 $0x2  }
0x3e: {  	s13 =	smov.u32 s9;
	p0 =	por !p0, !p0;
	_ =	swait.ge @!p1 [sflag:s15], $0x4000  }
0x3f: {  	s12 =	smov.u32 s10;
	[sflag:s15] =	ssyncset.done @!p1 $0x0;
	s9 =	smov.u32 s14  }
0x40: {  	s11 =	sadd.s32 $0x1, s11;
	[sflag:s15] =	ssyncadd.s32 @!p1 $0xFFFFC000;
	s10 =	smov.u32 s16  }
.LBB1_1:
0x41: {  	p1 =	sge.u32 s11, s5  }
0x42: {  	s14 =	sshrl.u32 @!p1 s10, $0x3  }
0x43: {  	s15 =	sshll.u32 @!p1 s9, $0x3;
	s14 =	smul.u32 @!p1 $0x271000, s14  }
0x44: {  	s16 =	sshll.u32 @!p1 s10, $0x7;
	s15 =	sand.u32 @!p1 $0xFFFFFC00, s15  }
0x45: {  	s14 =	sadd.s32 @!p1 s14, s15;
	s15 =	sand.u32 @!p1 $0x380, s16  }
0x46: {  	s16 =	sand.u32 @!p1 $0x7F, s9;
	s14 =	sor.u32 @!p1 s15, s14  }
0x47: {  	s15 =	sor.u32 @!p1 s16, s14  }
0x48: {  	s16 =	smulhi.u32 @!p1 $0xD1B71759, s15;
	_ =	sdelay $0x1  }
0x49: {  	s14 =	smulhi.u32 @!p1 $0xD1B71759, s14;
	s16 =	sshrl.u32 @!p1 s16, $0x12  }
0x4a: {  	s16 =	smul.u32 @!p1 $0x4E200, s16  }
0x4b: {  	s31 =	sadd.s32 $0xFFFFFFFF, s11;
	s17 =	sxor.u32 @!p1 $0xFFFFFFFF, s11;
	s14 =	sshrl.u32 @!p1 s14, $0x12  }
0x4c: {  	s17 =	sshll.u32 @!p1 s17, $0xE;
	s14 =	sand.u32 @!p1 $0x1F, s14;
	s15 =	ssub.s32 @!p1 s15, s16  }
0x4d: {  	s14 =	smul.u32 @!p1 $0x9C40, s14;
	s16 =	sshrl.u32 @!p1 s15, $0x3;
	s15 =	sand.u32 @!p1 $0x7, s15  }
0x4e: {  	s17 =	sand.u32 @!p1 $0x4000, s17;
	s16 =	sadd.s32 @!p1 s3, s16;
	s15 =	sshll.u32 @!p1 s15, $0x12  }
0x4f: {  	s14 =	sadd.s32 @!p1 s14, s16;
	s15 =	sor.u32 @!p1 $0x1000, s15;
	s16 =	simm.s32 @!p1 $0x271000  }
0x50: {  	[tilespmem:s17], [sflag:$0x1] =	stream.strided.gather @!p1 [hbm4b:s14+s15], $0x4000, s16, s15, $0x38;
	[tilespmem:$0x10400] =	vst v63  }
0x51: {  	p1 =	sge.u32 s31, s5  }
.Ltmp2:
0x52: {  	_ = 	snop;
	(pc) =	sbr.rel @p1 .LBB1_5-.Ltmp2, $1  }
0x53: {  	_ =	sdelay $0x3  }
0x54: {  	s17 =	simm.s32 $0x0  }
0x55: {  	s16 =	sand.u32 $0x3000, s17;
	s18 =	sand.u32 $0x380, s17  }
0x56: {  	s14 =	sand.u32 $0x1, s11;
	s16 =	sor.u32 s18, s16  }
0x57: {  	_ =	swait.ge [sflag:s4], $0x4000;
	s15 =	sshll.u32 s14, $0xE;
	s18 =	sand.u32 $0x3200, s16  }
0x58: {  	[sflag:s4] =	ssyncset.done $0x0;
	s17 =	sand.u32 $0x180, s17;
	s18 =	sadd.s32 s18, s15  }
0x59: {  	[sflag:s4] =	ssyncadd.s32 $0xFFFFC000;
	s20 =	sadd.s32 s17, s18  }
0x5a: {  	v4 =	vld [tilespmem:s20+$0xC00]  }
0x5b: {  	s19 =	simm.s32 $0x1;
	v0 =	vmov s15;
	v5 =	vld [tilespmem:s20+$0x0]  }
0x5c: {  	s19 =	simm.s32 @!p0 $0x0;
	v6 =	vld [tilespmem:s20+$0x10]  }
0x5d: {  	s31 =	smul.u32 $0x10800, s19;
	v7 =	vld [tilespmem:s20+$0x20]  }
0x5e: {  	v8 =	vld [tilespmem:s20+$0x30]  }
0x5f: {  	s17 =	sshrl.u32 s31, $0x2;
	v9 =	vld [tilespmem:s20+$0x40]  }
0x60: {  	s17 =	sor.u32 $0x8000, s17;
	v1 =	vld.idx.msk [tilespmem:v0+s16+$0x410 ss:$0x1], $0xffff  }
0x61: {  	v2 =	vld.idx.msk [tilespmem:v0+s16+$0x420 ss:$0x1], $0xffff;
	s18 =	sadd.s32 $0x0, s17  }
0x62: {  	v3 =	vld.idx.msk [tilespmem:v0+s16+$0x430 ss:$0x1], $0xffff;
	[tilespmem:s18+$0x3180 ss:$0x21] =	vst.msk $0xffff, v4  }
0x63: {  	v10 =	vld.idx.msk [tilespmem:v0+s16+$0x820 ss:$0x1], $0xffff;
	[tilespmem:s18+$0x0 ss:$0x21] =	vst.msk $0xffff, v5  }
0x64: {  	v11 =	vld.idx.msk [tilespmem:v0+s16+$0x830 ss:$0x1], $0xffff;
	[tilespmem:s18+$0x210 ss:$0x21] =	vst.msk $0xffff, v6  }
0x65: {  	v12 =	vld.idx.msk [tilespmem:v0+s16+$0x840 ss:$0x1], $0xffff;
	[tilespmem:s18+$0x420 ss:$0x21] =	vst.msk $0xffff, v7  }
0x66: {  	v13 =	vld.idx.msk [tilespmem:v0+s16+$0x850 ss:$0x1], $0xffff;
	[tilespmem:s18+$0x630 ss:$0x21] =	vst.msk $0xffff, v8  }
0x67: {  	v4 =	vld [tilespmem:s20+$0x50];
	[tilespmem:s18+$0x840 ss:$0x21] =	vst.msk $0xffff, v9  }
0x68: {  	v5 =	vld [tilespmem:s20+$0x60];
	[tilespmem:s18+$0x1290 ss:$0x21] =	vst.msk $0xffff, v1  }
0x69: {  	v6 =	vld [tilespmem:s20+$0x70];
	[tilespmem:s18+$0x14A0 ss:$0x21] =	vst.msk $0xffff, v2  }
0x6a: {  	v7 =	vld [tilespmem:s20+$0x400];
	[tilespmem:s18+$0x16B0 ss:$0x21] =	vst.msk $0xffff, v3  }
0x6b: {  	v8 =	vld [tilespmem:s20+$0x800];
	[tilespmem:s18+$0x2520 ss:$0x21] =	vst.msk $0xffff, v10  }
0x6c: {  	v9 =	vld.idx.msk [tilespmem:v0+s16+$0x470 ss:$0x1], $0xffff;
	[tilespmem:s18+$0x2730 ss:$0x21] =	vst.msk $0xffff, v11  }
0x6d: {  	v3 =	vld.idx.msk [tilespmem:v0+s16+$0xC10 ss:$0x1], $0xffff;
	[tilespmem:s18+$0x2940 ss:$0x21] =	vst.msk $0xffff, v12  }
0x6e: {  	v1 =	vld.idx.msk [tilespmem:v0+s16+$0xC20 ss:$0x1], $0xffff;
	[tilespmem:s18+$0x2B50 ss:$0x21] =	vst.msk $0xffff, v13  }
0x6f: {  	v2 =	vld.idx.msk [tilespmem:v0+s16+$0xC30 ss:$0x1], $0xffff;
	[tilespmem:s18+$0xA50 ss:$0x21] =	vst.msk $0xffff, v4  }
0x70: {  	[tilespmem:s18+$0xE70 ss:$0x21] =	vst.msk $0xffff, v6;
	v6 =	vld.idx.msk [tilespmem:v0+s16+$0x460 ss:$0x1], $0xffff  }
0x71: {  	v4 =	vld.idx.msk [tilespmem:v0+s16+$0x440 ss:$0x1], $0xffff;
	[tilespmem:s18+$0xC60 ss:$0x21] =	vst.msk $0xffff, v5  }
0x72: {  	v5 =	vld.idx.msk [tilespmem:v0+s16+$0x450 ss:$0x1], $0xffff;
	[tilespmem:s18+$0x1080 ss:$0x21] =	vst.msk $0xffff, v7  }
0x73: {  	[tilespmem:s18+$0x2100 ss:$0x21] =	vst.msk $0xffff, v8;
	v8 =	vld.idx.msk [tilespmem:v0+s16+$0x810 ss:$0x1], $0xffff  }
0x74: {  	v7 =	vld.idx.msk [tilespmem:v0+s16+$0x860 ss:$0x1], $0xffff;
	[tilespmem:s18+$0x1EF0 ss:$0x21] =	vst.msk $0xffff, v9  }
0x75: {  	s14 =	smul.u32 $0x10800, s14;
	[tilespmem:s18+$0x1CE0 ss:$0x21] =	vst.msk $0xffff, v6;
	v6 =	vld.idx.msk [tilespmem:v0+s16+$0x870 ss:$0x1], $0xffff  }
0x76: {  	s21 =	simm.s32 $0x200;
	s22 =	simm.s32 $0x8;
	[tilespmem:s18+$0x18C0 ss:$0x21] =	vst.msk $0xffff, v4;
	v4 =	vld.idx.msk [tilespmem:v0+s16+$0xC40 ss:$0x1], $0xffff  }
0x77: {  	s23 =	sand.u32 $0x3000, s21;
	s14 =	sshrl.u32 s14, $0x2;
	s20 =	simm.s32 $0x80;
	[tilespmem:s18+$0x1AD0 ss:$0x21] =	vst.msk $0xffff, v5;
	v5 =	vld.idx.msk [tilespmem:v0+s16+$0xC50 ss:$0x1], $0xffff  }
0x78: {  	s19 =	simm.s32 $0x4;
	s14 =	sor.u32 $0x8000, s14;
	s24 =	sand.u32 $0x380, s20;
	[tilespmem:s18+$0x2310 ss:$0x21] =	vst.msk $0xffff, v8;
	v8 =	vld.idx.msk [tilespmem:v0+s16+$0xC60 ss:$0x1], $0xffff  }
.LBB1_3:
0x79: {  	p1 =	sne.s32 s22, $0x7C;
	[tilespmem:s18+$0x2D60 ss:$0x21] =	vst.msk $0xffff, v7;
	v7 =	vld.idx.msk [tilespmem:v0+s16+$0xC70 ss:$0x1], $0xffff;
	s16 =	sor.u32 s24, s23  }
0x7a: {  	s23 =	sand.u32 $0x3200, s16;
	v9 =	vld.idx.msk [tilespmem:v0+s16+$0x410 ss:$0x1], $0xffff;
	[tilespmem:s18+$0x2F70 ss:$0x21] =	vst.msk $0xffff, v6  }
0x7b: {  	s24 =	sand.u32 $0x180, s20;
	s23 =	sadd.s32 s23, s15;
	v6 =	vld.idx.msk [tilespmem:v0+s16+$0x420 ss:$0x1], $0xffff;
	[tilespmem:s18+$0x3390 ss:$0x21] =	vst.msk $0xffff, v3  }
0x7c: {  	s23 =	sadd.s32 s24, s23;
	v3 =	vld.idx.msk [tilespmem:v0+s16+$0x430 ss:$0x1], $0xffff;
	[tilespmem:s18+$0x35A0 ss:$0x21] =	vst.msk $0xffff, v1  }
0x7d: {  	v1 =	vld [tilespmem:s23+$0xC00];
	[tilespmem:s18+$0x37B0 ss:$0x21] =	vst.msk $0xffff, v2  }
0x7e: {  	v2 =	vld [tilespmem:s23+$0x0];
	[tilespmem:s18+$0x39C0 ss:$0x21] =	vst.msk $0xffff, v4  }
0x7f: {  	v4 =	vld [tilespmem:s23+$0x10];
	[tilespmem:s18+$0x3BD0 ss:$0x21] =	vst.msk $0xffff, v5  }
0x80: {  	s24 =	sshra.s32 s19, $0x2;
	s19 =	smov.u32 s22;
	v5 =	vld [tilespmem:s23+$0x20];
	[tilespmem:s18+$0x3DE0 ss:$0x21] =	vst.msk $0xffff, v8  }
0x81: {  	v8 =	vld [tilespmem:s23+$0x30];
	[tilespmem:s18+$0x3FF0 ss:$0x21] =	vst.msk $0xffff, v7;
	s18 =	sadd.s32 s24, s17  }
0x82: {  	v7 =	vld [tilespmem:s23+$0x40];
	[tilespmem:s18+$0x3180 ss:$0x21] =	vst.msk $0xffff, v1  }
0x83: {  	[tilespmem:s18+$0x0 ss:$0x21] =	vst.msk $0xffff, v2;
	v1 =	vld [tilespmem:s23+$0x50]  }
0x84: {  	[tilespmem:s18+$0x210 ss:$0x21] =	vst.msk $0xffff, v4;
	v2 =	vld [tilespmem:s23+$0x60]  }
0x85: {  	[tilespmem:s18+$0x420 ss:$0x21] =	vst.msk $0xffff, v5;
	v4 =	vld [tilespmem:s23+$0x70]  }
0x86: {  	[tilespmem:s18+$0x630 ss:$0x21] =	vst.msk $0xffff, v8;
	v5 =	vld [tilespmem:s23+$0x400]  }
0x87: {  	[tilespmem:s18+$0x840 ss:$0x21] =	vst.msk $0xffff, v7;
	v7 =	vld [tilespmem:s23+$0x800]  }
0x88: {  	[tilespmem:s18+$0xA50 ss:$0x21] =	vst.msk $0xffff, v1;
	v1 =	vld.idx.msk [tilespmem:v0+s16+$0x440 ss:$0x1], $0xffff  }
0x89: {  	[tilespmem:s18+$0xC60 ss:$0x21] =	vst.msk $0xffff, v2;
	v2 =	vld.idx.msk [tilespmem:v0+s16+$0x450 ss:$0x1], $0xffff  }
0x8a: {  	[tilespmem:s18+$0xE70 ss:$0x21] =	vst.msk $0xffff, v4;
	v4 =	vld.idx.msk [tilespmem:v0+s16+$0x460 ss:$0x1], $0xffff  }
0x8b: {  	[tilespmem:s18+$0x1080 ss:$0x21] =	vst.msk $0xffff, v5;
	v5 =	vld.idx.msk [tilespmem:v0+s16+$0x470 ss:$0x1], $0xffff  }
0x8c: {  	[tilespmem:s18+$0x2100 ss:$0x21] =	vst.msk $0xffff, v7;
	v8 =	vld.idx.msk [tilespmem:v0+s16+$0x810 ss:$0x1], $0xffff  }
0x8d: {  	[tilespmem:s18+$0x1290 ss:$0x21] =	vst.msk $0xffff, v9;
	v9 =	vld.idx.msk [tilespmem:v0+s16+$0x820 ss:$0x1], $0xffff  }
0x8e: {  	[tilespmem:s18+$0x14A0 ss:$0x21] =	vst.msk $0xffff, v6;
	v10 =	vld.idx.msk [tilespmem:v0+s16+$0x830 ss:$0x1], $0xffff  }
0x8f: {  	[tilespmem:s18+$0x16B0 ss:$0x21] =	vst.msk $0xffff, v3;
	v11 =	vld.idx.msk [tilespmem:v0+s16+$0x840 ss:$0x1], $0xffff  }
0x90: {  	[tilespmem:s18+$0x18C0 ss:$0x21] =	vst.msk $0xffff, v1;
	v12 =	vld.idx.msk [tilespmem:v0+s16+$0x850 ss:$0x1], $0xffff  }
0x91: {  	[tilespmem:s18+$0x1AD0 ss:$0x21] =	vst.msk $0xffff, v2;
	v7 =	vld.idx.msk [tilespmem:v0+s16+$0x860 ss:$0x1], $0xffff  }
0x92: {  	[tilespmem:s18+$0x1CE0 ss:$0x21] =	vst.msk $0xffff, v4;
	v6 =	vld.idx.msk [tilespmem:v0+s16+$0x870 ss:$0x1], $0xffff  }
0x93: {  	[tilespmem:s18+$0x1EF0 ss:$0x21] =	vst.msk $0xffff, v5;
	v3 =	vld.idx.msk [tilespmem:v0+s16+$0xC10 ss:$0x1], $0xffff  }
.Ltmp3:
0x94: {  	[tilespmem:s18+$0x2310 ss:$0x21] =	vst.msk $0xffff, v8;
	v1 =	vld.idx.msk [tilespmem:v0+s16+$0xC20 ss:$0x1], $0xffff;
	(pc) =	sbr.rel @p1 .LBB1_3-.Ltmp3, $4  }
0x95: {  	[tilespmem:s18+$0x2520 ss:$0x21] =	vst.msk $0xffff, v9;
	v2 =	vld.idx.msk [tilespmem:v0+s16+$0xC30 ss:$0x1], $0xffff  }
0x96: {  	[tilespmem:s18+$0x2730 ss:$0x21] =	vst.msk $0xffff, v10;
	v4 =	vld.idx.msk [tilespmem:v0+s16+$0xC40 ss:$0x1], $0xffff  }
0x97: {  	s20 =	sadd.s32 $0x80, s20;
	s21 =	sadd.s32 $0x200, s21;
	[tilespmem:s18+$0x2940 ss:$0x21] =	vst.msk $0xffff, v11;
	v5 =	vld.idx.msk [tilespmem:v0+s16+$0xC50 ss:$0x1], $0xffff  }
0x98: {  	s22 =	sadd.s32 $0x4, s22;
	s24 =	sand.u32 $0x380, s20;
	s23 =	sand.u32 $0x3000, s21;
	[tilespmem:s18+$0x2B50 ss:$0x21] =	vst.msk $0xffff, v12;
	v8 =	vld.idx.msk [tilespmem:v0+s16+$0xC60 ss:$0x1], $0xffff  }
.Ltmp4:
0x99: {  	_ = 	snop;
	(pc) =	sbr.rel .LBB1_4-.Ltmp4, $1  }
0x9a: {  	_ =	sdelay $0x3  }
.LBB1_6:
0x9b: {  	_ =	sfence.sel $0x180000  }
0x9c: {  	s2 =	simm.s32 $0x1;
	[bflag:$0x0] =	sbarrier.arrive $0xFFFF  }
0x9d: {  	s31 =	simm.s32 $0x2;
	[sflag:s2] =	ssyncpa.u1 $0x1  }
0x9e: {  	[sflag:s31] =	ssyncpa.u1 $0x1  }
0x9f: {  	p0 =	sne.s32 s0, $0x0;
	_ =	strace $0x90000047  }
0xa0: {  	s0 =	sadd.s32 @!p0 $0x100000, s1;
	[bflag:$0x2] =	sbarrier.arrive $0xFFFF  }
0xa1: {  	[sflag:s0] =	ssyncadd.tile.s32 @!p0 $0x1;
	_ =	shalt  }
.Lfunc_end1:
_tile_overlayer_lowered:
.L_overlay_start_2:
0xa2: {  	(tag) =	ssettag $0x2  }
0xa3: {  	s0 =	rddreg [dreg:$0x0];
	s2 =	stileid.u32  }
0xa4: {  	s1 =	rddreg [dreg:$0x1];
	p0 =	sne.s32 s2, $0x0  }
0xa5: {  	s3 =	rddreg [dreg:$0x2];
	[bflag:$0x3] =	sbarrier.arrive $0xFFFF;
	s2 =	simm.s32 @!p0 $0x1C01  }
0xa6: {  	[timem:s3], [sflag:s2] =	dma.local @!p0 [hbm:s0], s1  }
0xa7: {  	s0 =	simm.s32 @!p0 $0x1  }
0xa8: {  	_ =	swait.ge @!p0 [sflag:s0], s1  }
0xa9: {  	s1 =	ssub.s32 @!p0 $0x0, s1;
	[sflag:s0] =	ssyncset.done @!p0 $0x0  }
0xaa: {  	[sflag:s0] =	ssyncadd.s32 @!p0 s1  }
0xab: {  	[bflag:$0x3] =	sbarrier.arrive $0xFFFF  }
0xac: {  	_ =	shalt  }

</sc_bundles>
